<compile_context>
chip_gen: v7x
topology: tpu7x:2x2x1
jax: 0.10.2.dev20260603
libtpu: 0.0.44.dev20260713+nightly
codegen_flags: <defaults>
</compile_context>

<pallas_src>
import functools
import math

import jax
import jax.numpy as jnp
from jax import lax
from jax.experimental import pallas as pl
from jax.experimental.pallas import tpu as pltpu
from jax.experimental.pallas import tpu_sc as plsc

N = 10000
E = 320000
D = 128
DH = D // 2
NC = 2
NS = 16
EPS = E // NS
CHUNK = 128
NFULL = EPS // CHUNK
TAILC = EPS - NFULL * CHUNK
IDXROWS = 160
NBUF = 4
NACC = N
RPS = 624
WTAIL = N - NS * RPS

_INV = 1.0 / math.sqrt(1.0 + 1e-5)


def _segment_sum_sc(hL, hR, srcm, srct, dstm, dstt):
    mesh = plsc.VectorSubcoreMesh(
        core_axis_name="c", subcore_axis_name="s", num_cores=NC, num_subcores=NS
    )

    @functools.partial(
        pl.kernel,
        out_type=jax.ShapeDtypeStruct((NC, N, DH), jnp.float32),
        mesh=mesh,
        compiler_params=pltpu.CompilerParams(use_tc_tiling_on_sc=False),
        scratch_types=[
            pltpu.VMEM((IDXROWS, CHUNK), jnp.int32),
            pltpu.VMEM((IDXROWS, CHUNK), jnp.int32),
            pltpu.VMEM((TAILC,), jnp.int32),
            pltpu.VMEM((TAILC,), jnp.int32),
            [pltpu.VMEM((CHUNK, DH), jnp.float32) for _ in range(NBUF)],
            pltpu.VMEM((TAILC, DH), jnp.float32),
            pltpu.VMEM_SHARED((NACC, DH), jnp.float32),
            [pltpu.SemaphoreType.DMA for _ in range(NBUF)],
            [pltpu.SemaphoreType.DMA for _ in range(NBUF)],
        ],
    )
    def k(hL_hbm, hR_hbm, src_hbm, srct_hbm, dst_hbm, dstt_hbm,
          out_hbm, srcv, dstv, srctv, dsttv, rows, rowst, acc, gsem, ssem):
        cid = lax.axis_index("c")
        sid = lax.axis_index("s")
        r0 = sid * RPS

        pltpu.sync_copy(src_hbm.at[pl.ds(sid * IDXROWS, IDXROWS), :], srcv)
        pltpu.sync_copy(dst_hbm.at[pl.ds(sid * IDXROWS, IDXROWS), :], dstv)
        pltpu.sync_copy(srct_hbm.at[pl.ds(sid * TAILC, TAILC)], srctv)
        pltpu.sync_copy(dstt_hbm.at[pl.ds(sid * TAILC, TAILC)], dsttv)
        @pl.when(cid == 0)
        def _():
            pltpu.sync_copy(hL_hbm.at[pl.ds(r0, RPS)], acc.at[pl.ds(r0, RPS)])

            @pl.when(sid == NS - 1)
            def _():
                pltpu.sync_copy(hL_hbm.at[pl.ds(NS * RPS, WTAIL)],
                                acc.at[pl.ds(NS * RPS, WTAIL)])

        @pl.when(cid == 1)
        def _():
            pltpu.sync_copy(hR_hbm.at[pl.ds(r0, RPS)], acc.at[pl.ds(r0, RPS)])

            @pl.when(sid == NS - 1)
            def _():
                pltpu.sync_copy(hR_hbm.at[pl.ds(NS * RPS, WTAIL)],
                                acc.at[pl.ds(NS * RPS, WTAIL)])

        plsc.subcore_barrier()

        def run_pass(h_hbm):
            def gather(i, b):
                return pltpu.make_async_copy(h_hbm.at[srcv.at[i]], rows[b],
                                             gsem[b])

            def scatter(i, b):
                return pltpu.make_async_copy(rows[b], acc.at[dstv.at[i]],
                                             ssem[b])

            for b in range(NBUF):
                gather(b, b).start()

            @pl.loop(0, (NFULL - NBUF) // NBUF)
            def _(j):
                i0 = j * NBUF
                for b in range(NBUF):
                    gather(i0 + b, b).wait()
                    scatter(i0 + b, b).start(add=True)
                for b in range(NBUF):
                    scatter(i0 + b, b).wait()
                    gather(i0 + NBUF + b, b).start()

            i0 = NFULL - NBUF
            for b in range(NBUF):
                gather(i0 + b, b).wait()
                scatter(i0 + b, b).start(add=True)
            for b in range(NBUF):
                scatter(i0 + b, b).wait()

            pltpu.async_copy(h_hbm.at[srctv], rowst, gsem[0]).wait()
            pltpu.sync_copy(rowst, acc.at[dsttv], add=True)

        @pl.when(cid == 0)
        def _():
            run_pass(hL_hbm)

        @pl.when(cid == 1)
        def _():
            run_pass(hR_hbm)

        plsc.subcore_barrier()
        pltpu.sync_copy(acc.at[pl.ds(r0, RPS)], out_hbm.at[cid].at[pl.ds(r0, RPS)])

        @pl.when(sid == NS - 1)
        def _():
            pltpu.sync_copy(acc.at[pl.ds(NS * RPS, WTAIL)],
                            out_hbm.at[cid].at[pl.ds(NS * RPS, WTAIL)])

    return k(hL, hR, srcm, srct, dstm, dstt)


def _mlp0_body(pL_ref, pR_ref, w1t_ref, b1_ref, g1_ref, be1_ref,
               w2t_ref, b2_ref, g0_ref, be0_ref, oL_ref, oR_ref):
    t = jnp.concatenate([pL_ref[...], pR_ref[...]], axis=1)
    a = jnp.dot(t, w1t_ref[...], preferred_element_type=jnp.float32) + b1_ref[...]
    a = jnp.maximum(a * (_INV * g1_ref[...]) + be1_ref[...], 0.0)
    h = jnp.dot(a, w2t_ref[...], preferred_element_type=jnp.float32) + b2_ref[...]
    h = jnp.maximum(h * (_INV * g0_ref[...]) + be0_ref[...], 0.0)
    oL_ref[...] = h[:, :DH]
    oR_ref[...] = h[:, DH:]


def _head_body(pL_ref, pR_ref, w1t_ref, b1_ref, g1_ref, be1_ref,
               w2t_ref, b2_ref, wct_ref, bc_ref, wst_ref, bs_ref,
               wmt_ref, bm_ref, main_ref, sim_ref, he_ref):
    t = jnp.concatenate([pL_ref[...], pR_ref[...]], axis=1)
    a = jnp.dot(t, w1t_ref[...], preferred_element_type=jnp.float32) + b1_ref[...]
    a = jnp.maximum(a * (_INV * g1_ref[...]) + be1_ref[...], 0.0)
    h2 = jnp.dot(a, w2t_ref[...], preferred_element_type=jnp.float32) + b2_ref[...]

    main = jnp.dot(h2, wct_ref[...], preferred_element_type=jnp.float32) + bc_ref[...]
    m = jnp.max(main, axis=-1, keepdims=True)
    s = main - m
    main_ref[...] = s - jnp.log(jnp.sum(jnp.exp(s), axis=-1, keepdims=True))

    sim = jnp.dot(h2, wst_ref[...], preferred_element_type=jnp.float32) + bs_ref[...]
    ms = jnp.max(sim, axis=-1, keepdims=True)
    es = jnp.exp(sim - ms)
    sim_ref[...] = es / jnp.sum(es, axis=-1, keepdims=True)

    he = jnp.dot(h2, wmt_ref[...], preferred_element_type=jnp.float32) + bm_ref[...]
    he_ref[...] = 1.0 / (1.0 + jnp.exp(-he))


_BM = 1000


def _row(i):
    return (i, 0)


def _fixed(i):
    return (0, 0)


def _mlp0(pL, pR, w1t, b1, g1, be1, w2t, b2, g0, be0):
    pspec = pl.BlockSpec((_BM, DH), _row)
    wspec = pl.BlockSpec((D, D), _fixed)
    vspec = pl.BlockSpec((1, D), _fixed)
    return pl.pallas_call(
        _mlp0_body,
        out_shape=(
            jax.ShapeDtypeStruct((N, DH), jnp.float32),
            jax.ShapeDtypeStruct((N, DH), jnp.float32),
        ),
        grid=(N // _BM,),
        in_specs=[pspec, pspec, wspec, vspec, vspec, vspec,
                  wspec, vspec, vspec, vspec],
        out_specs=(pspec, pspec),
    )(pL, pR, w1t, b1, g1, be1, w2t, b2, g0, be0)


def _heads(pL, pR, w1t, b1, g1, be1, w2t, b2, wct, bc, wst, bs, wmt, bm):
    pspec = pl.BlockSpec((_BM, DH), _row)
    wspec = pl.BlockSpec((D, D), _fixed)
    vspec = pl.BlockSpec((1, D), _fixed)
    return pl.pallas_call(
        _head_body,
        out_shape=(
            jax.ShapeDtypeStruct((N, 40), jnp.float32),
            jax.ShapeDtypeStruct((N, 40), jnp.float32),
            jax.ShapeDtypeStruct((N, 2), jnp.float32),
        ),
        grid=(N // _BM,),
        in_specs=[pspec, pspec, wspec, vspec, vspec, vspec,
                  wspec, vspec,
                  pl.BlockSpec((D, 40), _fixed), pl.BlockSpec((1, 40), _fixed),
                  pl.BlockSpec((D, 40), _fixed), pl.BlockSpec((1, 40), _fixed),
                  pl.BlockSpec((D, 2), _fixed), pl.BlockSpec((1, 2), _fixed)],
        out_specs=(
            pl.BlockSpec((_BM, 40), _row),
            pl.BlockSpec((_BM, 40), _row),
            pl.BlockSpec((_BM, 2), _row),
        ),
    )(pL, pR, w1t, b1, g1, be1, w2t, b2, wct, bc, wst, bs, wmt, bm)


def kernel(x, edge_index, params):
    src = edge_index[0].astype(jnp.int32)
    dst = edge_index[1].astype(jnp.int32)

    def chunked(ix):
        m = ix.reshape(NS, EPS)
        full = m[:, :NFULL * CHUNK].reshape(NS, NFULL, CHUNK)
        full = jnp.pad(full, ((0, 0), (0, IDXROWS - NFULL), (0, 0))).reshape(
            NS * IDXROWS, CHUNK)
        t = m[:, NFULL * CHUNK:].reshape(NS * TAILC)
        return full, t

    srcm, srct = chunked(src)
    dstm, dstt = chunked(dst)

    c0, c1 = params["conv0"], params["conv1"]

    def vec(v):
        return v.reshape(1, -1)

    parts0 = _segment_sum_sc(x[:, :DH], x[:, DH:], srcm, srct, dstm, dstt)
    h1L, h1R = _mlp0(
        parts0[0], parts0[1],
        c0["lin1"]["W"].T, vec(c0["lin1"]["b"]), vec(c0["bn"]["g"]), vec(c0["bn"]["be"]),
        c0["lin2"]["W"].T, vec(c0["lin2"]["b"]),
        vec(params["bn0"]["g"]), vec(params["bn0"]["be"]),
    )

    parts1 = _segment_sum_sc(h1L, h1R, srcm, srct, dstm, dstt)
    wmt = jnp.concatenate([params["homo"]["W"].T, params["ent"]["W"].T], axis=1)
    bm = jnp.concatenate([params["homo"]["b"], params["ent"]["b"]]).reshape(1, 2)
    main, sim, he = _heads(
        parts1[0], parts1[1],
        c1["lin1"]["W"].T, vec(c1["lin1"]["b"]), vec(c1["bn"]["g"]), vec(c1["bn"]["be"]),
        c1["lin2"]["W"].T, vec(c1["lin2"]["b"]),
        params["cls"]["W"].T, vec(params["cls"]["b"]),
        params["sim"]["W"].T, vec(params["sim"]["b"]),
        wmt, bm,
    )
    return main, sim, he[:, 0], he[:, 1]

# --- scband reference (transcript-rebuilt; emitter-appended) ---
"""Pipeline reference for scband-auxiliary-gin-84670985273386 (READ-ONLY COPY).

The authoritative reference and input builder live on the scoring server;
editing this copy changes nothing except your own understanding.
"""

import jax, jax.numpy as jnp
import numpy as np

N = 10000
E = 320000
D = 128
H = 128
C = 40
NCLS = 40
BN_EPS = 1e-5


def _lin_params(k, out_d, in_d):
    k1, k2 = jax.random.split(k)
    s = 1.0 / np.sqrt(in_d)
    return {
        "W": jax.random.uniform(k1, (out_d, in_d), jnp.float32, -s, s),
        "b": jax.random.uniform(k2, (out_d,), jnp.float32, -s, s),
    }


def _bn_params():
    return {"g": jnp.ones((H,), jnp.float32), "be": jnp.zeros((H,), jnp.float32)}


def setup_inputs(seed: int = 0) -> dict:
    key = jax.random.key(seed)
    ks = jax.random.split(key, 16)
    x = jax.random.normal(ks[0], (N, D), jnp.float32)
    edge_index = jax.random.randint(ks[1], (2, E), 0, N, jnp.int32).astype(jnp.int64)
    params = {
        "conv0": {"lin1": _lin_params(ks[2], H, D), "bn": _bn_params(), "lin2": _lin_params(ks[3], H, H)},
        "conv1": {"lin1": _lin_params(ks[4], H, H), "bn": _bn_params(), "lin2": _lin_params(ks[5], H, H)},
        "bn0": _bn_params(),
        "cls": _lin_params(ks[6], C, H),
        "sim": _lin_params(ks[7], NCLS, H),
        "homo": _lin_params(ks[8], 1, H),
        "ent": _lin_params(ks[9], 1, H),
    }
    return {"x": x, "edge_index": edge_index, "params": params}


def reference(x, edge_index, params):
    # Eval-mode semantics: BatchNorm uses running stats (mean=0, var=1) and
    # dropout is identity, matching module.eval().
    src = edge_index[0]
    dst = edge_index[1]

    def bn(h, p):
        return p["g"] * h / jnp.sqrt(1.0 + BN_EPS) + p["be"]

    def mlp(h, p):
        h = h @ p["lin1"]["W"].T + p["lin1"]["b"]
        h = bn(h, p["bn"])
        h = jax.nn.relu(h)
        return h @ p["lin2"]["W"].T + p["lin2"]["b"]

    def gin_conv(h, p):
        # GINConv with eps=0: MLP((1+eps)*x + sum_{j in N(i)} x_j)
        agg = jax.ops.segment_sum(h[src], dst, num_segments=h.shape[0])
        return mlp(h + agg, p)

    h = gin_conv(x, params["conv0"])
    h = bn(h, params["bn0"])
    h = jax.nn.relu(h)
    h = gin_conv(h, params["conv1"])

    main = h @ params["cls"]["W"].T + params["cls"]["b"]
    sim = h @ params["sim"]["W"].T + params["sim"]["b"]
    homo = jax.nn.sigmoid(h @ params["homo"]["W"].T + params["homo"]["b"]).squeeze(-1)
    ent = jax.nn.sigmoid(h @ params["ent"]["W"].T + params["ent"]["b"]).squeeze(-1)
    return (
        jax.nn.log_softmax(main, axis=1),
        jax.nn.softmax(sim, axis=1),
        homo,
        ent,
    )

if __name__ == "__main__":
    import jax
    _d = setup_inputs()
    print(jax.jit(kernel)(*tuple(_d.values())))

</pallas_src>

<mosaic_0001>
#map = affine_map<(d0, d1) -> (0, 0)>
#map1 = affine_map<(d0, d1) -> (0)>
#map2 = affine_map<(d0, d1) -> (0, 0, 0)>
module attributes {stable_mosaic.version = 14 : i64} {
  func.func @k(%arg0: i32, %arg1: i32, %arg2: memref<10000x64xf32, #tpu.memory_space<hbm>>, %arg3: memref<10000x64xf32, #tpu.memory_space<hbm>>, %arg4: memref<2560x128xi32, #tpu.memory_space<hbm>>, %arg5: memref<512xi32, #tpu.memory_space<hbm>>, %arg6: memref<2560x128xi32, #tpu.memory_space<hbm>>, %arg7: memref<512xi32, #tpu.memory_space<hbm>>, %arg8: memref<2x10000x64xf32, #tpu.memory_space<hbm>>, %arg9: memref<160x128xi32, #tpu.memory_space<vmem>>, %arg10: memref<160x128xi32, #tpu.memory_space<vmem>>, %arg11: memref<32xi32, #tpu.memory_space<vmem>>, %arg12: memref<32xi32, #tpu.memory_space<vmem>>, %arg13: memref<128x64xf32, #tpu.memory_space<vmem>>, %arg14: memref<128x64xf32, #tpu.memory_space<vmem>>, %arg15: memref<128x64xf32, #tpu.memory_space<vmem>>, %arg16: memref<128x64xf32, #tpu.memory_space<vmem>>, %arg17: memref<32x64xf32, #tpu.memory_space<vmem>>, %arg18: memref<10000x64xf32, #tpu.memory_space<vmem_shared>>, %arg19: memref<!tpu.dma_semaphore, #tpu.memory_space<semaphore_mem>>, %arg20: memref<!tpu.dma_semaphore, #tpu.memory_space<semaphore_mem>>, %arg21: memref<!tpu.dma_semaphore, #tpu.memory_space<semaphore_mem>>, %arg22: memref<!tpu.dma_semaphore, #tpu.memory_space<semaphore_mem>>, %arg23: memref<!tpu.dma_semaphore, #tpu.memory_space<semaphore_mem>>, %arg24: memref<!tpu.dma_semaphore, #tpu.memory_space<semaphore_mem>>, %arg25: memref<!tpu.dma_semaphore, #tpu.memory_space<semaphore_mem>>, %arg26: memref<!tpu.dma_semaphore, #tpu.memory_space<semaphore_mem>>) attributes {dimension_semantics = [#tpu.dimension_semantics<core_parallel>, #tpu.dimension_semantics<subcore_parallel>], iteration_bounds = array<i64: 2, 16>, scalar_prefetch = 0 : i64, scratch_operands = 18 : i64, tpu.core_type = #tpu.core_type<sc_vector_subcore>, window_params = [{transform_indices = #map}, {transform_indices = #map}, {transform_indices = #map}, {transform_indices = #map1}, {transform_indices = #map}, {transform_indices = #map1}, {transform_indices = #map2}]} {
    %mul3A = arith.constant 624 : i32
    %mul3A_0 = arith.muli %arg1, %mul3A : i32
    %mul3A_1 = arith.constant 160 : i32
    %mul3A_2 = arith.muli %arg1, %mul3A_1 : i32
    "tpu.region"() ({
      %run_scoped3A = tpu.sem_alloc : memref<!tpu.dma_semaphore, #tpu.memory_space<semaphore_mem>>
      %dma_start3A = arith.constant 0 : i32
      %dma_start3A_32 = tpu.memref_slice %arg4[%mul3A_2, %dma_start3A] : memref<2560x128xi32, #tpu.memory_space<hbm>> -> memref<160x128xi32, #tpu.memory_space<hbm>>
      %dma_start3A_33 = arith.constant 0 : i32
      %dma_start3A_34 = tpu.memref_slice %arg4[%mul3A_2, %dma_start3A_33] : memref<2560x128xi32, #tpu.memory_space<hbm>> -> memref<160x128xi32, #tpu.memory_space<hbm>>
      tpu.enqueue_dma source(%dma_start3A_34 : memref<160x128xi32, #tpu.memory_space<hbm>>) target(%arg9 : memref<160x128xi32, #tpu.memory_space<vmem>>) target_semaphore(%run_scoped3A : memref<!tpu.dma_semaphore, #tpu.memory_space<semaphore_mem>>)
      %dma_wait3A = arith.constant 0 : i32
      %dma_wait3A_35 = tpu.memref_slice %arg4[%mul3A_2, %dma_wait3A] : memref<2560x128xi32, #tpu.memory_space<hbm>> -> memref<160x128xi32, #tpu.memory_space<hbm>>
      %dma_wait3A_36 = arith.constant 0 : i32
      %dma_wait3A_37 = tpu.memref_slice %arg4[%mul3A_2, %dma_wait3A_36] : memref<2560x128xi32, #tpu.memory_space<hbm>> -> memref<160x128xi32, #tpu.memory_space<hbm>>
      tpu.wait_dma2 semaphore(%run_scoped3A : memref<!tpu.dma_semaphore, #tpu.memory_space<semaphore_mem>>) src(%dma_wait3A_37 : memref<160x128xi32, #tpu.memory_space<hbm>>) dst(%arg9 : memref<160x128xi32, #tpu.memory_space<vmem>>)
      tpu.yield
    }) : () -> ()
    %mul3A_3 = arith.constant 160 : i32
    %mul3A_4 = arith.muli %arg1, %mul3A_3 : i32
    "tpu.region"() ({
      %run_scoped3A = tpu.sem_alloc : memref<!tpu.dma_semaphore, #tpu.memory_space<semaphore_mem>>
      %dma_start3A = arith.constant 0 : i32
      %dma_start3A_32 = tpu.memref_slice %arg6[%mul3A_4, %dma_start3A] : memref<2560x128xi32, #tpu.memory_space<hbm>> -> memref<160x128xi32, #tpu.memory_space<hbm>>
      %dma_start3A_33 = arith.constant 0 : i32
      %dma_start3A_34 = tpu.memref_slice %arg6[%mul3A_4, %dma_start3A_33] : memref<2560x128xi32, #tpu.memory_space<hbm>> -> memref<160x128xi32, #tpu.memory_space<hbm>>
      tpu.enqueue_dma source(%dma_start3A_34 : memref<160x128xi32, #tpu.memory_space<hbm>>) target(%arg10 : memref<160x128xi32, #tpu.memory_space<vmem>>) target_semaphore(%run_scoped3A : memref<!tpu.dma_semaphore, #tpu.memory_space<semaphore_mem>>)
      %dma_wait3A = arith.constant 0 : i32
      %dma_wait3A_35 = tpu.memref_slice %arg6[%mul3A_4, %dma_wait3A] : memref<2560x128xi32, #tpu.memory_space<hbm>> -> memref<160x128xi32, #tpu.memory_space<hbm>>
      %dma_wait3A_36 = arith.constant 0 : i32
      %dma_wait3A_37 = tpu.memref_slice %arg6[%mul3A_4, %dma_wait3A_36] : memref<2560x128xi32, #tpu.memory_space<hbm>> -> memref<160x128xi32, #tpu.memory_space<hbm>>
      tpu.wait_dma2 semaphore(%run_scoped3A : memref<!tpu.dma_semaphore, #tpu.memory_space<semaphore_mem>>) src(%dma_wait3A_37 : memref<160x128xi32, #tpu.memory_space<hbm>>) dst(%arg10 : memref<160x128xi32, #tpu.memory_space<vmem>>)
      tpu.yield
    }) : () -> ()
    %mul3A_5 = arith.constant 32 : i32
    %mul3A_6 = arith.muli %arg1, %mul3A_5 : i32
    "tpu.region"() ({
      %run_scoped3A = tpu.sem_alloc : memref<!tpu.dma_semaphore, #tpu.memory_space<semaphore_mem>>
      %dma_start3A = tpu.memref_slice %arg5[%mul3A_6] : memref<512xi32, #tpu.memory_space<hbm>> -> memref<32xi32, #tpu.memory_space<hbm>>
      %dma_start3A_32 = tpu.memref_slice %arg5[%mul3A_6] : memref<512xi32, #tpu.memory_space<hbm>> -> memref<32xi32, #tpu.memory_space<hbm>>
      tpu.enqueue_dma source(%dma_start3A_32 : memref<32xi32, #tpu.memory_space<hbm>>) target(%arg11 : memref<32xi32, #tpu.memory_space<vmem>>) target_semaphore(%run_scoped3A : memref<!tpu.dma_semaphore, #tpu.memory_space<semaphore_mem>>)
      %dma_wait3A = tpu.memref_slice %arg5[%mul3A_6] : memref<512xi32, #tpu.memory_space<hbm>> -> memref<32xi32, #tpu.memory_space<hbm>>
      %dma_wait3A_33 = tpu.memref_slice %arg5[%mul3A_6] : memref<512xi32, #tpu.memory_space<hbm>> -> memref<32xi32, #tpu.memory_space<hbm>>
      tpu.wait_dma2 semaphore(%run_scoped3A : memref<!tpu.dma_semaphore, #tpu.memory_space<semaphore_mem>>) src(%dma_wait3A_33 : memref<32xi32, #tpu.memory_space<hbm>>) dst(%arg11 : memref<32xi32, #tpu.memory_space<vmem>>)
      tpu.yield
    }) : () -> ()
    %mul3A_7 = arith.constant 32 : i32
    %mul3A_8 = arith.muli %arg1, %mul3A_7 : i32
    "tpu.region"() ({
      %run_scoped3A = tpu.sem_alloc : memref<!tpu.dma_semaphore, #tpu.memory_space<semaphore_mem>>
      %dma_start3A = tpu.memref_slice %arg7[%mul3A_8] : memref<512xi32, #tpu.memory_space<hbm>> -> memref<32xi32, #tpu.memory_space<hbm>>
      %dma_start3A_32 = tpu.memref_slice %arg7[%mul3A_8] : memref<512xi32, #tpu.memory_space<hbm>> -> memref<32xi32, #tpu.memory_space<hbm>>
      tpu.enqueue_dma source(%dma_start3A_32 : memref<32xi32, #tpu.memory_space<hbm>>) target(%arg12 : memref<32xi32, #tpu.memory_space<vmem>>) target_semaphore(%run_scoped3A : memref<!tpu.dma_semaphore, #tpu.memory_space<semaphore_mem>>)
      %dma_wait3A = tpu.memref_slice %arg7[%mul3A_8] : memref<512xi32, #tpu.memory_space<hbm>> -> memref<32xi32, #tpu.memory_space<hbm>>
      %dma_wait3A_33 = tpu.memref_slice %arg7[%mul3A_8] : memref<512xi32, #tpu.memory_space<hbm>> -> memref<32xi32, #tpu.memory_space<hbm>>
      tpu.wait_dma2 semaphore(%run_scoped3A : memref<!tpu.dma_semaphore, #tpu.memory_space<semaphore_mem>>) src(%dma_wait3A_33 : memref<32xi32, #tpu.memory_space<hbm>>) dst(%arg12 : memref<32xi32, #tpu.memory_space<vmem>>)
      tpu.yield
    }) : () -> ()
    %eq3A = arith.constant 0 : i32
    %eq3A_9 = arith.cmpi eq, %arg0, %eq3A : i32
    %convert_element_type3A = arith.extui %eq3A_9 : i1 to i32
    %cond3A = arith.constant 0 : i32
    %cond3A_10 = arith.cmpi ne, %convert_element_type3A, %cond3A : i32
    scf.if %cond3A_10 {
      "tpu.region"() ({
        %run_scoped3A = tpu.sem_alloc : memref<!tpu.dma_semaphore, #tpu.memory_space<semaphore_mem>>
        %dma_start3A = arith.constant 0 : i32
        %dma_start3A_37 = tpu.memref_slice %arg18[%mul3A_0, %dma_start3A] : memref<10000x64xf32, #tpu.memory_space<vmem_shared>> -> memref<624x64xf32, #tpu.memory_space<vmem_shared>>
        %dma_start3A_38 = arith.constant 0 : i32
        %dma_start3A_39 = tpu.memref_slice %arg2[%mul3A_0, %dma_start3A_38] : memref<10000x64xf32, #tpu.memory_space<hbm>> -> memref<624x64xf32, #tpu.memory_space<hbm>>
        tpu.enqueue_dma source(%dma_start3A_39 : memref<624x64xf32, #tpu.memory_space<hbm>>) target(%dma_start3A_37 : memref<624x64xf32, #tpu.memory_space<vmem_shared>>) target_semaphore(%run_scoped3A : memref<!tpu.dma_semaphore, #tpu.memory_space<semaphore_mem>>)
        %dma_wait3A = arith.constant 0 : i32
        %dma_wait3A_40 = tpu.memref_slice %arg18[%mul3A_0, %dma_wait3A] : memref<10000x64xf32, #tpu.memory_space<vmem_shared>> -> memref<624x64xf32, #tpu.memory_space<vmem_shared>>
        %dma_wait3A_41 = arith.constant 0 : i32
        %dma_wait3A_42 = tpu.memref_slice %arg2[%mul3A_0, %dma_wait3A_41] : memref<10000x64xf32, #tpu.memory_space<hbm>> -> memref<624x64xf32, #tpu.memory_space<hbm>>
        tpu.wait_dma2 semaphore(%run_scoped3A : memref<!tpu.dma_semaphore, #tpu.memory_space<semaphore_mem>>) src(%dma_wait3A_42 : memref<624x64xf32, #tpu.memory_space<hbm>>) dst(%dma_wait3A_40 : memref<624x64xf32, #tpu.memory_space<vmem_shared>>)
        tpu.yield
      }) : () -> ()
      %eq3A_32 = arith.constant 15 : i32
      %eq3A_33 = arith.cmpi eq, %arg1, %eq3A_32 : i32
      %convert_element_type3A_34 = arith.extui %eq3A_33 : i1 to i32
      %cond3A_35 = arith.constant 0 : i32
      %cond3A_36 = arith.cmpi ne, %convert_element_type3A_34, %cond3A_35 : i32
      scf.if %cond3A_36 {
        "tpu.region"() ({
          %run_scoped3A = tpu.sem_alloc : memref<!tpu.dma_semaphore, #tpu.memory_space<semaphore_mem>>
          %dma_start3A = arith.constant 9984 : i32
          %dma_start3A_37 = arith.constant 0 : i32
          %dma_start3A_38 = tpu.memref_slice %arg18[%dma_start3A, %dma_start3A_37] : memref<10000x64xf32, #tpu.memory_space<vmem_shared>> -> memref<16x64xf32, #tpu.memory_space<vmem_shared>>
          %dma_start3A_39 = arith.constant 9984 : i32
          %dma_start3A_40 = arith.constant 0 : i32
          %dma_start3A_41 = tpu.memref_slice %arg2[%dma_start3A_39, %dma_start3A_40] : memref<10000x64xf32, #tpu.memory_space<hbm>> -> memref<16x64xf32, #tpu.memory_space<hbm>>
          tpu.enqueue_dma source(%dma_start3A_41 : memref<16x64xf32, #tpu.memory_space<hbm>>) target(%dma_start3A_38 : memref<16x64xf32, #tpu.memory_space<vmem_shared>>) target_semaphore(%run_scoped3A : memref<!tpu.dma_semaphore, #tpu.memory_space<semaphore_mem>>)
          %dma_wait3A = arith.constant 9984 : i32
          %dma_wait3A_42 = arith.constant 0 : i32
          %dma_wait3A_43 = tpu.memref_slice %arg18[%dma_wait3A, %dma_wait3A_42] : memref<10000x64xf32, #tpu.memory_space<vmem_shared>> -> memref<16x64xf32, #tpu.memory_space<vmem_shared>>
          %dma_wait3A_44 = arith.constant 9984 : i32
          %dma_wait3A_45 = arith.constant 0 : i32
          %dma_wait3A_46 = tpu.memref_slice %arg2[%dma_wait3A_44, %dma_wait3A_45] : memref<10000x64xf32, #tpu.memory_space<hbm>> -> memref<16x64xf32, #tpu.memory_space<hbm>>
          tpu.wait_dma2 semaphore(%run_scoped3A : memref<!tpu.dma_semaphore, #tpu.memory_space<semaphore_mem>>) src(%dma_wait3A_46 : memref<16x64xf32, #tpu.memory_space<hbm>>) dst(%dma_wait3A_43 : memref<16x64xf32, #tpu.memory_space<vmem_shared>>)
          tpu.yield
        }) : () -> ()
      } else {
      }
    } else {
    }
    %eq3A_11 = arith.constant 1 : i32
    %eq3A_12 = arith.cmpi eq, %arg0, %eq3A_11 : i32
    %convert_element_type3A_13 = arith.extui %eq3A_12 : i1 to i32
    %cond3A_14 = arith.constant 0 : i32
    %cond3A_15 = arith.cmpi ne, %convert_element_type3A_13, %cond3A_14 : i32
    scf.if %cond3A_15 {
      "tpu.region"() ({
        %run_scoped3A = tpu.sem_alloc : memref<!tpu.dma_semaphore, #tpu.memory_space<semaphore_mem>>
        %dma_start3A = arith.constant 0 : i32
        %dma_start3A_37 = tpu.memref_slice %arg18[%mul3A_0, %dma_start3A] : memref<10000x64xf32, #tpu.memory_space<vmem_shared>> -> memref<624x64xf32, #tpu.memory_space<vmem_shared>>
        %dma_start3A_38 = arith.constant 0 : i32
        %dma_start3A_39 = tpu.memref_slice %arg3[%mul3A_0, %dma_start3A_38] : memref<10000x64xf32, #tpu.memory_space<hbm>> -> memref<624x64xf32, #tpu.memory_space<hbm>>
        tpu.enqueue_dma source(%dma_start3A_39 : memref<624x64xf32, #tpu.memory_space<hbm>>) target(%dma_start3A_37 : memref<624x64xf32, #tpu.memory_space<vmem_shared>>) target_semaphore(%run_scoped3A : memref<!tpu.dma_semaphore, #tpu.memory_space<semaphore_mem>>)
        %dma_wait3A = arith.constant 0 : i32
        %dma_wait3A_40 = tpu.memref_slice %arg18[%mul3A_0, %dma_wait3A] : memref<10000x64xf32, #tpu.memory_space<vmem_shared>> -> memref<624x64xf32, #tpu.memory_space<vmem_shared>>
        %dma_wait3A_41 = arith.constant 0 : i32
        %dma_wait3A_42 = tpu.memref_slice %arg3[%mul3A_0, %dma_wait3A_41] : memref<10000x64xf32, #tpu.memory_space<hbm>> -> memref<624x64xf32, #tpu.memory_space<hbm>>
        tpu.wait_dma2 semaphore(%run_scoped3A : memref<!tpu.dma_semaphore, #tpu.memory_space<semaphore_mem>>) src(%dma_wait3A_42 : memref<624x64xf32, #tpu.memory_space<hbm>>) dst(%dma_wait3A_40 : memref<624x64xf32, #tpu.memory_space<vmem_shared>>)
        tpu.yield
      }) : () -> ()
      %eq3A_32 = arith.constant 15 : i32
      %eq3A_33 = arith.cmpi eq, %arg1, %eq3A_32 : i32
      %convert_element_type3A_34 = arith.extui %eq3A_33 : i1 to i32
      %cond3A_35 = arith.constant 0 : i32
      %cond3A_36 = arith.cmpi ne, %convert_element_type3A_34, %cond3A_35 : i32
      scf.if %cond3A_36 {
        "tpu.region"() ({
          %run_scoped3A = tpu.sem_alloc : memref<!tpu.dma_semaphore, #tpu.memory_space<semaphore_mem>>
          %dma_start3A = arith.constant 9984 : i32
          %dma_start3A_37 = arith.constant 0 : i32
          %dma_start3A_38 = tpu.memref_slice %arg18[%dma_start3A, %dma_start3A_37] : memref<10000x64xf32, #tpu.memory_space<vmem_shared>> -> memref<16x64xf32, #tpu.memory_space<vmem_shared>>
          %dma_start3A_39 = arith.constant 9984 : i32
          %dma_start3A_40 = arith.constant 0 : i32
          %dma_start3A_41 = tpu.memref_slice %arg3[%dma_start3A_39, %dma_start3A_40] : memref<10000x64xf32, #tpu.memory_space<hbm>> -> memref<16x64xf32, #tpu.memory_space<hbm>>
          tpu.enqueue_dma source(%dma_start3A_41 : memref<16x64xf32, #tpu.memory_space<hbm>>) target(%dma_start3A_38 : memref<16x64xf32, #tpu.memory_space<vmem_shared>>) target_semaphore(%run_scoped3A : memref<!tpu.dma_semaphore, #tpu.memory_space<semaphore_mem>>)
          %dma_wait3A = arith.constant 9984 : i32
          %dma_wait3A_42 = arith.constant 0 : i32
          %dma_wait3A_43 = tpu.memref_slice %arg18[%dma_wait3A, %dma_wait3A_42] : memref<10000x64xf32, #tpu.memory_space<vmem_shared>> -> memref<16x64xf32, #tpu.memory_space<vmem_shared>>
          %dma_wait3A_44 = arith.constant 9984 : i32
          %dma_wait3A_45 = arith.constant 0 : i32
          %dma_wait3A_46 = tpu.memref_slice %arg3[%dma_wait3A_44, %dma_wait3A_45] : memref<10000x64xf32, #tpu.memory_space<hbm>> -> memref<16x64xf32, #tpu.memory_space<hbm>>
          tpu.wait_dma2 semaphore(%run_scoped3A : memref<!tpu.dma_semaphore, #tpu.memory_space<semaphore_mem>>) src(%dma_wait3A_46 : memref<16x64xf32, #tpu.memory_space<hbm>>) dst(%dma_wait3A_43 : memref<16x64xf32, #tpu.memory_space<vmem_shared>>)
          tpu.yield
        }) : () -> ()
      } else {
      }
    } else {
    }
    %barrier3A = arith.constant 0 : index
    tpu.barrier barrier_id(%barrier3A)
    %eq3A_16 = arith.constant 0 : i32
    %eq3A_17 = arith.cmpi eq, %arg0, %eq3A_16 : i32
    %convert_element_type3A_18 = arith.extui %eq3A_17 : i1 to i32
    %cond3A_19 = arith.constant 0 : i32
    %cond3A_20 = arith.cmpi ne, %convert_element_type3A_18, %cond3A_19 : i32
    scf.if %cond3A_20 {
      %dma_start3A = arith.constant 0 : i32
      %dma_start3A_32 = arith.constant 0 : i32
      %dma_start3A_33 = tpu.memref_slice %arg9[%dma_start3A, %dma_start3A_32] : memref<160x128xi32, #tpu.memory_space<vmem>> -> memref<1x128xi32, #tpu.memory_space<vmem>>
      %dma_start3A_34 = tpu.memref_squeeze %dma_start3A_33 : memref<1x128xi32, #tpu.memory_space<vmem>> -> memref<128xi32, #tpu.memory_space<vmem>>
      %dma_start3A_35 = arith.constant 0 : i32
      %dma_start3A_36 = arith.constant 0 : i32
      %dma_start3A_37 = tpu.memref_slice %arg2[%dma_start3A_35, %dma_start3A_36] : memref<10000x64xf32, #tpu.memory_space<hbm>> -> memref<10000x64xf32, #tpu.memory_space<hbm>>
      tpu.enqueue_indirect_dma source(%dma_start3A_37 : memref<10000x64xf32, #tpu.memory_space<hbm>>) target(%arg13 : memref<128x64xf32, #tpu.memory_space<vmem>>) offsets(%dma_start3A_34 : memref<128xi32, #tpu.memory_space<vmem>>) semaphore(%arg19 : memref<!tpu.dma_semaphore, #tpu.memory_space<semaphore_mem>>)
      %dma_start3A_38 = arith.constant 1 : i32
      %dma_start3A_39 = arith.constant 0 : i32
      %dma_start3A_40 = tpu.memref_slice %arg9[%dma_start3A_38, %dma_start3A_39] : memref<160x128xi32, #tpu.memory_space<vmem>> -> memref<1x128xi32, #tpu.memory_space<vmem>>
      %dma_start3A_41 = tpu.memref_squeeze %dma_start3A_40 : memref<1x128xi32, #tpu.memory_space<vmem>> -> memref<128xi32, #tpu.memory_space<vmem>>
      %dma_start3A_42 = arith.constant 0 : i32
      %dma_start3A_43 = arith.constant 0 : i32
      %dma_start3A_44 = tpu.memref_slice %arg2[%dma_start3A_42, %dma_start3A_43] : memref<10000x64xf32, #tpu.memory_space<hbm>> -> memref<10000x64xf32, #tpu.memory_space<hbm>>
      tpu.enqueue_indirect_dma source(%dma_start3A_44 : memref<10000x64xf32, #tpu.memory_space<hbm>>) target(%arg14 : memref<128x64xf32, #tpu.memory_space<vmem>>) offsets(%dma_start3A_41 : memref<128xi32, #tpu.memory_space<vmem>>) semaphore(%arg20 : memref<!tpu.dma_semaphore, #tpu.memory_space<semaphore_mem>>)
      %dma_start3A_45 = arith.constant 2 : i32
      %dma_start3A_46 = arith.constant 0 : i32
      %dma_start3A_47 = tpu.memref_slice %arg9[%dma_start3A_45, %dma_start3A_46] : memref<160x128xi32, #tpu.memory_space<vmem>> -> memref<1x128xi32, #tpu.memory_space<vmem>>
      %dma_start3A_48 = tpu.memref_squeeze %dma_start3A_47 : memref<1x128xi32, #tpu.memory_space<vmem>> -> memref<128xi32, #tpu.memory_space<vmem>>
      %dma_start3A_49 = arith.constant 0 : i32
      %dma_start3A_50 = arith.constant 0 : i32
      %dma_start3A_51 = tpu.memref_slice %arg2[%dma_start3A_49, %dma_start3A_50] : memref<10000x64xf32, #tpu.memory_space<hbm>> -> memref<10000x64xf32, #tpu.memory_space<hbm>>
      tpu.enqueue_indirect_dma source(%dma_start3A_51 : memref<10000x64xf32, #tpu.memory_space<hbm>>) target(%arg15 : memref<128x64xf32, #tpu.memory_space<vmem>>) offsets(%dma_start3A_48 : memref<128xi32, #tpu.memory_space<vmem>>) semaphore(%arg21 : memref<!tpu.dma_semaphore, #tpu.memory_space<semaphore_mem>>)
      %dma_start3A_52 = arith.constant 3 : i32
      %dma_start3A_53 = arith.constant 0 : i32
      %dma_start3A_54 = tpu.memref_slice %arg9[%dma_start3A_52, %dma_start3A_53] : memref<160x128xi32, #tpu.memory_space<vmem>> -> memref<1x128xi32, #tpu.memory_space<vmem>>
      %dma_start3A_55 = tpu.memref_squeeze %dma_start3A_54 : memref<1x128xi32, #tpu.memory_space<vmem>> -> memref<128xi32, #tpu.memory_space<vmem>>
      %dma_start3A_56 = arith.constant 0 : i32
      %dma_start3A_57 = arith.constant 0 : i32
      %dma_start3A_58 = tpu.memref_slice %arg2[%dma_start3A_56, %dma_start3A_57] : memref<10000x64xf32, #tpu.memory_space<hbm>> -> memref<10000x64xf32, #tpu.memory_space<hbm>>
      tpu.enqueue_indirect_dma source(%dma_start3A_58 : memref<10000x64xf32, #tpu.memory_space<hbm>>) target(%arg16 : memref<128x64xf32, #tpu.memory_space<vmem>>) offsets(%dma_start3A_55 : memref<128xi32, #tpu.memory_space<vmem>>) semaphore(%arg22 : memref<!tpu.dma_semaphore, #tpu.memory_space<semaphore_mem>>)
      %scan3A = arith.constant 0 : i32
      %scan3A_59 = arith.constant 38 : i32
      %scan3A_60 = arith.addi %scan3A, %scan3A_59 : i32
      %scan3A_61 = arith.constant 1 : i32
      scf.for %scan3A_152 = %scan3A to %scan3A_60 step %scan3A_61  : i32 {
        %mul3A_153 = arith.constant 1 : i32
        %mul3A_154 = arith.muli %scan3A_152, %mul3A_153 : i32
        %add3A = arith.constant 0 : i32
        %add3A_155 = arith.addi %add3A, %mul3A_154 : i32
        %mul3A_156 = arith.constant 4 : i32
        %mul3A_157 = arith.muli %add3A_155, %mul3A_156 : i32
        %add3A_158 = arith.constant 0 : i32
        %add3A_159 = arith.addi %mul3A_157, %add3A_158 : i32
        %dma_wait3A_160 = arith.constant 0 : i32
        %dma_wait3A_161 = tpu.memref_slice %arg9[%add3A_159, %dma_wait3A_160] : memref<160x128xi32, #tpu.memory_space<vmem>> -> memref<1x128xi32, #tpu.memory_space<vmem>>
        %dma_wait3A_162 = tpu.memref_squeeze %dma_wait3A_161 : memref<1x128xi32, #tpu.memory_space<vmem>> -> memref<128xi32, #tpu.memory_space<vmem>>
        %dma_wait3A_163 = arith.constant 0 : i32
        %dma_wait3A_164 = arith.constant 0 : i32
        %dma_wait3A_165 = tpu.memref_slice %arg2[%dma_wait3A_163, %dma_wait3A_164] : memref<10000x64xf32, #tpu.memory_space<hbm>> -> memref<10000x64xf32, #tpu.memory_space<hbm>>
        tpu.wait_indirect_dma semaphore(%arg19 : memref<!tpu.dma_semaphore, #tpu.memory_space<semaphore_mem>>) src(%dma_wait3A_165 : memref<10000x64xf32, #tpu.memory_space<hbm>>) dst(%arg13 : memref<128x64xf32, #tpu.memory_space<vmem>>)
        %add3A_166 = arith.constant 0 : i32
        %add3A_167 = arith.addi %mul3A_157, %add3A_166 : i32
        %dma_start3A_168 = arith.constant 0 : i32
        %dma_start3A_169 = tpu.memref_slice %arg10[%add3A_167, %dma_start3A_168] : memref<160x128xi32, #tpu.memory_space<vmem>> -> memref<1x128xi32, #tpu.memory_space<vmem>>
        %dma_start3A_170 = tpu.memref_squeeze %dma_start3A_169 : memref<1x128xi32, #tpu.memory_space<vmem>> -> memref<128xi32, #tpu.memory_space<vmem>>
        %dma_start3A_171 = arith.constant 0 : i32
        %dma_start3A_172 = arith.constant 0 : i32
        %dma_start3A_173 = tpu.memref_slice %arg18[%dma_start3A_171, %dma_start3A_172] : memref<10000x64xf32, #tpu.memory_space<vmem_shared>> -> memref<10000x64xf32, #tpu.memory_space<vmem_shared>>
        tpu.enqueue_indirect_dma source(%arg13 : memref<128x64xf32, #tpu.memory_space<vmem>>) target(%dma_start3A_173 : memref<10000x64xf32, #tpu.memory_space<vmem_shared>>) offsets(%dma_start3A_170 : memref<128xi32, #tpu.memory_space<vmem>>) semaphore(%arg23 : memref<!tpu.dma_semaphore, #tpu.memory_space<semaphore_mem>>) {add = true}
        %add3A_174 = arith.constant 1 : i32
        %add3A_175 = arith.addi %mul3A_157, %add3A_174 : i32
        %dma_wait3A_176 = arith.constant 0 : i32
        %dma_wait3A_177 = tpu.memref_slice %arg9[%add3A_175, %dma_wait3A_176] : memref<160x128xi32, #tpu.memory_space<vmem>> -> memref<1x128xi32, #tpu.memory_space<vmem>>
        %dma_wait3A_178 = tpu.memref_squeeze %dma_wait3A_177 : memref<1x128xi32, #tpu.memory_space<vmem>> -> memref<128xi32, #tpu.memory_space<vmem>>
        %dma_wait3A_179 = arith.constant 0 : i32
        %dma_wait3A_180 = arith.constant 0 : i32
        %dma_wait3A_181 = tpu.memref_slice %arg2[%dma_wait3A_179, %dma_wait3A_180] : memref<10000x64xf32, #tpu.memory_space<hbm>> -> memref<10000x64xf32, #tpu.memory_space<hbm>>
        tpu.wait_indirect_dma semaphore(%arg20 : memref<!tpu.dma_semaphore, #tpu.memory_space<semaphore_mem>>) src(%dma_wait3A_181 : memref<10000x64xf32, #tpu.memory_space<hbm>>) dst(%arg14 : memref<128x64xf32, #tpu.memory_space<vmem>>)
        %add3A_182 = arith.constant 1 : i32
        %add3A_183 = arith.addi %mul3A_157, %add3A_182 : i32
        %dma_start3A_184 = arith.constant 0 : i32
        %dma_start3A_185 = tpu.memref_slice %arg10[%add3A_183, %dma_start3A_184] : memref<160x128xi32, #tpu.memory_space<vmem>> -> memref<1x128xi32, #tpu.memory_space<vmem>>
        %dma_start3A_186 = tpu.memref_squeeze %dma_start3A_185 : memref<1x128xi32, #tpu.memory_space<vmem>> -> memref<128xi32, #tpu.memory_space<vmem>>
        %dma_start3A_187 = arith.constant 0 : i32
        %dma_start3A_188 = arith.constant 0 : i32
        %dma_start3A_189 = tpu.memref_slice %arg18[%dma_start3A_187, %dma_start3A_188] : memref<10000x64xf32, #tpu.memory_space<vmem_shared>> -> memref<10000x64xf32, #tpu.memory_space<vmem_shared>>
        tpu.enqueue_indirect_dma source(%arg14 : memref<128x64xf32, #tpu.memory_space<vmem>>) target(%dma_start3A_189 : memref<10000x64xf32, #tpu.memory_space<vmem_shared>>) offsets(%dma_start3A_186 : memref<128xi32, #tpu.memory_space<vmem>>) semaphore(%arg24 : memref<!tpu.dma_semaphore, #tpu.memory_space<semaphore_mem>>) {add = true}
        %add3A_190 = arith.constant 2 : i32
        %add3A_191 = arith.addi %mul3A_157, %add3A_190 : i32
        %dma_wait3A_192 = arith.constant 0 : i32
        %dma_wait3A_193 = tpu.memref_slice %arg9[%add3A_191, %dma_wait3A_192] : memref<160x128xi32, #tpu.memory_space<vmem>> -> memref<1x128xi32, #tpu.memory_space<vmem>>
        %dma_wait3A_194 = tpu.memref_squeeze %dma_wait3A_193 : memref<1x128xi32, #tpu.memory_space<vmem>> -> memref<128xi32, #tpu.memory_space<vmem>>
        %dma_wait3A_195 = arith.constant 0 : i32
        %dma_wait3A_196 = arith.constant 0 : i32
        %dma_wait3A_197 = tpu.memref_slice %arg2[%dma_wait3A_195, %dma_wait3A_196] : memref<10000x64xf32, #tpu.memory_space<hbm>> -> memref<10000x64xf32, #tpu.memory_space<hbm>>
        tpu.wait_indirect_dma semaphore(%arg21 : memref<!tpu.dma_semaphore, #tpu.memory_space<semaphore_mem>>) src(%dma_wait3A_197 : memref<10000x64xf32, #tpu.memory_space<hbm>>) dst(%arg15 : memref<128x64xf32, #tpu.memory_space<vmem>>)
        %add3A_198 = arith.constant 2 : i32
        %add3A_199 = arith.addi %mul3A_157, %add3A_198 : i32
        %dma_start3A_200 = arith.constant 0 : i32
        %dma_start3A_201 = tpu.memref_slice %arg10[%add3A_199, %dma_start3A_200] : memref<160x128xi32, #tpu.memory_space<vmem>> -> memref<1x128xi32, #tpu.memory_space<vmem>>
        %dma_start3A_202 = tpu.memref_squeeze %dma_start3A_201 : memref<1x128xi32, #tpu.memory_space<vmem>> -> memref<128xi32, #tpu.memory_space<vmem>>
        %dma_start3A_203 = arith.constant 0 : i32
        %dma_start3A_204 = arith.constant 0 : i32
        %dma_start3A_205 = tpu.memref_slice %arg18[%dma_start3A_203, %dma_start3A_204] : memref<10000x64xf32, #tpu.memory_space<vmem_shared>> -> memref<10000x64xf32, #tpu.memory_space<vmem_shared>>
        tpu.enqueue_indirect_dma source(%arg15 : memref<128x64xf32, #tpu.memory_space<vmem>>) target(%dma_start3A_205 : memref<10000x64xf32, #tpu.memory_space<vmem_shared>>) offsets(%dma_start3A_202 : memref<128xi32, #tpu.memory_space<vmem>>) semaphore(%arg25 : memref<!tpu.dma_semaphore, #tpu.memory_space<semaphore_mem>>) {add = true}
        %add3A_206 = arith.constant 3 : i32
        %add3A_207 = arith.addi %mul3A_157, %add3A_206 : i32
        %dma_wait3A_208 = arith.constant 0 : i32
        %dma_wait3A_209 = tpu.memref_slice %arg9[%add3A_207, %dma_wait3A_208] : memref<160x128xi32, #tpu.memory_space<vmem>> -> memref<1x128xi32, #tpu.memory_space<vmem>>
        %dma_wait3A_210 = tpu.memref_squeeze %dma_wait3A_209 : memref<1x128xi32, #tpu.memory_space<vmem>> -> memref<128xi32, #tpu.memory_space<vmem>>
        %dma_wait3A_211 = arith.constant 0 : i32
        %dma_wait3A_212 = arith.constant 0 : i32
        %dma_wait3A_213 = tpu.memref_slice %arg2[%dma_wait3A_211, %dma_wait3A_212] : memref<10000x64xf32, #tpu.memory_space<hbm>> -> memref<10000x64xf32, #tpu.memory_space<hbm>>
        tpu.wait_indirect_dma semaphore(%arg22 : memref<!tpu.dma_semaphore, #tpu.memory_space<semaphore_mem>>) src(%dma_wait3A_213 : memref<10000x64xf32, #tpu.memory_space<hbm>>) dst(%arg16 : memref<128x64xf32, #tpu.memory_space<vmem>>)
        %add3A_214 = arith.constant 3 : i32
        %add3A_215 = arith.addi %mul3A_157, %add3A_214 : i32
        %dma_start3A_216 = arith.constant 0 : i32
        %dma_start3A_217 = tpu.memref_slice %arg10[%add3A_215, %dma_start3A_216] : memref<160x128xi32, #tpu.memory_space<vmem>> -> memref<1x128xi32, #tpu.memory_space<vmem>>
        %dma_start3A_218 = tpu.memref_squeeze %dma_start3A_217 : memref<1x128xi32, #tpu.memory_space<vmem>> -> memref<128xi32, #tpu.memory_space<vmem>>
        %dma_start3A_219 = arith.constant 0 : i32
        %dma_start3A_220 = arith.constant 0 : i32
        %dma_start3A_221 = tpu.memref_slice %arg18[%dma_start3A_219, %dma_start3A_220] : memref<10000x64xf32, #tpu.memory_space<vmem_shared>> -> memref<10000x64xf32, #tpu.memory_space<vmem_shared>>
        tpu.enqueue_indirect_dma source(%arg16 : memref<128x64xf32, #tpu.memory_space<vmem>>) target(%dma_start3A_221 : memref<10000x64xf32, #tpu.memory_space<vmem_shared>>) offsets(%dma_start3A_218 : memref<128xi32, #tpu.memory_space<vmem>>) semaphore(%arg26 : memref<!tpu.dma_semaphore, #tpu.memory_space<semaphore_mem>>) {add = true}
        %add3A_222 = arith.constant 0 : i32
        %add3A_223 = arith.addi %mul3A_157, %add3A_222 : i32
        %dma_wait3A_224 = arith.constant 0 : i32
        %dma_wait3A_225 = tpu.memref_slice %arg10[%add3A_223, %dma_wait3A_224] : memref<160x128xi32, #tpu.memory_space<vmem>> -> memref<1x128xi32, #tpu.memory_space<vmem>>
        %dma_wait3A_226 = tpu.memref_squeeze %dma_wait3A_225 : memref<1x128xi32, #tpu.memory_space<vmem>> -> memref<128xi32, #tpu.memory_space<vmem>>
        %dma_wait3A_227 = arith.constant 0 : i32
        %dma_wait3A_228 = arith.constant 0 : i32
        %dma_wait3A_229 = tpu.memref_slice %arg18[%dma_wait3A_227, %dma_wait3A_228] : memref<10000x64xf32, #tpu.memory_space<vmem_shared>> -> memref<10000x64xf32, #tpu.memory_space<vmem_shared>>
        tpu.wait_indirect_dma semaphore(%arg23 : memref<!tpu.dma_semaphore, #tpu.memory_space<semaphore_mem>>) src(%arg13 : memref<128x64xf32, #tpu.memory_space<vmem>>) dst(%dma_wait3A_229 : memref<10000x64xf32, #tpu.memory_space<vmem_shared>>)
        %add3A_230 = arith.constant 4 : i32
        %add3A_231 = arith.addi %mul3A_157, %add3A_230 : i32
        %add3A_232 = arith.constant 0 : i32
        %add3A_233 = arith.addi %add3A_231, %add3A_232 : i32
        %dma_start3A_234 = arith.constant 0 : i32
        %dma_start3A_235 = tpu.memref_slice %arg9[%add3A_233, %dma_start3A_234] : memref<160x128xi32, #tpu.memory_space<vmem>> -> memref<1x128xi32, #tpu.memory_space<vmem>>
        %dma_start3A_236 = tpu.memref_squeeze %dma_start3A_235 : memref<1x128xi32, #tpu.memory_space<vmem>> -> memref<128xi32, #tpu.memory_space<vmem>>
        %dma_start3A_237 = arith.constant 0 : i32
        %dma_start3A_238 = arith.constant 0 : i32
        %dma_start3A_239 = tpu.memref_slice %arg2[%dma_start3A_237, %dma_start3A_238] : memref<10000x64xf32, #tpu.memory_space<hbm>> -> memref<10000x64xf32, #tpu.memory_space<hbm>>
        tpu.enqueue_indirect_dma source(%dma_start3A_239 : memref<10000x64xf32, #tpu.memory_space<hbm>>) target(%arg13 : memref<128x64xf32, #tpu.memory_space<vmem>>) offsets(%dma_start3A_236 : memref<128xi32, #tpu.memory_space<vmem>>) semaphore(%arg19 : memref<!tpu.dma_semaphore, #tpu.memory_space<semaphore_mem>>)
        %add3A_240 = arith.constant 1 : i32
        %add3A_241 = arith.addi %mul3A_157, %add3A_240 : i32
        %dma_wait3A_242 = arith.constant 0 : i32
        %dma_wait3A_243 = tpu.memref_slice %arg10[%add3A_241, %dma_wait3A_242] : memref<160x128xi32, #tpu.memory_space<vmem>> -> memref<1x128xi32, #tpu.memory_space<vmem>>
        %dma_wait3A_244 = tpu.memref_squeeze %dma_wait3A_243 : memref<1x128xi32, #tpu.memory_space<vmem>> -> memref<128xi32, #tpu.memory_space<vmem>>
        %dma_wait3A_245 = arith.constant 0 : i32
        %dma_wait3A_246 = arith.constant 0 : i32
        %dma_wait3A_247 = tpu.memref_slice %arg18[%dma_wait3A_245, %dma_wait3A_246] : memref<10000x64xf32, #tpu.memory_space<vmem_shared>> -> memref<10000x64xf32, #tpu.memory_space<vmem_shared>>
        tpu.wait_indirect_dma semaphore(%arg24 : memref<!tpu.dma_semaphore, #tpu.memory_space<semaphore_mem>>) src(%arg14 : memref<128x64xf32, #tpu.memory_space<vmem>>) dst(%dma_wait3A_247 : memref<10000x64xf32, #tpu.memory_space<vmem_shared>>)
        %add3A_248 = arith.constant 4 : i32
        %add3A_249 = arith.addi %mul3A_157, %add3A_248 : i32
        %add3A_250 = arith.constant 1 : i32
        %add3A_251 = arith.addi %add3A_249, %add3A_250 : i32
        %dma_start3A_252 = arith.constant 0 : i32
        %dma_start3A_253 = tpu.memref_slice %arg9[%add3A_251, %dma_start3A_252] : memref<160x128xi32, #tpu.memory_space<vmem>> -> memref<1x128xi32, #tpu.memory_space<vmem>>
        %dma_start3A_254 = tpu.memref_squeeze %dma_start3A_253 : memref<1x128xi32, #tpu.memory_space<vmem>> -> memref<128xi32, #tpu.memory_space<vmem>>
        %dma_start3A_255 = arith.constant 0 : i32
        %dma_start3A_256 = arith.constant 0 : i32
        %dma_start3A_257 = tpu.memref_slice %arg2[%dma_start3A_255, %dma_start3A_256] : memref<10000x64xf32, #tpu.memory_space<hbm>> -> memref<10000x64xf32, #tpu.memory_space<hbm>>
        tpu.enqueue_indirect_dma source(%dma_start3A_257 : memref<10000x64xf32, #tpu.memory_space<hbm>>) target(%arg14 : memref<128x64xf32, #tpu.memory_space<vmem>>) offsets(%dma_start3A_254 : memref<128xi32, #tpu.memory_space<vmem>>) semaphore(%arg20 : memref<!tpu.dma_semaphore, #tpu.memory_space<semaphore_mem>>)
        %add3A_258 = arith.constant 2 : i32
        %add3A_259 = arith.addi %mul3A_157, %add3A_258 : i32
        %dma_wait3A_260 = arith.constant 0 : i32
        %dma_wait3A_261 = tpu.memref_slice %arg10[%add3A_259, %dma_wait3A_260] : memref<160x128xi32, #tpu.memory_space<vmem>> -> memref<1x128xi32, #tpu.memory_space<vmem>>
        %dma_wait3A_262 = tpu.memref_squeeze %dma_wait3A_261 : memref<1x128xi32, #tpu.memory_space<vmem>> -> memref<128xi32, #tpu.memory_space<vmem>>
        %dma_wait3A_263 = arith.constant 0 : i32
        %dma_wait3A_264 = arith.constant 0 : i32
        %dma_wait3A_265 = tpu.memref_slice %arg18[%dma_wait3A_263, %dma_wait3A_264] : memref<10000x64xf32, #tpu.memory_space<vmem_shared>> -> memref<10000x64xf32, #tpu.memory_space<vmem_shared>>
        tpu.wait_indirect_dma semaphore(%arg25 : memref<!tpu.dma_semaphore, #tpu.memory_space<semaphore_mem>>) src(%arg15 : memref<128x64xf32, #tpu.memory_space<vmem>>) dst(%dma_wait3A_265 : memref<10000x64xf32, #tpu.memory_space<vmem_shared>>)
        %add3A_266 = arith.constant 4 : i32
        %add3A_267 = arith.addi %mul3A_157, %add3A_266 : i32
        %add3A_268 = arith.constant 2 : i32
        %add3A_269 = arith.addi %add3A_267, %add3A_268 : i32
        %dma_start3A_270 = arith.constant 0 : i32
        %dma_start3A_271 = tpu.memref_slice %arg9[%add3A_269, %dma_start3A_270] : memref<160x128xi32, #tpu.memory_space<vmem>> -> memref<1x128xi32, #tpu.memory_space<vmem>>
        %dma_start3A_272 = tpu.memref_squeeze %dma_start3A_271 : memref<1x128xi32, #tpu.memory_space<vmem>> -> memref<128xi32, #tpu.memory_space<vmem>>
        %dma_start3A_273 = arith.constant 0 : i32
        %dma_start3A_274 = arith.constant 0 : i32
        %dma_start3A_275 = tpu.memref_slice %arg2[%dma_start3A_273, %dma_start3A_274] : memref<10000x64xf32, #tpu.memory_space<hbm>> -> memref<10000x64xf32, #tpu.memory_space<hbm>>
        tpu.enqueue_indirect_dma source(%dma_start3A_275 : memref<10000x64xf32, #tpu.memory_space<hbm>>) target(%arg15 : memref<128x64xf32, #tpu.memory_space<vmem>>) offsets(%dma_start3A_272 : memref<128xi32, #tpu.memory_space<vmem>>) semaphore(%arg21 : memref<!tpu.dma_semaphore, #tpu.memory_space<semaphore_mem>>)
        %add3A_276 = arith.constant 3 : i32
        %add3A_277 = arith.addi %mul3A_157, %add3A_276 : i32
        %dma_wait3A_278 = arith.constant 0 : i32
        %dma_wait3A_279 = tpu.memref_slice %arg10[%add3A_277, %dma_wait3A_278] : memref<160x128xi32, #tpu.memory_space<vmem>> -> memref<1x128xi32, #tpu.memory_space<vmem>>
        %dma_wait3A_280 = tpu.memref_squeeze %dma_wait3A_279 : memref<1x128xi32, #tpu.memory_space<vmem>> -> memref<128xi32, #tpu.memory_space<vmem>>
        %dma_wait3A_281 = arith.constant 0 : i32
        %dma_wait3A_282 = arith.constant 0 : i32
        %dma_wait3A_283 = tpu.memref_slice %arg18[%dma_wait3A_281, %dma_wait3A_282] : memref<10000x64xf32, #tpu.memory_space<vmem_shared>> -> memref<10000x64xf32, #tpu.memory_space<vmem_shared>>
        tpu.wait_indirect_dma semaphore(%arg26 : memref<!tpu.dma_semaphore, #tpu.memory_space<semaphore_mem>>) src(%arg16 : memref<128x64xf32, #tpu.memory_space<vmem>>) dst(%dma_wait3A_283 : memref<10000x64xf32, #tpu.memory_space<vmem_shared>>)
        %add3A_284 = arith.constant 4 : i32
        %add3A_285 = arith.addi %mul3A_157, %add3A_284 : i32
        %add3A_286 = arith.constant 3 : i32
        %add3A_287 = arith.addi %add3A_285, %add3A_286 : i32
        %dma_start3A_288 = arith.constant 0 : i32
        %dma_start3A_289 = tpu.memref_slice %arg9[%add3A_287, %dma_start3A_288] : memref<160x128xi32, #tpu.memory_space<vmem>> -> memref<1x128xi32, #tpu.memory_space<vmem>>
        %dma_start3A_290 = tpu.memref_squeeze %dma_start3A_289 : memref<1x128xi32, #tpu.memory_space<vmem>> -> memref<128xi32, #tpu.memory_space<vmem>>
        %dma_start3A_291 = arith.constant 0 : i32
        %dma_start3A_292 = arith.constant 0 : i32
        %dma_start3A_293 = tpu.memref_slice %arg2[%dma_start3A_291, %dma_start3A_292] : memref<10000x64xf32, #tpu.memory_space<hbm>> -> memref<10000x64xf32, #tpu.memory_space<hbm>>
        tpu.enqueue_indirect_dma source(%dma_start3A_293 : memref<10000x64xf32, #tpu.memory_space<hbm>>) target(%arg16 : memref<128x64xf32, #tpu.memory_space<vmem>>) offsets(%dma_start3A_290 : memref<128xi32, #tpu.memory_space<vmem>>) semaphore(%arg22 : memref<!tpu.dma_semaphore, #tpu.memory_space<semaphore_mem>>)
      }
      %scan3A_62 = arith.constant 38 : i32
      %dma_wait3A = arith.constant 152 : i32
      %dma_wait3A_63 = arith.constant 0 : i32
      %dma_wait3A_64 = tpu.memref_slice %arg9[%dma_wait3A, %dma_wait3A_63] : memref<160x128xi32, #tpu.memory_space<vmem>> -> memref<1x128xi32, #tpu.memory_space<vmem>>
      %dma_wait3A_65 = tpu.memref_squeeze %dma_wait3A_64 : memref<1x128xi32, #tpu.memory_space<vmem>> -> memref<128xi32, #tpu.memory_space<vmem>>
      %dma_wait3A_66 = arith.constant 0 : i32
      %dma_wait3A_67 = arith.constant 0 : i32
      %dma_wait3A_68 = tpu.memref_slice %arg2[%dma_wait3A_66, %dma_wait3A_67] : memref<10000x64xf32, #tpu.memory_space<hbm>> -> memref<10000x64xf32, #tpu.memory_space<hbm>>
      tpu.wait_indirect_dma semaphore(%arg19 : memref<!tpu.dma_semaphore, #tpu.memory_space<semaphore_mem>>) src(%dma_wait3A_68 : memref<10000x64xf32, #tpu.memory_space<hbm>>) dst(%arg13 : memref<128x64xf32, #tpu.memory_space<vmem>>)
      %dma_start3A_69 = arith.constant 152 : i32
      %dma_start3A_70 = arith.constant 0 : i32
      %dma_start3A_71 = tpu.memref_slice %arg10[%dma_start3A_69, %dma_start3A_70] : memref<160x128xi32, #tpu.memory_space<vmem>> -> memref<1x128xi32, #tpu.memory_space<vmem>>
      %dma_start3A_72 = tpu.memref_squeeze %dma_start3A_71 : memref<1x128xi32, #tpu.memory_space<vmem>> -> memref<128xi32, #tpu.memory_space<vmem>>
      %dma_start3A_73 = arith.constant 0 : i32
      %dma_start3A_74 = arith.constant 0 : i32
      %dma_start3A_75 = tpu.memref_slice %arg18[%dma_start3A_73, %dma_start3A_74] : memref<10000x64xf32, #tpu.memory_space<vmem_shared>> -> memref<10000x64xf32, #tpu.memory_space<vmem_shared>>
      tpu.enqueue_indirect_dma source(%arg13 : memref<128x64xf32, #tpu.memory_space<vmem>>) target(%dma_start3A_75 : memref<10000x64xf32, #tpu.memory_space<vmem_shared>>) offsets(%dma_start3A_72 : memref<128xi32, #tpu.memory_space<vmem>>) semaphore(%arg23 : memref<!tpu.dma_semaphore, #tpu.memory_space<semaphore_mem>>) {add = true}
      %dma_wait3A_76 = arith.constant 153 : i32
      %dma_wait3A_77 = arith.constant 0 : i32
      %dma_wait3A_78 = tpu.memref_slice %arg9[%dma_wait3A_76, %dma_wait3A_77] : memref<160x128xi32, #tpu.memory_space<vmem>> -> memref<1x128xi32, #tpu.memory_space<vmem>>
      %dma_wait3A_79 = tpu.memref_squeeze %dma_wait3A_78 : memref<1x128xi32, #tpu.memory_space<vmem>> -> memref<128xi32, #tpu.memory_space<vmem>>
      %dma_wait3A_80 = arith.constant 0 : i32
      %dma_wait3A_81 = arith.constant 0 : i32
      %dma_wait3A_82 = tpu.memref_slice %arg2[%dma_wait3A_80, %dma_wait3A_81] : memref<10000x64xf32, #tpu.memory_space<hbm>> -> memref<10000x64xf32, #tpu.memory_space<hbm>>
      tpu.wait_indirect_dma semaphore(%arg20 : memref<!tpu.dma_semaphore, #tpu.memory_space<semaphore_mem>>) src(%dma_wait3A_82 : memref<10000x64xf32, #tpu.memory_space<hbm>>) dst(%arg14 : memref<128x64xf32, #tpu.memory_space<vmem>>)
      %dma_start3A_83 = arith.constant 153 : i32
      %dma_start3A_84 = arith.constant 0 : i32
      %dma_start3A_85 = tpu.memref_slice %arg10[%dma_start3A_83, %dma_start3A_84] : memref<160x128xi32, #tpu.memory_space<vmem>> -> memref<1x128xi32, #tpu.memory_space<vmem>>
      %dma_start3A_86 = tpu.memref_squeeze %dma_start3A_85 : memref<1x128xi32, #tpu.memory_space<vmem>> -> memref<128xi32, #tpu.memory_space<vmem>>
      %dma_start3A_87 = arith.constant 0 : i32
      %dma_start3A_88 = arith.constant 0 : i32
      %dma_start3A_89 = tpu.memref_slice %arg18[%dma_start3A_87, %dma_start3A_88] : memref<10000x64xf32, #tpu.memory_space<vmem_shared>> -> memref<10000x64xf32, #tpu.memory_space<vmem_shared>>
      tpu.enqueue_indirect_dma source(%arg14 : memref<128x64xf32, #tpu.memory_space<vmem>>) target(%dma_start3A_89 : memref<10000x64xf32, #tpu.memory_space<vmem_shared>>) offsets(%dma_start3A_86 : memref<128xi32, #tpu.memory_space<vmem>>) semaphore(%arg24 : memref<!tpu.dma_semaphore, #tpu.memory_space<semaphore_mem>>) {add = true}
      %dma_wait3A_90 = arith.constant 154 : i32
      %dma_wait3A_91 = arith.constant 0 : i32
      %dma_wait3A_92 = tpu.memref_slice %arg9[%dma_wait3A_90, %dma_wait3A_91] : memref<160x128xi32, #tpu.memory_space<vmem>> -> memref<1x128xi32, #tpu.memory_space<vmem>>
      %dma_wait3A_93 = tpu.memref_squeeze %dma_wait3A_92 : memref<1x128xi32, #tpu.memory_space<vmem>> -> memref<128xi32, #tpu.memory_space<vmem>>
      %dma_wait3A_94 = arith.constant 0 : i32
      %dma_wait3A_95 = arith.constant 0 : i32
      %dma_wait3A_96 = tpu.memref_slice %arg2[%dma_wait3A_94, %dma_wait3A_95] : memref<10000x64xf32, #tpu.memory_space<hbm>> -> memref<10000x64xf32, #tpu.memory_space<hbm>>
      tpu.wait_indirect_dma semaphore(%arg21 : memref<!tpu.dma_semaphore, #tpu.memory_space<semaphore_mem>>) src(%dma_wait3A_96 : memref<10000x64xf32, #tpu.memory_space<hbm>>) dst(%arg15 : memref<128x64xf32, #tpu.memory_space<vmem>>)
      %dma_start3A_97 = arith.constant 154 : i32
      %dma_start3A_98 = arith.constant 0 : i32
      %dma_start3A_99 = tpu.memref_slice %arg10[%dma_start3A_97, %dma_start3A_98] : memref<160x128xi32, #tpu.memory_space<vmem>> -> memref<1x128xi32, #tpu.memory_space<vmem>>
      %dma_start3A_100 = tpu.memref_squeeze %dma_start3A_99 : memref<1x128xi32, #tpu.memory_space<vmem>> -> memref<128xi32, #tpu.memory_space<vmem>>
      %dma_start3A_101 = arith.constant 0 : i32
      %dma_start3A_102 = arith.constant 0 : i32
      %dma_start3A_103 = tpu.memref_slice %arg18[%dma_start3A_101, %dma_start3A_102] : memref<10000x64xf32, #tpu.memory_space<vmem_shared>> -> memref<10000x64xf32, #tpu.memory_space<vmem_shared>>
      tpu.enqueue_indirect_dma source(%arg15 : memref<128x64xf32, #tpu.memory_space<vmem>>) target(%dma_start3A_103 : memref<10000x64xf32, #tpu.memory_space<vmem_shared>>) offsets(%dma_start3A_100 : memref<128xi32, #tpu.memory_space<vmem>>) semaphore(%arg25 : memref<!tpu.dma_semaphore, #tpu.memory_space<semaphore_mem>>) {add = true}
      %dma_wait3A_104 = arith.constant 155 : i32
      %dma_wait3A_105 = arith.constant 0 : i32
      %dma_wait3A_106 = tpu.memref_slice %arg9[%dma_wait3A_104, %dma_wait3A_105] : memref<160x128xi32, #tpu.memory_space<vmem>> -> memref<1x128xi32, #tpu.memory_space<vmem>>
      %dma_wait3A_107 = tpu.memref_squeeze %dma_wait3A_106 : memref<1x128xi32, #tpu.memory_space<vmem>> -> memref<128xi32, #tpu.memory_space<vmem>>
      %dma_wait3A_108 = arith.constant 0 : i32
      %dma_wait3A_109 = arith.constant 0 : i32
      %dma_wait3A_110 = tpu.memref_slice %arg2[%dma_wait3A_108, %dma_wait3A_109] : memref<10000x64xf32, #tpu.memory_space<hbm>> -> memref<10000x64xf32, #tpu.memory_space<hbm>>
      tpu.wait_indirect_dma semaphore(%arg22 : memref<!tpu.dma_semaphore, #tpu.memory_space<semaphore_mem>>) src(%dma_wait3A_110 : memref<10000x64xf32, #tpu.memory_space<hbm>>) dst(%arg16 : memref<128x64xf32, #tpu.memory_space<vmem>>)
      %dma_start3A_111 = arith.constant 155 : i32
      %dma_start3A_112 = arith.constant 0 : i32
      %dma_start3A_113 = tpu.memref_slice %arg10[%dma_start3A_111, %dma_start3A_112] : memref<160x128xi32, #tpu.memory_space<vmem>> -> memref<1x128xi32, #tpu.memory_space<vmem>>
      %dma_start3A_114 = tpu.memref_squeeze %dma_start3A_113 : memref<1x128xi32, #tpu.memory_space<vmem>> -> memref<128xi32, #tpu.memory_space<vmem>>
      %dma_start3A_115 = arith.constant 0 : i32
      %dma_start3A_116 = arith.constant 0 : i32
      %dma_start3A_117 = tpu.memref_slice %arg18[%dma_start3A_115, %dma_start3A_116] : memref<10000x64xf32, #tpu.memory_space<vmem_shared>> -> memref<10000x64xf32, #tpu.memory_space<vmem_shared>>
      tpu.enqueue_indirect_dma source(%arg16 : memref<128x64xf32, #tpu.memory_space<vmem>>) target(%dma_start3A_117 : memref<10000x64xf32, #tpu.memory_space<vmem_shared>>) offsets(%dma_start3A_114 : memref<128xi32, #tpu.memory_space<vmem>>) semaphore(%arg26 : memref<!tpu.dma_semaphore, #tpu.memory_space<semaphore_mem>>) {add = true}
      %dma_wait3A_118 = arith.constant 152 : i32
      %dma_wait3A_119 = arith.constant 0 : i32
      %dma_wait3A_120 = tpu.memref_slice %arg10[%dma_wait3A_118, %dma_wait3A_119] : memref<160x128xi32, #tpu.memory_space<vmem>> -> memref<1x128xi32, #tpu.memory_space<vmem>>
      %dma_wait3A_121 = tpu.memref_squeeze %dma_wait3A_120 : memref<1x128xi32, #tpu.memory_space<vmem>> -> memref<128xi32, #tpu.memory_space<vmem>>
      %dma_wait3A_122 = arith.constant 0 : i32
      %dma_wait3A_123 = arith.constant 0 : i32
      %dma_wait3A_124 = tpu.memref_slice %arg18[%dma_wait3A_122, %dma_wait3A_123] : memref<10000x64xf32, #tpu.memory_space<vmem_shared>> -> memref<10000x64xf32, #tpu.memory_space<vmem_shared>>
      tpu.wait_indirect_dma semaphore(%arg23 : memref<!tpu.dma_semaphore, #tpu.memory_space<semaphore_mem>>) src(%arg13 : memref<128x64xf32, #tpu.memory_space<vmem>>) dst(%dma_wait3A_124 : memref<10000x64xf32, #tpu.memory_space<vmem_shared>>)
      %dma_wait3A_125 = arith.constant 153 : i32
      %dma_wait3A_126 = arith.constant 0 : i32
      %dma_wait3A_127 = tpu.memref_slice %arg10[%dma_wait3A_125, %dma_wait3A_126] : memref<160x128xi32, #tpu.memory_space<vmem>> -> memref<1x128xi32, #tpu.memory_space<vmem>>
      %dma_wait3A_128 = tpu.memref_squeeze %dma_wait3A_127 : memref<1x128xi32, #tpu.memory_space<vmem>> -> memref<128xi32, #tpu.memory_space<vmem>>
      %dma_wait3A_129 = arith.constant 0 : i32
      %dma_wait3A_130 = arith.constant 0 : i32
      %dma_wait3A_131 = tpu.memref_slice %arg18[%dma_wait3A_129, %dma_wait3A_130] : memref<10000x64xf32, #tpu.memory_space<vmem_shared>> -> memref<10000x64xf32, #tpu.memory_space<vmem_shared>>
      tpu.wait_indirect_dma semaphore(%arg24 : memref<!tpu.dma_semaphore, #tpu.memory_space<semaphore_mem>>) src(%arg14 : memref<128x64xf32, #tpu.memory_space<vmem>>) dst(%dma_wait3A_131 : memref<10000x64xf32, #tpu.memory_space<vmem_shared>>)
      %dma_wait3A_132 = arith.constant 154 : i32
      %dma_wait3A_133 = arith.constant 0 : i32
      %dma_wait3A_134 = tpu.memref_slice %arg10[%dma_wait3A_132, %dma_wait3A_133] : memref<160x128xi32, #tpu.memory_space<vmem>> -> memref<1x128xi32, #tpu.memory_space<vmem>>
      %dma_wait3A_135 = tpu.memref_squeeze %dma_wait3A_134 : memref<1x128xi32, #tpu.memory_space<vmem>> -> memref<128xi32, #tpu.memory_space<vmem>>
      %dma_wait3A_136 = arith.constant 0 : i32
      %dma_wait3A_137 = arith.constant 0 : i32
      %dma_wait3A_138 = tpu.memref_slice %arg18[%dma_wait3A_136, %dma_wait3A_137] : memref<10000x64xf32, #tpu.memory_space<vmem_shared>> -> memref<10000x64xf32, #tpu.memory_space<vmem_shared>>
      tpu.wait_indirect_dma semaphore(%arg25 : memref<!tpu.dma_semaphore, #tpu.memory_space<semaphore_mem>>) src(%arg15 : memref<128x64xf32, #tpu.memory_space<vmem>>) dst(%dma_wait3A_138 : memref<10000x64xf32, #tpu.memory_space<vmem_shared>>)
      %dma_wait3A_139 = arith.constant 155 : i32
      %dma_wait3A_140 = arith.constant 0 : i32
      %dma_wait3A_141 = tpu.memref_slice %arg10[%dma_wait3A_139, %dma_wait3A_140] : memref<160x128xi32, #tpu.memory_space<vmem>> -> memref<1x128xi32, #tpu.memory_space<vmem>>
      %dma_wait3A_142 = tpu.memref_squeeze %dma_wait3A_141 : memref<1x128xi32, #tpu.memory_space<vmem>> -> memref<128xi32, #tpu.memory_space<vmem>>
      %dma_wait3A_143 = arith.constant 0 : i32
      %dma_wait3A_144 = arith.constant 0 : i32
      %dma_wait3A_145 = tpu.memref_slice %arg18[%dma_wait3A_143, %dma_wait3A_144] : memref<10000x64xf32, #tpu.memory_space<vmem_shared>> -> memref<10000x64xf32, #tpu.memory_space<vmem_shared>>
      tpu.wait_indirect_dma semaphore(%arg26 : memref<!tpu.dma_semaphore, #tpu.memory_space<semaphore_mem>>) src(%arg16 : memref<128x64xf32, #tpu.memory_space<vmem>>) dst(%dma_wait3A_145 : memref<10000x64xf32, #tpu.memory_space<vmem_shared>>)
      %dma_start3A_146 = arith.constant 0 : i32
      %dma_start3A_147 = arith.constant 0 : i32
      %dma_start3A_148 = tpu.memref_slice %arg2[%dma_start3A_146, %dma_start3A_147] : memref<10000x64xf32, #tpu.memory_space<hbm>> -> memref<10000x64xf32, #tpu.memory_space<hbm>>
      tpu.enqueue_indirect_dma source(%dma_start3A_148 : memref<10000x64xf32, #tpu.memory_space<hbm>>) target(%arg17 : memref<32x64xf32, #tpu.memory_space<vmem>>) offsets(%arg11 : memref<32xi32, #tpu.memory_space<vmem>>) semaphore(%arg19 : memref<!tpu.dma_semaphore, #tpu.memory_space<semaphore_mem>>)
      %dma_wait3A_149 = arith.constant 0 : i32
      %dma_wait3A_150 = arith.constant 0 : i32
      %dma_wait3A_151 = tpu.memref_slice %arg2[%dma_wait3A_149, %dma_wait3A_150] : memref<10000x64xf32, #tpu.memory_space<hbm>> -> memref<10000x64xf32, #tpu.memory_space<hbm>>
      tpu.wait_indirect_dma semaphore(%arg19 : memref<!tpu.dma_semaphore, #tpu.memory_space<semaphore_mem>>) src(%dma_wait3A_151 : memref<10000x64xf32, #tpu.memory_space<hbm>>) dst(%arg17 : memref<32x64xf32, #tpu.memory_space<vmem>>)
      "tpu.region"() ({
        %run_scoped3A = tpu.sem_alloc : memref<!tpu.dma_semaphore, #tpu.memory_space<semaphore_mem>>
        %dma_start3A_152 = arith.constant 0 : i32
        %dma_start3A_153 = arith.constant 0 : i32
        %dma_start3A_154 = tpu.memref_slice %arg18[%dma_start3A_152, %dma_start3A_153] : memref<10000x64xf32, #tpu.memory_space<vmem_shared>> -> memref<10000x64xf32, #tpu.memory_space<vmem_shared>>
        tpu.enqueue_indirect_dma source(%arg17 : memref<32x64xf32, #tpu.memory_space<vmem>>) target(%dma_start3A_154 : memref<10000x64xf32, #tpu.memory_space<vmem_shared>>) offsets(%arg12 : memref<32xi32, #tpu.memory_space<vmem>>) semaphore(%run_scoped3A : memref<!tpu.dma_semaphore, #tpu.memory_space<semaphore_mem>>) {add = true}
        %dma_wait3A_155 = arith.constant 0 : i32
        %dma_wait3A_156 = arith.constant 0 : i32
        %dma_wait3A_157 = tpu.memref_slice %arg18[%dma_wait3A_155, %dma_wait3A_156] : memref<10000x64xf32, #tpu.memory_space<vmem_shared>> -> memref<10000x64xf32, #tpu.memory_space<vmem_shared>>
        tpu.wait_indirect_dma semaphore(%run_scoped3A : memref<!tpu.dma_semaphore, #tpu.memory_space<semaphore_mem>>) src(%arg17 : memref<32x64xf32, #tpu.memory_space<vmem>>) dst(%dma_wait3A_157 : memref<10000x64xf32, #tpu.memory_space<vmem_shared>>)
        tpu.yield
      }) : () -> ()
    } else {
    }
    %eq3A_21 = arith.constant 1 : i32
    %eq3A_22 = arith.cmpi eq, %arg0, %eq3A_21 : i32
    %convert_element_type3A_23 = arith.extui %eq3A_22 : i1 to i32
    %cond3A_24 = arith.constant 0 : i32
    %cond3A_25 = arith.cmpi ne, %convert_element_type3A_23, %cond3A_24 : i32
    scf.if %cond3A_25 {
      %dma_start3A = arith.constant 0 : i32
      %dma_start3A_32 = arith.constant 0 : i32
      %dma_start3A_33 = tpu.memref_slice %arg9[%dma_start3A, %dma_start3A_32] : memref<160x128xi32, #tpu.memory_space<vmem>> -> memref<1x128xi32, #tpu.memory_space<vmem>>
      %dma_start3A_34 = tpu.memref_squeeze %dma_start3A_33 : memref<1x128xi32, #tpu.memory_space<vmem>> -> memref<128xi32, #tpu.memory_space<vmem>>
      %dma_start3A_35 = arith.constant 0 : i32
      %dma_start3A_36 = arith.constant 0 : i32
      %dma_start3A_37 = tpu.memref_slice %arg3[%dma_start3A_35, %dma_start3A_36] : memref<10000x64xf32, #tpu.memory_space<hbm>> -> memref<10000x64xf32, #tpu.memory_space<hbm>>
      tpu.enqueue_indirect_dma source(%dma_start3A_37 : memref<10000x64xf32, #tpu.memory_space<hbm>>) target(%arg13 : memref<128x64xf32, #tpu.memory_space<vmem>>) offsets(%dma_start3A_34 : memref<128xi32, #tpu.memory_space<vmem>>) semaphore(%arg19 : memref<!tpu.dma_semaphore, #tpu.memory_space<semaphore_mem>>)
      %dma_start3A_38 = arith.constant 1 : i32
      %dma_start3A_39 = arith.constant 0 : i32
      %dma_start3A_40 = tpu.memref_slice %arg9[%dma_start3A_38, %dma_start3A_39] : memref<160x128xi32, #tpu.memory_space<vmem>> -> memref<1x128xi32, #tpu.memory_space<vmem>>
      %dma_start3A_41 = tpu.memref_squeeze %dma_start3A_40 : memref<1x128xi32, #tpu.memory_space<vmem>> -> memref<128xi32, #tpu.memory_space<vmem>>
      %dma_start3A_42 = arith.constant 0 : i32
      %dma_start3A_43 = arith.constant 0 : i32
      %dma_start3A_44 = tpu.memref_slice %arg3[%dma_start3A_42, %dma_start3A_43] : memref<10000x64xf32, #tpu.memory_space<hbm>> -> memref<10000x64xf32, #tpu.memory_space<hbm>>
      tpu.enqueue_indirect_dma source(%dma_start3A_44 : memref<10000x64xf32, #tpu.memory_space<hbm>>) target(%arg14 : memref<128x64xf32, #tpu.memory_space<vmem>>) offsets(%dma_start3A_41 : memref<128xi32, #tpu.memory_space<vmem>>) semaphore(%arg20 : memref<!tpu.dma_semaphore, #tpu.memory_space<semaphore_mem>>)
      %dma_start3A_45 = arith.constant 2 : i32
      %dma_start3A_46 = arith.constant 0 : i32
      %dma_start3A_47 = tpu.memref_slice %arg9[%dma_start3A_45, %dma_start3A_46] : memref<160x128xi32, #tpu.memory_space<vmem>> -> memref<1x128xi32, #tpu.memory_space<vmem>>
      %dma_start3A_48 = tpu.memref_squeeze %dma_start3A_47 : memref<1x128xi32, #tpu.memory_space<vmem>> -> memref<128xi32, #tpu.memory_space<vmem>>
      %dma_start3A_49 = arith.constant 0 : i32
      %dma_start3A_50 = arith.constant 0 : i32
      %dma_start3A_51 = tpu.memref_slice %arg3[%dma_start3A_49, %dma_start3A_50] : memref<10000x64xf32, #tpu.memory_space<hbm>> -> memref<10000x64xf32, #tpu.memory_space<hbm>>
      tpu.enqueue_indirect_dma source(%dma_start3A_51 : memref<10000x64xf32, #tpu.memory_space<hbm>>) target(%arg15 : memref<128x64xf32, #tpu.memory_space<vmem>>) offsets(%dma_start3A_48 : memref<128xi32, #tpu.memory_space<vmem>>) semaphore(%arg21 : memref<!tpu.dma_semaphore, #tpu.memory_space<semaphore_mem>>)
      %dma_start3A_52 = arith.constant 3 : i32
      %dma_start3A_53 = arith.constant 0 : i32
      %dma_start3A_54 = tpu.memref_slice %arg9[%dma_start3A_52, %dma_start3A_53] : memref<160x128xi32, #tpu.memory_space<vmem>> -> memref<1x128xi32, #tpu.memory_space<vmem>>
      %dma_start3A_55 = tpu.memref_squeeze %dma_start3A_54 : memref<1x128xi32, #tpu.memory_space<vmem>> -> memref<128xi32, #tpu.memory_space<vmem>>
      %dma_start3A_56 = arith.constant 0 : i32
      %dma_start3A_57 = arith.constant 0 : i32
      %dma_start3A_58 = tpu.memref_slice %arg3[%dma_start3A_56, %dma_start3A_57] : memref<10000x64xf32, #tpu.memory_space<hbm>> -> memref<10000x64xf32, #tpu.memory_space<hbm>>
      tpu.enqueue_indirect_dma source(%dma_start3A_58 : memref<10000x64xf32, #tpu.memory_space<hbm>>) target(%arg16 : memref<128x64xf32, #tpu.memory_space<vmem>>) offsets(%dma_start3A_55 : memref<128xi32, #tpu.memory_space<vmem>>) semaphore(%arg22 : memref<!tpu.dma_semaphore, #tpu.memory_space<semaphore_mem>>)
      %scan3A = arith.constant 0 : i32
      %scan3A_59 = arith.constant 38 : i32
      %scan3A_60 = arith.addi %scan3A, %scan3A_59 : i32
      %scan3A_61 = arith.constant 1 : i32
      scf.for %scan3A_152 = %scan3A to %scan3A_60 step %scan3A_61  : i32 {
        %mul3A_153 = arith.constant 1 : i32
        %mul3A_154 = arith.muli %scan3A_152, %mul3A_153 : i32
        %add3A = arith.constant 0 : i32
        %add3A_155 = arith.addi %add3A, %mul3A_154 : i32
        %mul3A_156 = arith.constant 4 : i32
        %mul3A_157 = arith.muli %add3A_155, %mul3A_156 : i32
        %add3A_158 = arith.constant 0 : i32
        %add3A_159 = arith.addi %mul3A_157, %add3A_158 : i32
        %dma_wait3A_160 = arith.constant 0 : i32
        %dma_wait3A_161 = tpu.memref_slice %arg9[%add3A_159, %dma_wait3A_160] : memref<160x128xi32, #tpu.memory_space<vmem>> -> memref<1x128xi32, #tpu.memory_space<vmem>>
        %dma_wait3A_162 = tpu.memref_squeeze %dma_wait3A_161 : memref<1x128xi32, #tpu.memory_space<vmem>> -> memref<128xi32, #tpu.memory_space<vmem>>
        %dma_wait3A_163 = arith.constant 0 : i32
        %dma_wait3A_164 = arith.constant 0 : i32
        %dma_wait3A_165 = tpu.memref_slice %arg3[%dma_wait3A_163, %dma_wait3A_164] : memref<10000x64xf32, #tpu.memory_space<hbm>> -> memref<10000x64xf32, #tpu.memory_space<hbm>>
        tpu.wait_indirect_dma semaphore(%arg19 : memref<!tpu.dma_semaphore, #tpu.memory_space<semaphore_mem>>) src(%dma_wait3A_165 : memref<10000x64xf32, #tpu.memory_space<hbm>>) dst(%arg13 : memref<128x64xf32, #tpu.memory_space<vmem>>)
        %add3A_166 = arith.constant 0 : i32
        %add3A_167 = arith.addi %mul3A_157, %add3A_166 : i32
        %dma_start3A_168 = arith.constant 0 : i32
        %dma_start3A_169 = tpu.memref_slice %arg10[%add3A_167, %dma_start3A_168] : memref<160x128xi32, #tpu.memory_space<vmem>> -> memref<1x128xi32, #tpu.memory_space<vmem>>
        %dma_start3A_170 = tpu.memref_squeeze %dma_start3A_169 : memref<1x128xi32, #tpu.memory_space<vmem>> -> memref<128xi32, #tpu.memory_space<vmem>>
        %dma_start3A_171 = arith.constant 0 : i32
        %dma_start3A_172 = arith.constant 0 : i32
        %dma_start3A_173 = tpu.memref_slice %arg18[%dma_start3A_171, %dma_start3A_172] : memref<10000x64xf32, #tpu.memory_space<vmem_shared>> -> memref<10000x64xf32, #tpu.memory_space<vmem_shared>>
        tpu.enqueue_indirect_dma source(%arg13 : memref<128x64xf32, #tpu.memory_space<vmem>>) target(%dma_start3A_173 : memref<10000x64xf32, #tpu.memory_space<vmem_shared>>) offsets(%dma_start3A_170 : memref<128xi32, #tpu.memory_space<vmem>>) semaphore(%arg23 : memref<!tpu.dma_semaphore, #tpu.memory_space<semaphore_mem>>) {add = true}
        %add3A_174 = arith.constant 1 : i32
        %add3A_175 = arith.addi %mul3A_157, %add3A_174 : i32
        %dma_wait3A_176 = arith.constant 0 : i32
        %dma_wait3A_177 = tpu.memref_slice %arg9[%add3A_175, %dma_wait3A_176] : memref<160x128xi32, #tpu.memory_space<vmem>> -> memref<1x128xi32, #tpu.memory_space<vmem>>
        %dma_wait3A_178 = tpu.memref_squeeze %dma_wait3A_177 : memref<1x128xi32, #tpu.memory_space<vmem>> -> memref<128xi32, #tpu.memory_space<vmem>>
        %dma_wait3A_179 = arith.constant 0 : i32
        %dma_wait3A_180 = arith.constant 0 : i32
        %dma_wait3A_181 = tpu.memref_slice %arg3[%dma_wait3A_179, %dma_wait3A_180] : memref<10000x64xf32, #tpu.memory_space<hbm>> -> memref<10000x64xf32, #tpu.memory_space<hbm>>
        tpu.wait_indirect_dma semaphore(%arg20 : memref<!tpu.dma_semaphore, #tpu.memory_space<semaphore_mem>>) src(%dma_wait3A_181 : memref<10000x64xf32, #tpu.memory_space<hbm>>) dst(%arg14 : memref<128x64xf32, #tpu.memory_space<vmem>>)
        %add3A_182 = arith.constant 1 : i32
        %add3A_183 = arith.addi %mul3A_157, %add3A_182 : i32
        %dma_start3A_184 = arith.constant 0 : i32
        %dma_start3A_185 = tpu.memref_slice %arg10[%add3A_183, %dma_start3A_184] : memref<160x128xi32, #tpu.memory_space<vmem>> -> memref<1x128xi32, #tpu.memory_space<vmem>>
        %dma_start3A_186 = tpu.memref_squeeze %dma_start3A_185 : memref<1x128xi32, #tpu.memory_space<vmem>> -> memref<128xi32, #tpu.memory_space<vmem>>
        %dma_start3A_187 = arith.constant 0 : i32
        %dma_start3A_188 = arith.constant 0 : i32
        %dma_start3A_189 = tpu.memref_slice %arg18[%dma_start3A_187, %dma_start3A_188] : memref<10000x64xf32, #tpu.memory_space<vmem_shared>> -> memref<10000x64xf32, #tpu.memory_space<vmem_shared>>
        tpu.enqueue_indirect_dma source(%arg14 : memref<128x64xf32, #tpu.memory_space<vmem>>) target(%dma_start3A_189 : memref<10000x64xf32, #tpu.memory_space<vmem_shared>>) offsets(%dma_start3A_186 : memref<128xi32, #tpu.memory_space<vmem>>) semaphore(%arg24 : memref<!tpu.dma_semaphore, #tpu.memory_space<semaphore_mem>>) {add = true}
        %add3A_190 = arith.constant 2 : i32
        %add3A_191 = arith.addi %mul3A_157, %add3A_190 : i32
        %dma_wait3A_192 = arith.constant 0 : i32
        %dma_wait3A_193 = tpu.memref_slice %arg9[%add3A_191, %dma_wait3A_192] : memref<160x128xi32, #tpu.memory_space<vmem>> -> memref<1x128xi32, #tpu.memory_space<vmem>>
        %dma_wait3A_194 = tpu.memref_squeeze %dma_wait3A_193 : memref<1x128xi32, #tpu.memory_space<vmem>> -> memref<128xi32, #tpu.memory_space<vmem>>
        %dma_wait3A_195 = arith.constant 0 : i32
        %dma_wait3A_196 = arith.constant 0 : i32
        %dma_wait3A_197 = tpu.memref_slice %arg3[%dma_wait3A_195, %dma_wait3A_196] : memref<10000x64xf32, #tpu.memory_space<hbm>> -> memref<10000x64xf32, #tpu.memory_space<hbm>>
        tpu.wait_indirect_dma semaphore(%arg21 : memref<!tpu.dma_semaphore, #tpu.memory_space<semaphore_mem>>) src(%dma_wait3A_197 : memref<10000x64xf32, #tpu.memory_space<hbm>>) dst(%arg15 : memref<128x64xf32, #tpu.memory_space<vmem>>)
        %add3A_198 = arith.constant 2 : i32
        %add3A_199 = arith.addi %mul3A_157, %add3A_198 : i32
        %dma_start3A_200 = arith.constant 0 : i32
        %dma_start3A_201 = tpu.memref_slice %arg10[%add3A_199, %dma_start3A_200] : memref<160x128xi32, #tpu.memory_space<vmem>> -> memref<1x128xi32, #tpu.memory_space<vmem>>
        %dma_start3A_202 = tpu.memref_squeeze %dma_start3A_201 : memref<1x128xi32, #tpu.memory_space<vmem>> -> memref<128xi32, #tpu.memory_space<vmem>>
        %dma_start3A_203 = arith.constant 0 : i32
        %dma_start3A_204 = arith.constant 0 : i32
        %dma_start3A_205 = tpu.memref_slice %arg18[%dma_start3A_203, %dma_start3A_204] : memref<10000x64xf32, #tpu.memory_space<vmem_shared>> -> memref<10000x64xf32, #tpu.memory_space<vmem_shared>>
        tpu.enqueue_indirect_dma source(%arg15 : memref<128x64xf32, #tpu.memory_space<vmem>>) target(%dma_start3A_205 : memref<10000x64xf32, #tpu.memory_space<vmem_shared>>) offsets(%dma_start3A_202 : memref<128xi32, #tpu.memory_space<vmem>>) semaphore(%arg25 : memref<!tpu.dma_semaphore, #tpu.memory_space<semaphore_mem>>) {add = true}
        %add3A_206 = arith.constant 3 : i32
        %add3A_207 = arith.addi %mul3A_157, %add3A_206 : i32
        %dma_wait3A_208 = arith.constant 0 : i32
        %dma_wait3A_209 = tpu.memref_slice %arg9[%add3A_207, %dma_wait3A_208] : memref<160x128xi32, #tpu.memory_space<vmem>> -> memref<1x128xi32, #tpu.memory_space<vmem>>
        %dma_wait3A_210 = tpu.memref_squeeze %dma_wait3A_209 : memref<1x128xi32, #tpu.memory_space<vmem>> -> memref<128xi32, #tpu.memory_space<vmem>>
        %dma_wait3A_211 = arith.constant 0 : i32
        %dma_wait3A_212 = arith.constant 0 : i32
        %dma_wait3A_213 = tpu.memref_slice %arg3[%dma_wait3A_211, %dma_wait3A_212] : memref<10000x64xf32, #tpu.memory_space<hbm>> -> memref<10000x64xf32, #tpu.memory_space<hbm>>
        tpu.wait_indirect_dma semaphore(%arg22 : memref<!tpu.dma_semaphore, #tpu.memory_space<semaphore_mem>>) src(%dma_wait3A_213 : memref<10000x64xf32, #tpu.memory_space<hbm>>) dst(%arg16 : memref<128x64xf32, #tpu.memory_space<vmem>>)
        %add3A_214 = arith.constant 3 : i32
        %add3A_215 = arith.addi %mul3A_157, %add3A_214 : i32
        %dma_start3A_216 = arith.constant 0 : i32
        %dma_start3A_217 = tpu.memref_slice %arg10[%add3A_215, %dma_start3A_216] : memref<160x128xi32, #tpu.memory_space<vmem>> -> memref<1x128xi32, #tpu.memory_space<vmem>>
        %dma_start3A_218 = tpu.memref_squeeze %dma_start3A_217 : memref<1x128xi32, #tpu.memory_space<vmem>> -> memref<128xi32, #tpu.memory_space<vmem>>
        %dma_start3A_219 = arith.constant 0 : i32
        %dma_start3A_220 = arith.constant 0 : i32
        %dma_start3A_221 = tpu.memref_slice %arg18[%dma_start3A_219, %dma_start3A_220] : memref<10000x64xf32, #tpu.memory_space<vmem_shared>> -> memref<10000x64xf32, #tpu.memory_space<vmem_shared>>
        tpu.enqueue_indirect_dma source(%arg16 : memref<128x64xf32, #tpu.memory_space<vmem>>) target(%dma_start3A_221 : memref<10000x64xf32, #tpu.memory_space<vmem_shared>>) offsets(%dma_start3A_218 : memref<128xi32, #tpu.memory_space<vmem>>) semaphore(%arg26 : memref<!tpu.dma_semaphore, #tpu.memory_space<semaphore_mem>>) {add = true}
        %add3A_222 = arith.constant 0 : i32
        %add3A_223 = arith.addi %mul3A_157, %add3A_222 : i32
        %dma_wait3A_224 = arith.constant 0 : i32
        %dma_wait3A_225 = tpu.memref_slice %arg10[%add3A_223, %dma_wait3A_224] : memref<160x128xi32, #tpu.memory_space<vmem>> -> memref<1x128xi32, #tpu.memory_space<vmem>>
        %dma_wait3A_226 = tpu.memref_squeeze %dma_wait3A_225 : memref<1x128xi32, #tpu.memory_space<vmem>> -> memref<128xi32, #tpu.memory_space<vmem>>
        %dma_wait3A_227 = arith.constant 0 : i32
        %dma_wait3A_228 = arith.constant 0 : i32
        %dma_wait3A_229 = tpu.memref_slice %arg18[%dma_wait3A_227, %dma_wait3A_228] : memref<10000x64xf32, #tpu.memory_space<vmem_shared>> -> memref<10000x64xf32, #tpu.memory_space<vmem_shared>>
        tpu.wait_indirect_dma semaphore(%arg23 : memref<!tpu.dma_semaphore, #tpu.memory_space<semaphore_mem>>) src(%arg13 : memref<128x64xf32, #tpu.memory_space<vmem>>) dst(%dma_wait3A_229 : memref<10000x64xf32, #tpu.memory_space<vmem_shared>>)
        %add3A_230 = arith.constant 4 : i32
        %add3A_231 = arith.addi %mul3A_157, %add3A_230 : i32
        %add3A_232 = arith.constant 0 : i32
        %add3A_233 = arith.addi %add3A_231, %add3A_232 : i32
        %dma_start3A_234 = arith.constant 0 : i32
        %dma_start3A_235 = tpu.memref_slice %arg9[%add3A_233, %dma_start3A_234] : memref<160x128xi32, #tpu.memory_space<vmem>> -> memref<1x128xi32, #tpu.memory_space<vmem>>
        %dma_start3A_236 = tpu.memref_squeeze %dma_start3A_235 : memref<1x128xi32, #tpu.memory_space<vmem>> -> memref<128xi32, #tpu.memory_space<vmem>>
        %dma_start3A_237 = arith.constant 0 : i32
        %dma_start3A_238 = arith.constant 0 : i32
        %dma_start3A_239 = tpu.memref_slice %arg3[%dma_start3A_237, %dma_start3A_238] : memref<10000x64xf32, #tpu.memory_space<hbm>> -> memref<10000x64xf32, #tpu.memory_space<hbm>>
        tpu.enqueue_indirect_dma source(%dma_start3A_239 : memref<10000x64xf32, #tpu.memory_space<hbm>>) target(%arg13 : memref<128x64xf32, #tpu.memory_space<vmem>>) offsets(%dma_start3A_236 : memref<128xi32, #tpu.memory_space<vmem>>) semaphore(%arg19 : memref<!tpu.dma_semaphore, #tpu.memory_space<semaphore_mem>>)
        %add3A_240 = arith.constant 1 : i32
        %add3A_241 = arith.addi %mul3A_157, %add3A_240 : i32
        %dma_wait3A_242 = arith.constant 0 : i32
        %dma_wait3A_243 = tpu.memref_slice %arg10[%add3A_241, %dma_wait3A_242] : memref<160x128xi32, #tpu.memory_space<vmem>> -> memref<1x128xi32, #tpu.memory_space<vmem>>
        %dma_wait3A_244 = tpu.memref_squeeze %dma_wait3A_243 : memref<1x128xi32, #tpu.memory_space<vmem>> -> memref<128xi32, #tpu.memory_space<vmem>>
        %dma_wait3A_245 = arith.constant 0 : i32
        %dma_wait3A_246 = arith.constant 0 : i32
        %dma_wait3A_247 = tpu.memref_slice %arg18[%dma_wait3A_245, %dma_wait3A_246] : memref<10000x64xf32, #tpu.memory_space<vmem_shared>> -> memref<10000x64xf32, #tpu.memory_space<vmem_shared>>
        tpu.wait_indirect_dma semaphore(%arg24 : memref<!tpu.dma_semaphore, #tpu.memory_space<semaphore_mem>>) src(%arg14 : memref<128x64xf32, #tpu.memory_space<vmem>>) dst(%dma_wait3A_247 : memref<10000x64xf32, #tpu.memory_space<vmem_shared>>)
        %add3A_248 = arith.constant 4 : i32
        %add3A_249 = arith.addi %mul3A_157, %add3A_248 : i32
        %add3A_250 = arith.constant 1 : i32
        %add3A_251 = arith.addi %add3A_249, %add3A_250 : i32
        %dma_start3A_252 = arith.constant 0 : i32
        %dma_start3A_253 = tpu.memref_slice %arg9[%add3A_251, %dma_start3A_252] : memref<160x128xi32, #tpu.memory_space<vmem>> -> memref<1x128xi32, #tpu.memory_space<vmem>>
        %dma_start3A_254 = tpu.memref_squeeze %dma_start3A_253 : memref<1x128xi32, #tpu.memory_space<vmem>> -> memref<128xi32, #tpu.memory_space<vmem>>
        %dma_start3A_255 = arith.constant 0 : i32
        %dma_start3A_256 = arith.constant 0 : i32
        %dma_start3A_257 = tpu.memref_slice %arg3[%dma_start3A_255, %dma_start3A_256] : memref<10000x64xf32, #tpu.memory_space<hbm>> -> memref<10000x64xf32, #tpu.memory_space<hbm>>
        tpu.enqueue_indirect_dma source(%dma_start3A_257 : memref<10000x64xf32, #tpu.memory_space<hbm>>) target(%arg14 : memref<128x64xf32, #tpu.memory_space<vmem>>) offsets(%dma_start3A_254 : memref<128xi32, #tpu.memory_space<vmem>>) semaphore(%arg20 : memref<!tpu.dma_semaphore, #tpu.memory_space<semaphore_mem>>)
        %add3A_258 = arith.constant 2 : i32
        %add3A_259 = arith.addi %mul3A_157, %add3A_258 : i32
        %dma_wait3A_260 = arith.constant 0 : i32
        %dma_wait3A_261 = tpu.memref_slice %arg10[%add3A_259, %dma_wait3A_260] : memref<160x128xi32, #tpu.memory_space<vmem>> -> memref<1x128xi32, #tpu.memory_space<vmem>>
        %dma_wait3A_262 = tpu.memref_squeeze %dma_wait3A_261 : memref<1x128xi32, #tpu.memory_space<vmem>> -> memref<128xi32, #tpu.memory_space<vmem>>
        %dma_wait3A_263 = arith.constant 0 : i32
        %dma_wait3A_264 = arith.constant 0 : i32
        %dma_wait3A_265 = tpu.memref_slice %arg18[%dma_wait3A_263, %dma_wait3A_264] : memref<10000x64xf32, #tpu.memory_space<vmem_shared>> -> memref<10000x64xf32, #tpu.memory_space<vmem_shared>>
        tpu.wait_indirect_dma semaphore(%arg25 : memref<!tpu.dma_semaphore, #tpu.memory_space<semaphore_mem>>) src(%arg15 : memref<128x64xf32, #tpu.memory_space<vmem>>) dst(%dma_wait3A_265 : memref<10000x64xf32, #tpu.memory_space<vmem_shared>>)
        %add3A_266 = arith.constant 4 : i32
        %add3A_267 = arith.addi %mul3A_157, %add3A_266 : i32
        %add3A_268 = arith.constant 2 : i32
        %add3A_269 = arith.addi %add3A_267, %add3A_268 : i32
        %dma_start3A_270 = arith.constant 0 : i32
        %dma_start3A_271 = tpu.memref_slice %arg9[%add3A_269, %dma_start3A_270] : memref<160x128xi32, #tpu.memory_space<vmem>> -> memref<1x128xi32, #tpu.memory_space<vmem>>
        %dma_start3A_272 = tpu.memref_squeeze %dma_start3A_271 : memref<1x128xi32, #tpu.memory_space<vmem>> -> memref<128xi32, #tpu.memory_space<vmem>>
        %dma_start3A_273 = arith.constant 0 : i32
        %dma_start3A_274 = arith.constant 0 : i32
        %dma_start3A_275 = tpu.memref_slice %arg3[%dma_start3A_273, %dma_start3A_274] : memref<10000x64xf32, #tpu.memory_space<hbm>> -> memref<10000x64xf32, #tpu.memory_space<hbm>>
        tpu.enqueue_indirect_dma source(%dma_start3A_275 : memref<10000x64xf32, #tpu.memory_space<hbm>>) target(%arg15 : memref<128x64xf32, #tpu.memory_space<vmem>>) offsets(%dma_start3A_272 : memref<128xi32, #tpu.memory_space<vmem>>) semaphore(%arg21 : memref<!tpu.dma_semaphore, #tpu.memory_space<semaphore_mem>>)
        %add3A_276 = arith.constant 3 : i32
        %add3A_277 = arith.addi %mul3A_157, %add3A_276 : i32
        %dma_wait3A_278 = arith.constant 0 : i32
        %dma_wait3A_279 = tpu.memref_slice %arg10[%add3A_277, %dma_wait3A_278] : memref<160x128xi32, #tpu.memory_space<vmem>> -> memref<1x128xi32, #tpu.memory_space<vmem>>
        %dma_wait3A_280 = tpu.memref_squeeze %dma_wait3A_279 : memref<1x128xi32, #tpu.memory_space<vmem>> -> memref<128xi32, #tpu.memory_space<vmem>>
        %dma_wait3A_281 = arith.constant 0 : i32
        %dma_wait3A_282 = arith.constant 0 : i32
        %dma_wait3A_283 = tpu.memref_slice %arg18[%dma_wait3A_281, %dma_wait3A_282] : memref<10000x64xf32, #tpu.memory_space<vmem_shared>> -> memref<10000x64xf32, #tpu.memory_space<vmem_shared>>
        tpu.wait_indirect_dma semaphore(%arg26 : memref<!tpu.dma_semaphore, #tpu.memory_space<semaphore_mem>>) src(%arg16 : memref<128x64xf32, #tpu.memory_space<vmem>>) dst(%dma_wait3A_283 : memref<10000x64xf32, #tpu.memory_space<vmem_shared>>)
        %add3A_284 = arith.constant 4 : i32
        %add3A_285 = arith.addi %mul3A_157, %add3A_284 : i32
        %add3A_286 = arith.constant 3 : i32
        %add3A_287 = arith.addi %add3A_285, %add3A_286 : i32
        %dma_start3A_288 = arith.constant 0 : i32
        %dma_start3A_289 = tpu.memref_slice %arg9[%add3A_287, %dma_start3A_288] : memref<160x128xi32, #tpu.memory_space<vmem>> -> memref<1x128xi32, #tpu.memory_space<vmem>>
        %dma_start3A_290 = tpu.memref_squeeze %dma_start3A_289 : memref<1x128xi32, #tpu.memory_space<vmem>> -> memref<128xi32, #tpu.memory_space<vmem>>
        %dma_start3A_291 = arith.constant 0 : i32
        %dma_start3A_292 = arith.constant 0 : i32
        %dma_start3A_293 = tpu.memref_slice %arg3[%dma_start3A_291, %dma_start3A_292] : memref<10000x64xf32, #tpu.memory_space<hbm>> -> memref<10000x64xf32, #tpu.memory_space<hbm>>
        tpu.enqueue_indirect_dma source(%dma_start3A_293 : memref<10000x64xf32, #tpu.memory_space<hbm>>) target(%arg16 : memref<128x64xf32, #tpu.memory_space<vmem>>) offsets(%dma_start3A_290 : memref<128xi32, #tpu.memory_space<vmem>>) semaphore(%arg22 : memref<!tpu.dma_semaphore, #tpu.memory_space<semaphore_mem>>)
      }
      %scan3A_62 = arith.constant 38 : i32
      %dma_wait3A = arith.constant 152 : i32
      %dma_wait3A_63 = arith.constant 0 : i32
      %dma_wait3A_64 = tpu.memref_slice %arg9[%dma_wait3A, %dma_wait3A_63] : memref<160x128xi32, #tpu.memory_space<vmem>> -> memref<1x128xi32, #tpu.memory_space<vmem>>
      %dma_wait3A_65 = tpu.memref_squeeze %dma_wait3A_64 : memref<1x128xi32, #tpu.memory_space<vmem>> -> memref<128xi32, #tpu.memory_space<vmem>>
      %dma_wait3A_66 = arith.constant 0 : i32
      %dma_wait3A_67 = arith.constant 0 : i32
      %dma_wait3A_68 = tpu.memref_slice %arg3[%dma_wait3A_66, %dma_wait3A_67] : memref<10000x64xf32, #tpu.memory_space<hbm>> -> memref<10000x64xf32, #tpu.memory_space<hbm>>
      tpu.wait_indirect_dma semaphore(%arg19 : memref<!tpu.dma_semaphore, #tpu.memory_space<semaphore_mem>>) src(%dma_wait3A_68 : memref<10000x64xf32, #tpu.memory_space<hbm>>) dst(%arg13 : memref<128x64xf32, #tpu.memory_space<vmem>>)
      %dma_start3A_69 = arith.constant 152 : i32
      %dma_start3A_70 = arith.constant 0 : i32
      %dma_start3A_71 = tpu.memref_slice %arg10[%dma_start3A_69, %dma_start3A_70] : memref<160x128xi32, #tpu.memory_space<vmem>> -> memref<1x128xi32, #tpu.memory_space<vmem>>
      %dma_start3A_72 = tpu.memref_squeeze %dma_start3A_71 : memref<1x128xi32, #tpu.memory_space<vmem>> -> memref<128xi32, #tpu.memory_space<vmem>>
      %dma_start3A_73 = arith.constant 0 : i32
      %dma_start3A_74 = arith.constant 0 : i32
      %dma_start3A_75 = tpu.memref_slice %arg18[%dma_start3A_73, %dma_start3A_74] : memref<10000x64xf32, #tpu.memory_space<vmem_shared>> -> memref<10000x64xf32, #tpu.memory_space<vmem_shared>>
      tpu.enqueue_indirect_dma source(%arg13 : memref<128x64xf32, #tpu.memory_space<vmem>>) target(%dma_start3A_75 : memref<10000x64xf32, #tpu.memory_space<vmem_shared>>) offsets(%dma_start3A_72 : memref<128xi32, #tpu.memory_space<vmem>>) semaphore(%arg23 : memref<!tpu.dma_semaphore, #tpu.memory_space<semaphore_mem>>) {add = true}
      %dma_wait3A_76 = arith.constant 153 : i32
      %dma_wait3A_77 = arith.constant 0 : i32
      %dma_wait3A_78 = tpu.memref_slice %arg9[%dma_wait3A_76, %dma_wait3A_77] : memref<160x128xi32, #tpu.memory_space<vmem>> -> memref<1x128xi32, #tpu.memory_space<vmem>>
      %dma_wait3A_79 = tpu.memref_squeeze %dma_wait3A_78 : memref<1x128xi32, #tpu.memory_space<vmem>> -> memref<128xi32, #tpu.memory_space<vmem>>
      %dma_wait3A_80 = arith.constant 0 : i32
      %dma_wait3A_81 = arith.constant 0 : i32
      %dma_wait3A_82 = tpu.memref_slice %arg3[%dma_wait3A_80, %dma_wait3A_81] : memref<10000x64xf32, #tpu.memory_space<hbm>> -> memref<10000x64xf32, #tpu.memory_space<hbm>>
      tpu.wait_indirect_dma semaphore(%arg20 : memref<!tpu.dma_semaphore, #tpu.memory_space<semaphore_mem>>) src(%dma_wait3A_82 : memref<10000x64xf32, #tpu.memory_space<hbm>>) dst(%arg14 : memref<128x64xf32, #tpu.memory_space<vmem>>)
      %dma_start3A_83 = arith.constant 153 : i32
      %dma_start3A_84 = arith.constant 0 : i32
      %dma_start3A_85 = tpu.memref_slice %arg10[%dma_start3A_83, %dma_start3A_84] : memref<160x128xi32, #tpu.memory_space<vmem>> -> memref<1x128xi32, #tpu.memory_space<vmem>>
      %dma_start3A_86 = tpu.memref_squeeze %dma_start3A_85 : memref<1x128xi32, #tpu.memory_space<vmem>> -> memref<128xi32, #tpu.memory_space<vmem>>
      %dma_start3A_87 = arith.constant 0 : i32
      %dma_start3A_88 = arith.constant 0 : i32
      %dma_start3A_89 = tpu.memref_slice %arg18[%dma_start3A_87, %dma_start3A_88] : memref<10000x64xf32, #tpu.memory_space<vmem_shared>> -> memref<10000x64xf32, #tpu.memory_space<vmem_shared>>
      tpu.enqueue_indirect_dma source(%arg14 : memref<128x64xf32, #tpu.memory_space<vmem>>) target(%dma_start3A_89 : memref<10000x64xf32, #tpu.memory_space<vmem_shared>>) offsets(%dma_start3A_86 : memref<128xi32, #tpu.memory_space<vmem>>) semaphore(%arg24 : memref<!tpu.dma_semaphore, #tpu.memory_space<semaphore_mem>>) {add = true}
      %dma_wait3A_90 = arith.constant 154 : i32
      %dma_wait3A_91 = arith.constant 0 : i32
      %dma_wait3A_92 = tpu.memref_slice %arg9[%dma_wait3A_90, %dma_wait3A_91] : memref<160x128xi32, #tpu.memory_space<vmem>> -> memref<1x128xi32, #tpu.memory_space<vmem>>
      %dma_wait3A_93 = tpu.memref_squeeze %dma_wait3A_92 : memref<1x128xi32, #tpu.memory_space<vmem>> -> memref<128xi32, #tpu.memory_space<vmem>>
      %dma_wait3A_94 = arith.constant 0 : i32
      %dma_wait3A_95 = arith.constant 0 : i32
      %dma_wait3A_96 = tpu.memref_slice %arg3[%dma_wait3A_94, %dma_wait3A_95] : memref<10000x64xf32, #tpu.memory_space<hbm>> -> memref<10000x64xf32, #tpu.memory_space<hbm>>
      tpu.wait_indirect_dma semaphore(%arg21 : memref<!tpu.dma_semaphore, #tpu.memory_space<semaphore_mem>>) src(%dma_wait3A_96 : memref<10000x64xf32, #tpu.memory_space<hbm>>) dst(%arg15 : memref<128x64xf32, #tpu.memory_space<vmem>>)
      %dma_start3A_97 = arith.constant 154 : i32
      %dma_start3A_98 = arith.constant 0 : i32
      %dma_start3A_99 = tpu.memref_slice %arg10[%dma_start3A_97, %dma_start3A_98] : memref<160x128xi32, #tpu.memory_space<vmem>> -> memref<1x128xi32, #tpu.memory_space<vmem>>
      %dma_start3A_100 = tpu.memref_squeeze %dma_start3A_99 : memref<1x128xi32, #tpu.memory_space<vmem>> -> memref<128xi32, #tpu.memory_space<vmem>>
      %dma_start3A_101 = arith.constant 0 : i32
      %dma_start3A_102 = arith.constant 0 : i32
      %dma_start3A_103 = tpu.memref_slice %arg18[%dma_start3A_101, %dma_start3A_102] : memref<10000x64xf32, #tpu.memory_space<vmem_shared>> -> memref<10000x64xf32, #tpu.memory_space<vmem_shared>>
      tpu.enqueue_indirect_dma source(%arg15 : memref<128x64xf32, #tpu.memory_space<vmem>>) target(%dma_start3A_103 : memref<10000x64xf32, #tpu.memory_space<vmem_shared>>) offsets(%dma_start3A_100 : memref<128xi32, #tpu.memory_space<vmem>>) semaphore(%arg25 : memref<!tpu.dma_semaphore, #tpu.memory_space<semaphore_mem>>) {add = true}
      %dma_wait3A_104 = arith.constant 155 : i32
      %dma_wait3A_105 = arith.constant 0 : i32
      %dma_wait3A_106 = tpu.memref_slice %arg9[%dma_wait3A_104, %dma_wait3A_105] : memref<160x128xi32, #tpu.memory_space<vmem>> -> memref<1x128xi32, #tpu.memory_space<vmem>>
      %dma_wait3A_107 = tpu.memref_squeeze %dma_wait3A_106 : memref<1x128xi32, #tpu.memory_space<vmem>> -> memref<128xi32, #tpu.memory_space<vmem>>
      %dma_wait3A_108 = arith.constant 0 : i32
      %dma_wait3A_109 = arith.constant 0 : i32
      %dma_wait3A_110 = tpu.memref_slice %arg3[%dma_wait3A_108, %dma_wait3A_109] : memref<10000x64xf32, #tpu.memory_space<hbm>> -> memref<10000x64xf32, #tpu.memory_space<hbm>>
      tpu.wait_indirect_dma semaphore(%arg22 : memref<!tpu.dma_semaphore, #tpu.memory_space<semaphore_mem>>) src(%dma_wait3A_110 : memref<10000x64xf32, #tpu.memory_space<hbm>>) dst(%arg16 : memref<128x64xf32, #tpu.memory_space<vmem>>)
      %dma_start3A_111 = arith.constant 155 : i32
      %dma_start3A_112 = arith.constant 0 : i32
      %dma_start3A_113 = tpu.memref_slice %arg10[%dma_start3A_111, %dma_start3A_112] : memref<160x128xi32, #tpu.memory_space<vmem>> -> memref<1x128xi32, #tpu.memory_space<vmem>>
      %dma_start3A_114 = tpu.memref_squeeze %dma_start3A_113 : memref<1x128xi32, #tpu.memory_space<vmem>> -> memref<128xi32, #tpu.memory_space<vmem>>
      %dma_start3A_115 = arith.constant 0 : i32
      %dma_start3A_116 = arith.constant 0 : i32
      %dma_start3A_117 = tpu.memref_slice %arg18[%dma_start3A_115, %dma_start3A_116] : memref<10000x64xf32, #tpu.memory_space<vmem_shared>> -> memref<10000x64xf32, #tpu.memory_space<vmem_shared>>
      tpu.enqueue_indirect_dma source(%arg16 : memref<128x64xf32, #tpu.memory_space<vmem>>) target(%dma_start3A_117 : memref<10000x64xf32, #tpu.memory_space<vmem_shared>>) offsets(%dma_start3A_114 : memref<128xi32, #tpu.memory_space<vmem>>) semaphore(%arg26 : memref<!tpu.dma_semaphore, #tpu.memory_space<semaphore_mem>>) {add = true}
      %dma_wait3A_118 = arith.constant 152 : i32
      %dma_wait3A_119 = arith.constant 0 : i32
      %dma_wait3A_120 = tpu.memref_slice %arg10[%dma_wait3A_118, %dma_wait3A_119] : memref<160x128xi32, #tpu.memory_space<vmem>> -> memref<1x128xi32, #tpu.memory_space<vmem>>
      %dma_wait3A_121 = tpu.memref_squeeze %dma_wait3A_120 : memref<1x128xi32, #tpu.memory_space<vmem>> -> memref<128xi32, #tpu.memory_space<vmem>>
      %dma_wait3A_122 = arith.constant 0 : i32
      %dma_wait3A_123 = arith.constant 0 : i32
      %dma_wait3A_124 = tpu.memref_slice %arg18[%dma_wait3A_122, %dma_wait3A_123] : memref<10000x64xf32, #tpu.memory_space<vmem_shared>> -> memref<10000x64xf32, #tpu.memory_space<vmem_shared>>
      tpu.wait_indirect_dma semaphore(%arg23 : memref<!tpu.dma_semaphore, #tpu.memory_space<semaphore_mem>>) src(%arg13 : memref<128x64xf32, #tpu.memory_space<vmem>>) dst(%dma_wait3A_124 : memref<10000x64xf32, #tpu.memory_space<vmem_shared>>)
      %dma_wait3A_125 = arith.constant 153 : i32
      %dma_wait3A_126 = arith.constant 0 : i32
      %dma_wait3A_127 = tpu.memref_slice %arg10[%dma_wait3A_125, %dma_wait3A_126] : memref<160x128xi32, #tpu.memory_space<vmem>> -> memref<1x128xi32, #tpu.memory_space<vmem>>
      %dma_wait3A_128 = tpu.memref_squeeze %dma_wait3A_127 : memref<1x128xi32, #tpu.memory_space<vmem>> -> memref<128xi32, #tpu.memory_space<vmem>>
      %dma_wait3A_129 = arith.constant 0 : i32
      %dma_wait3A_130 = arith.constant 0 : i32
      %dma_wait3A_131 = tpu.memref_slice %arg18[%dma_wait3A_129, %dma_wait3A_130] : memref<10000x64xf32, #tpu.memory_space<vmem_shared>> -> memref<10000x64xf32, #tpu.memory_space<vmem_shared>>
      tpu.wait_indirect_dma semaphore(%arg24 : memref<!tpu.dma_semaphore, #tpu.memory_space<semaphore_mem>>) src(%arg14 : memref<128x64xf32, #tpu.memory_space<vmem>>) dst(%dma_wait3A_131 : memref<10000x64xf32, #tpu.memory_space<vmem_shared>>)
      %dma_wait3A_132 = arith.constant 154 : i32
      %dma_wait3A_133 = arith.constant 0 : i32
      %dma_wait3A_134 = tpu.memref_slice %arg10[%dma_wait3A_132, %dma_wait3A_133] : memref<160x128xi32, #tpu.memory_space<vmem>> -> memref<1x128xi32, #tpu.memory_space<vmem>>
      %dma_wait3A_135 = tpu.memref_squeeze %dma_wait3A_134 : memref<1x128xi32, #tpu.memory_space<vmem>> -> memref<128xi32, #tpu.memory_space<vmem>>
      %dma_wait3A_136 = arith.constant 0 : i32
      %dma_wait3A_137 = arith.constant 0 : i32
      %dma_wait3A_138 = tpu.memref_slice %arg18[%dma_wait3A_136, %dma_wait3A_137] : memref<10000x64xf32, #tpu.memory_space<vmem_shared>> -> memref<10000x64xf32, #tpu.memory_space<vmem_shared>>
      tpu.wait_indirect_dma semaphore(%arg25 : memref<!tpu.dma_semaphore, #tpu.memory_space<semaphore_mem>>) src(%arg15 : memref<128x64xf32, #tpu.memory_space<vmem>>) dst(%dma_wait3A_138 : memref<10000x64xf32, #tpu.memory_space<vmem_shared>>)
      %dma_wait3A_139 = arith.constant 155 : i32
      %dma_wait3A_140 = arith.constant 0 : i32
      %dma_wait3A_141 = tpu.memref_slice %arg10[%dma_wait3A_139, %dma_wait3A_140] : memref<160x128xi32, #tpu.memory_space<vmem>> -> memref<1x128xi32, #tpu.memory_space<vmem>>
      %dma_wait3A_142 = tpu.memref_squeeze %dma_wait3A_141 : memref<1x128xi32, #tpu.memory_space<vmem>> -> memref<128xi32, #tpu.memory_space<vmem>>
      %dma_wait3A_143 = arith.constant 0 : i32
      %dma_wait3A_144 = arith.constant 0 : i32
      %dma_wait3A_145 = tpu.memref_slice %arg18[%dma_wait3A_143, %dma_wait3A_144] : memref<10000x64xf32, #tpu.memory_space<vmem_shared>> -> memref<10000x64xf32, #tpu.memory_space<vmem_shared>>
      tpu.wait_indirect_dma semaphore(%arg26 : memref<!tpu.dma_semaphore, #tpu.memory_space<semaphore_mem>>) src(%arg16 : memref<128x64xf32, #tpu.memory_space<vmem>>) dst(%dma_wait3A_145 : memref<10000x64xf32, #tpu.memory_space<vmem_shared>>)
      %dma_start3A_146 = arith.constant 0 : i32
      %dma_start3A_147 = arith.constant 0 : i32
      %dma_start3A_148 = tpu.memref_slice %arg3[%dma_start3A_146, %dma_start3A_147] : memref<10000x64xf32, #tpu.memory_space<hbm>> -> memref<10000x64xf32, #tpu.memory_space<hbm>>
      tpu.enqueue_indirect_dma source(%dma_start3A_148 : memref<10000x64xf32, #tpu.memory_space<hbm>>) target(%arg17 : memref<32x64xf32, #tpu.memory_space<vmem>>) offsets(%arg11 : memref<32xi32, #tpu.memory_space<vmem>>) semaphore(%arg19 : memref<!tpu.dma_semaphore, #tpu.memory_space<semaphore_mem>>)
      %dma_wait3A_149 = arith.constant 0 : i32
      %dma_wait3A_150 = arith.constant 0 : i32
      %dma_wait3A_151 = tpu.memref_slice %arg3[%dma_wait3A_149, %dma_wait3A_150] : memref<10000x64xf32, #tpu.memory_space<hbm>> -> memref<10000x64xf32, #tpu.memory_space<hbm>>
      tpu.wait_indirect_dma semaphore(%arg19 : memref<!tpu.dma_semaphore, #tpu.memory_space<semaphore_mem>>) src(%dma_wait3A_151 : memref<10000x64xf32, #tpu.memory_space<hbm>>) dst(%arg17 : memref<32x64xf32, #tpu.memory_space<vmem>>)
      "tpu.region"() ({
        %run_scoped3A = tpu.sem_alloc : memref<!tpu.dma_semaphore, #tpu.memory_space<semaphore_mem>>
        %dma_start3A_152 = arith.constant 0 : i32
        %dma_start3A_153 = arith.constant 0 : i32
        %dma_start3A_154 = tpu.memref_slice %arg18[%dma_start3A_152, %dma_start3A_153] : memref<10000x64xf32, #tpu.memory_space<vmem_shared>> -> memref<10000x64xf32, #tpu.memory_space<vmem_shared>>
        tpu.enqueue_indirect_dma source(%arg17 : memref<32x64xf32, #tpu.memory_space<vmem>>) target(%dma_start3A_154 : memref<10000x64xf32, #tpu.memory_space<vmem_shared>>) offsets(%arg12 : memref<32xi32, #tpu.memory_space<vmem>>) semaphore(%run_scoped3A : memref<!tpu.dma_semaphore, #tpu.memory_space<semaphore_mem>>) {add = true}
        %dma_wait3A_155 = arith.constant 0 : i32
        %dma_wait3A_156 = arith.constant 0 : i32
        %dma_wait3A_157 = tpu.memref_slice %arg18[%dma_wait3A_155, %dma_wait3A_156] : memref<10000x64xf32, #tpu.memory_space<vmem_shared>> -> memref<10000x64xf32, #tpu.memory_space<vmem_shared>>
        tpu.wait_indirect_dma semaphore(%run_scoped3A : memref<!tpu.dma_semaphore, #tpu.memory_space<semaphore_mem>>) src(%arg17 : memref<32x64xf32, #tpu.memory_space<vmem>>) dst(%dma_wait3A_157 : memref<10000x64xf32, #tpu.memory_space<vmem_shared>>)
        tpu.yield
      }) : () -> ()
    } else {
    }
    %barrier3A_26 = arith.constant 0 : index
    tpu.barrier barrier_id(%barrier3A_26)
    "tpu.region"() ({
      %run_scoped3A = tpu.sem_alloc : memref<!tpu.dma_semaphore, #tpu.memory_space<semaphore_mem>>
      %dma_start3A = arith.constant 0 : i32
      %dma_start3A_32 = arith.constant 0 : i32
      %dma_start3A_33 = tpu.memref_slice %arg8[%arg0, %dma_start3A, %dma_start3A_32] : memref<2x10000x64xf32, #tpu.memory_space<hbm>> -> memref<1x10000x64xf32, #tpu.memory_space<hbm>>
      %dma_start3A_34 = tpu.memref_squeeze %dma_start3A_33 : memref<1x10000x64xf32, #tpu.memory_space<hbm>> -> memref<10000x64xf32, #tpu.memory_space<hbm>>
      %dma_start3A_35 = arith.constant 0 : i32
      %dma_start3A_36 = tpu.memref_slice %dma_start3A_34[%mul3A_0, %dma_start3A_35] : memref<10000x64xf32, #tpu.memory_space<hbm>> -> memref<624x64xf32, #tpu.memory_space<hbm>>
      %dma_start3A_37 = arith.constant 0 : i32
      %dma_start3A_38 = tpu.memref_slice %arg18[%mul3A_0, %dma_start3A_37] : memref<10000x64xf32, #tpu.memory_space<vmem_shared>> -> memref<624x64xf32, #tpu.memory_space<vmem_shared>>
      tpu.enqueue_dma source(%dma_start3A_38 : memref<624x64xf32, #tpu.memory_space<vmem_shared>>) target(%dma_start3A_36 : memref<624x64xf32, #tpu.memory_space<hbm>>) target_semaphore(%run_scoped3A : memref<!tpu.dma_semaphore, #tpu.memory_space<semaphore_mem>>)
      %dma_wait3A = arith.constant 0 : i32
      %dma_wait3A_39 = arith.constant 0 : i32
      %dma_wait3A_40 = tpu.memref_slice %arg8[%arg0, %dma_wait3A, %dma_wait3A_39] : memref<2x10000x64xf32, #tpu.memory_space<hbm>> -> memref<1x10000x64xf32, #tpu.memory_space<hbm>>
      %dma_wait3A_41 = tpu.memref_squeeze %dma_wait3A_40 : memref<1x10000x64xf32, #tpu.memory_space<hbm>> -> memref<10000x64xf32, #tpu.memory_space<hbm>>
      %dma_wait3A_42 = arith.constant 0 : i32
      %dma_wait3A_43 = tpu.memref_slice %dma_wait3A_41[%mul3A_0, %dma_wait3A_42] : memref<10000x64xf32, #tpu.memory_space<hbm>> -> memref<624x64xf32, #tpu.memory_space<hbm>>
      %dma_wait3A_44 = arith.constant 0 : i32
      %dma_wait3A_45 = tpu.memref_slice %arg18[%mul3A_0, %dma_wait3A_44] : memref<10000x64xf32, #tpu.memory_space<vmem_shared>> -> memref<624x64xf32, #tpu.memory_space<vmem_shared>>
      tpu.wait_dma2 semaphore(%run_scoped3A : memref<!tpu.dma_semaphore, #tpu.memory_space<semaphore_mem>>) src(%dma_wait3A_45 : memref<624x64xf32, #tpu.memory_space<vmem_shared>>) dst(%dma_wait3A_43 : memref<624x64xf32, #tpu.memory_space<hbm>>)
      tpu.yield
    }) : () -> ()
    %eq3A_27 = arith.constant 15 : i32
    %eq3A_28 = arith.cmpi eq, %arg1, %eq3A_27 : i32
    %convert_element_type3A_29 = arith.extui %eq3A_28 : i1 to i32
    %cond3A_30 = arith.constant 0 : i32
    %cond3A_31 = arith.cmpi ne, %convert_element_type3A_29, %cond3A_30 : i32
    scf.if %cond3A_31 {
      "tpu.region"() ({
        %run_scoped3A = tpu.sem_alloc : memref<!tpu.dma_semaphore, #tpu.memory_space<semaphore_mem>>
        %dma_start3A = arith.constant 0 : i32
        %dma_start3A_32 = arith.constant 0 : i32
        %dma_start3A_33 = tpu.memref_slice %arg8[%arg0, %dma_start3A, %dma_start3A_32] : memref<2x10000x64xf32, #tpu.memory_space<hbm>> -> memref<1x10000x64xf32, #tpu.memory_space<hbm>>
        %dma_start3A_34 = tpu.memref_squeeze %dma_start3A_33 : memref<1x10000x64xf32, #tpu.memory_space<hbm>> -> memref<10000x64xf32, #tpu.memory_space<hbm>>
        %dma_start3A_35 = arith.constant 9984 : i32
        %dma_start3A_36 = arith.constant 0 : i32
        %dma_start3A_37 = tpu.memref_slice %dma_start3A_34[%dma_start3A_35, %dma_start3A_36] : memref<10000x64xf32, #tpu.memory_space<hbm>> -> memref<16x64xf32, #tpu.memory_space<hbm>>
        %dma_start3A_38 = arith.constant 9984 : i32
        %dma_start3A_39 = arith.constant 0 : i32
        %dma_start3A_40 = tpu.memref_slice %arg18[%dma_start3A_38, %dma_start3A_39] : memref<10000x64xf32, #tpu.memory_space<vmem_shared>> -> memref<16x64xf32, #tpu.memory_space<vmem_shared>>
        tpu.enqueue_dma source(%dma_start3A_40 : memref<16x64xf32, #tpu.memory_space<vmem_shared>>) target(%dma_start3A_37 : memref<16x64xf32, #tpu.memory_space<hbm>>) target_semaphore(%run_scoped3A : memref<!tpu.dma_semaphore, #tpu.memory_space<semaphore_mem>>)
        %dma_wait3A = arith.constant 0 : i32
        %dma_wait3A_41 = arith.constant 0 : i32
        %dma_wait3A_42 = tpu.memref_slice %arg8[%arg0, %dma_wait3A, %dma_wait3A_41] : memref<2x10000x64xf32, #tpu.memory_space<hbm>> -> memref<1x10000x64xf32, #tpu.memory_space<hbm>>
        %dma_wait3A_43 = tpu.memref_squeeze %dma_wait3A_42 : memref<1x10000x64xf32, #tpu.memory_space<hbm>> -> memref<10000x64xf32, #tpu.memory_space<hbm>>
        %dma_wait3A_44 = arith.constant 9984 : i32
        %dma_wait3A_45 = arith.constant 0 : i32
        %dma_wait3A_46 = tpu.memref_slice %dma_wait3A_43[%dma_wait3A_44, %dma_wait3A_45] : memref<10000x64xf32, #tpu.memory_space<hbm>> -> memref<16x64xf32, #tpu.memory_space<hbm>>
        %dma_wait3A_47 = arith.constant 9984 : i32
        %dma_wait3A_48 = arith.constant 0 : i32
        %dma_wait3A_49 = tpu.memref_slice %arg18[%dma_wait3A_47, %dma_wait3A_48] : memref<10000x64xf32, #tpu.memory_space<vmem_shared>> -> memref<16x64xf32, #tpu.memory_space<vmem_shared>>
        tpu.wait_dma2 semaphore(%run_scoped3A : memref<!tpu.dma_semaphore, #tpu.memory_space<semaphore_mem>>) src(%dma_wait3A_49 : memref<16x64xf32, #tpu.memory_space<vmem_shared>>) dst(%dma_wait3A_46 : memref<16x64xf32, #tpu.memory_space<hbm>>)
        tpu.yield
      }) : () -> ()
    } else {
    }
    return
  }
}

#map = affine_map<(d0, d1) -> (0, 0)>
#map1 = affine_map<(d0, d1) -> (0)>
#map2 = affine_map<(d0, d1) -> (0, 0, 0)>
module attributes {stable_mosaic.version = 14 : i64} {
  func.func @k(%arg0: i32, %arg1: i32, %arg2: memref<10000x64xf32, #tpu.memory_space<hbm>>, %arg3: memref<10000x64xf32, #tpu.memory_space<hbm>>, %arg4: memref<2560x128xi32, #tpu.memory_space<hbm>>, %arg5: memref<512xi32, #tpu.memory_space<hbm>>, %arg6: memref<2560x128xi32, #tpu.memory_space<hbm>>, %arg7: memref<512xi32, #tpu.memory_space<hbm>>, %arg8: memref<2x10000x64xf32, #tpu.memory_space<hbm>>, %arg9: memref<160x128xi32, #tpu.memory_space<vmem>>, %arg10: memref<160x128xi32, #tpu.memory_space<vmem>>, %arg11: memref<32xi32, #tpu.memory_space<vmem>>, %arg12: memref<32xi32, #tpu.memory_space<vmem>>, %arg13: memref<128x64xf32, #tpu.memory_space<vmem>>, %arg14: memref<128x64xf32, #tpu.memory_space<vmem>>, %arg15: memref<128x64xf32, #tpu.memory_space<vmem>>, %arg16: memref<128x64xf32, #tpu.memory_space<vmem>>, %arg17: memref<32x64xf32, #tpu.memory_space<vmem>>, %arg18: memref<10000x64xf32, #tpu.memory_space<vmem_shared>>, %arg19: memref<!tpu.dma_semaphore, #tpu.memory_space<semaphore_mem>>, %arg20: memref<!tpu.dma_semaphore, #tpu.memory_space<semaphore_mem>>, %arg21: memref<!tpu.dma_semaphore, #tpu.memory_space<semaphore_mem>>, %arg22: memref<!tpu.dma_semaphore, #tpu.memory_space<semaphore_mem>>, %arg23: memref<!tpu.dma_semaphore, #tpu.memory_space<semaphore_mem>>, %arg24: memref<!tpu.dma_semaphore, #tpu.memory_space<semaphore_mem>>, %arg25: memref<!tpu.dma_semaphore, #tpu.memory_space<semaphore_mem>>, %arg26: memref<!tpu.dma_semaphore, #tpu.memory_space<semaphore_mem>>) attributes {dimension_semantics = [#tpu.dimension_semantics<core_parallel>, #tpu.dimension_semantics<subcore_parallel>], iteration_bounds = array<i64: 2, 16>, scalar_prefetch = 0 : i64, scratch_operands = 18 : i64, tpu.core_type = #tpu.core_type<sc_vector_subcore>, window_params = [{transform_indices = #map}, {transform_indices = #map}, {transform_indices = #map}, {transform_indices = #map1}, {transform_indices = #map}, {transform_indices = #map1}, {transform_indices = #map2}]} {
    %mul3A = arith.constant 624 : i32
    %mul3A_0 = arith.muli %arg1, %mul3A : i32
    %mul3A_1 = arith.constant 160 : i32
    %mul3A_2 = arith.muli %arg1, %mul3A_1 : i32
    "tpu.region"() ({
      %run_scoped3A = tpu.sem_alloc : memref<!tpu.dma_semaphore, #tpu.memory_space<semaphore_mem>>
      %dma_start3A = arith.constant 0 : i32
      %dma_start3A_32 = tpu.memref_slice %arg4[%mul3A_2, %dma_start3A] : memref<2560x128xi32, #tpu.memory_space<hbm>> -> memref<160x128xi32, #tpu.memory_space<hbm>>
      %dma_start3A_33 = arith.constant 0 : i32
      %dma_start3A_34 = tpu.memref_slice %arg4[%mul3A_2, %dma_start3A_33] : memref<2560x128xi32, #tpu.memory_space<hbm>> -> memref<160x128xi32, #tpu.memory_space<hbm>>
      tpu.enqueue_dma source(%dma_start3A_34 : memref<160x128xi32, #tpu.memory_space<hbm>>) target(%arg9 : memref<160x128xi32, #tpu.memory_space<vmem>>) target_semaphore(%run_scoped3A : memref<!tpu.dma_semaphore, #tpu.memory_space<semaphore_mem>>)
      %dma_wait3A = arith.constant 0 : i32
      %dma_wait3A_35 = tpu.memref_slice %arg4[%mul3A_2, %dma_wait3A] : memref<2560x128xi32, #tpu.memory_space<hbm>> -> memref<160x128xi32, #tpu.memory_space<hbm>>
      %dma_wait3A_36 = arith.constant 0 : i32
      %dma_wait3A_37 = tpu.memref_slice %arg4[%mul3A_2, %dma_wait3A_36] : memref<2560x128xi32, #tpu.memory_space<hbm>> -> memref<160x128xi32, #tpu.memory_space<hbm>>
      tpu.wait_dma2 semaphore(%run_scoped3A : memref<!tpu.dma_semaphore, #tpu.memory_space<semaphore_mem>>) src(%dma_wait3A_37 : memref<160x128xi32, #tpu.memory_space<hbm>>) dst(%arg9 : memref<160x128xi32, #tpu.memory_space<vmem>>)
      tpu.yield
    }) : () -> ()
    %mul3A_3 = arith.constant 160 : i32
    %mul3A_4 = arith.muli %arg1, %mul3A_3 : i32
    "tpu.region"() ({
      %run_scoped3A = tpu.sem_alloc : memref<!tpu.dma_semaphore, #tpu.memory_space<semaphore_mem>>
      %dma_start3A = arith.constant 0 : i32
      %dma_start3A_32 = tpu.memref_slice %arg6[%mul3A_4, %dma_start3A] : memref<2560x128xi32, #tpu.memory_space<hbm>> -> memref<160x128xi32, #tpu.memory_space<hbm>>
      %dma_start3A_33 = arith.constant 0 : i32
      %dma_start3A_34 = tpu.memref_slice %arg6[%mul3A_4, %dma_start3A_33] : memref<2560x128xi32, #tpu.memory_space<hbm>> -> memref<160x128xi32, #tpu.memory_space<hbm>>
      tpu.enqueue_dma source(%dma_start3A_34 : memref<160x128xi32, #tpu.memory_space<hbm>>) target(%arg10 : memref<160x128xi32, #tpu.memory_space<vmem>>) target_semaphore(%run_scoped3A : memref<!tpu.dma_semaphore, #tpu.memory_space<semaphore_mem>>)
      %dma_wait3A = arith.constant 0 : i32
      %dma_wait3A_35 = tpu.memref_slice %arg6[%mul3A_4, %dma_wait3A] : memref<2560x128xi32, #tpu.memory_space<hbm>> -> memref<160x128xi32, #tpu.memory_space<hbm>>
      %dma_wait3A_36 = arith.constant 0 : i32
      %dma_wait3A_37 = tpu.memref_slice %arg6[%mul3A_4, %dma_wait3A_36] : memref<2560x128xi32, #tpu.memory_space<hbm>> -> memref<160x128xi32, #tpu.memory_space<hbm>>
      tpu.wait_dma2 semaphore(%run_scoped3A : memref<!tpu.dma_semaphore, #tpu.memory_space<semaphore_mem>>) src(%dma_wait3A_37 : memref<160x128xi32, #tpu.memory_space<hbm>>) dst(%arg10 : memref<160x128xi32, #tpu.memory_space<vmem>>)
      tpu.yield
    }) : () -> ()
    %mul3A_5 = arith.constant 32 : i32
    %mul3A_6 = arith.muli %arg1, %mul3A_5 : i32
    "tpu.region"() ({
      %run_scoped3A = tpu.sem_alloc : memref<!tpu.dma_semaphore, #tpu.memory_space<semaphore_mem>>
      %dma_start3A = tpu.memref_slice %arg5[%mul3A_6] : memref<512xi32, #tpu.memory_space<hbm>> -> memref<32xi32, #tpu.memory_space<hbm>>
      %dma_start3A_32 = tpu.memref_slice %arg5[%mul3A_6] : memref<512xi32, #tpu.memory_space<hbm>> -> memref<32xi32, #tpu.memory_space<hbm>>
      tpu.enqueue_dma source(%dma_start3A_32 : memref<32xi32, #tpu.memory_space<hbm>>) target(%arg11 : memref<32xi32, #tpu.memory_space<vmem>>) target_semaphore(%run_scoped3A : memref<!tpu.dma_semaphore, #tpu.memory_space<semaphore_mem>>)
      %dma_wait3A = tpu.memref_slice %arg5[%mul3A_6] : memref<512xi32, #tpu.memory_space<hbm>> -> memref<32xi32, #tpu.memory_space<hbm>>
      %dma_wait3A_33 = tpu.memref_slice %arg5[%mul3A_6] : memref<512xi32, #tpu.memory_space<hbm>> -> memref<32xi32, #tpu.memory_space<hbm>>
      tpu.wait_dma2 semaphore(%run_scoped3A : memref<!tpu.dma_semaphore, #tpu.memory_space<semaphore_mem>>) src(%dma_wait3A_33 : memref<32xi32, #tpu.memory_space<hbm>>) dst(%arg11 : memref<32xi32, #tpu.memory_space<vmem>>)
      tpu.yield
    }) : () -> ()
    %mul3A_7 = arith.constant 32 : i32
    %mul3A_8 = arith.muli %arg1, %mul3A_7 : i32
    "tpu.region"() ({
      %run_scoped3A = tpu.sem_alloc : memref<!tpu.dma_semaphore, #tpu.memory_space<semaphore_mem>>
      %dma_start3A = tpu.memref_slice %arg7[%mul3A_8] : memref<512xi32, #tpu.memory_space<hbm>> -> memref<32xi32, #tpu.memory_space<hbm>>
      %dma_start3A_32 = tpu.memref_slice %arg7[%mul3A_8] : memref<512xi32, #tpu.memory_space<hbm>> -> memref<32xi32, #tpu.memory_space<hbm>>
      tpu.enqueue_dma source(%dma_start3A_32 : memref<32xi32, #tpu.memory_space<hbm>>) target(%arg12 : memref<32xi32, #tpu.memory_space<vmem>>) target_semaphore(%run_scoped3A : memref<!tpu.dma_semaphore, #tpu.memory_space<semaphore_mem>>)
      %dma_wait3A = tpu.memref_slice %arg7[%mul3A_8] : memref<512xi32, #tpu.memory_space<hbm>> -> memref<32xi32, #tpu.memory_space<hbm>>
      %dma_wait3A_33 = tpu.memref_slice %arg7[%mul3A_8] : memref<512xi32, #tpu.memory_space<hbm>> -> memref<32xi32, #tpu.memory_space<hbm>>
      tpu.wait_dma2 semaphore(%run_scoped3A : memref<!tpu.dma_semaphore, #tpu.memory_space<semaphore_mem>>) src(%dma_wait3A_33 : memref<32xi32, #tpu.memory_space<hbm>>) dst(%arg12 : memref<32xi32, #tpu.memory_space<vmem>>)
      tpu.yield
    }) : () -> ()
    %eq3A = arith.constant 0 : i32
    %eq3A_9 = arith.cmpi eq, %arg0, %eq3A : i32
    %convert_element_type3A = arith.extui %eq3A_9 : i1 to i32
    %cond3A = arith.constant 0 : i32
    %cond3A_10 = arith.cmpi ne, %convert_element_type3A, %cond3A : i32
    scf.if %cond3A_10 {
      "tpu.region"() ({
        %run_scoped3A = tpu.sem_alloc : memref<!tpu.dma_semaphore, #tpu.memory_space<semaphore_mem>>
        %dma_start3A = arith.constant 0 : i32
        %dma_start3A_37 = tpu.memref_slice %arg18[%mul3A_0, %dma_start3A] : memref<10000x64xf32, #tpu.memory_space<vmem_shared>> -> memref<624x64xf32, #tpu.memory_space<vmem_shared>>
        %dma_start3A_38 = arith.constant 0 : i32
        %dma_start3A_39 = tpu.memref_slice %arg2[%mul3A_0, %dma_start3A_38] : memref<10000x64xf32, #tpu.memory_space<hbm>> -> memref<624x64xf32, #tpu.memory_space<hbm>>
        tpu.enqueue_dma source(%dma_start3A_39 : memref<624x64xf32, #tpu.memory_space<hbm>>) target(%dma_start3A_37 : memref<624x64xf32, #tpu.memory_space<vmem_shared>>) target_semaphore(%run_scoped3A : memref<!tpu.dma_semaphore, #tpu.memory_space<semaphore_mem>>)
        %dma_wait3A = arith.constant 0 : i32
        %dma_wait3A_40 = tpu.memref_slice %arg18[%mul3A_0, %dma_wait3A] : memref<10000x64xf32, #tpu.memory_space<vmem_shared>> -> memref<624x64xf32, #tpu.memory_space<vmem_shared>>
        %dma_wait3A_41 = arith.constant 0 : i32
        %dma_wait3A_42 = tpu.memref_slice %arg2[%mul3A_0, %dma_wait3A_41] : memref<10000x64xf32, #tpu.memory_space<hbm>> -> memref<624x64xf32, #tpu.memory_space<hbm>>
        tpu.wait_dma2 semaphore(%run_scoped3A : memref<!tpu.dma_semaphore, #tpu.memory_space<semaphore_mem>>) src(%dma_wait3A_42 : memref<624x64xf32, #tpu.memory_space<hbm>>) dst(%dma_wait3A_40 : memref<624x64xf32, #tpu.memory_space<vmem_shared>>)
        tpu.yield
      }) : () -> ()
      %eq3A_32 = arith.constant 15 : i32
      %eq3A_33 = arith.cmpi eq, %arg1, %eq3A_32 : i32
      %convert_element_type3A_34 = arith.extui %eq3A_33 : i1 to i32
      %cond3A_35 = arith.constant 0 : i32
      %cond3A_36 = arith.cmpi ne, %convert_element_type3A_34, %cond3A_35 : i32
      scf.if %cond3A_36 {
        "tpu.region"() ({
          %run_scoped3A = tpu.sem_alloc : memref<!tpu.dma_semaphore, #tpu.memory_space<semaphore_mem>>
          %dma_start3A = arith.constant 9984 : i32
          %dma_start3A_37 = arith.constant 0 : i32
          %dma_start3A_38 = tpu.memref_slice %arg18[%dma_start3A, %dma_start3A_37] : memref<10000x64xf32, #tpu.memory_space<vmem_shared>> -> memref<16x64xf32, #tpu.memory_space<vmem_shared>>
          %dma_start3A_39 = arith.constant 9984 : i32
          %dma_start3A_40 = arith.constant 0 : i32
          %dma_start3A_41 = tpu.memref_slice %arg2[%dma_start3A_39, %dma_start3A_40] : memref<10000x64xf32, #tpu.memory_space<hbm>> -> memref<16x64xf32, #tpu.memory_space<hbm>>
          tpu.enqueue_dma source(%dma_start3A_41 : memref<16x64xf32, #tpu.memory_space<hbm>>) target(%dma_start3A_38 : memref<16x64xf32, #tpu.memory_space<vmem_shared>>) target_semaphore(%run_scoped3A : memref<!tpu.dma_semaphore, #tpu.memory_space<semaphore_mem>>)
          %dma_wait3A = arith.constant 9984 : i32
          %dma_wait3A_42 = arith.constant 0 : i32
          %dma_wait3A_43 = tpu.memref_slice %arg18[%dma_wait3A, %dma_wait3A_42] : memref<10000x64xf32, #tpu.memory_space<vmem_shared>> -> memref<16x64xf32, #tpu.memory_space<vmem_shared>>
          %dma_wait3A_44 = arith.constant 9984 : i32
          %dma_wait3A_45 = arith.constant 0 : i32
          %dma_wait3A_46 = tpu.memref_slice %arg2[%dma_wait3A_44, %dma_wait3A_45] : memref<10000x64xf32, #tpu.memory_space<hbm>> -> memref<16x64xf32, #tpu.memory_space<hbm>>
          tpu.wait_dma2 semaphore(%run_scoped3A : memref<!tpu.dma_semaphore, #tpu.memory_space<semaphore_mem>>) src(%dma_wait3A_46 : memref<16x64xf32, #tpu.memory_space<hbm>>) dst(%dma_wait3A_43 : memref<16x64xf32, #tpu.memory_space<vmem_shared>>)
          tpu.yield
        }) : () -> ()
      } else {
      }
    } else {
    }
    %eq3A_11 = arith.constant 1 : i32
    %eq3A_12 = arith.cmpi eq, %arg0, %eq3A_11 : i32
    %convert_element_type3A_13 = arith.extui %eq3A_12 : i1 to i32
    %cond3A_14 = arith.constant 0 : i32
    %cond3A_15 = arith.cmpi ne, %convert_element_type3A_13, %cond3A_14 : i32
    scf.if %cond3A_15 {
      "tpu.region"() ({
        %run_scoped3A = tpu.sem_alloc : memref<!tpu.dma_semaphore, #tpu.memory_space<semaphore_mem>>
        %dma_start3A = arith.constant 0 : i32
        %dma_start3A_37 = tpu.memref_slice %arg18[%mul3A_0, %dma_start3A] : memref<10000x64xf32, #tpu.memory_space<vmem_shared>> -> memref<624x64xf32, #tpu.memory_space<vmem_shared>>
        %dma_start3A_38 = arith.constant 0 : i32
        %dma_start3A_39 = tpu.memref_slice %arg3[%mul3A_0, %dma_start3A_38] : memref<10000x64xf32, #tpu.memory_space<hbm>> -> memref<624x64xf32, #tpu.memory_space<hbm>>
        tpu.enqueue_dma source(%dma_start3A_39 : memref<624x64xf32, #tpu.memory_space<hbm>>) target(%dma_start3A_37 : memref<624x64xf32, #tpu.memory_space<vmem_shared>>) target_semaphore(%run_scoped3A : memref<!tpu.dma_semaphore, #tpu.memory_space<semaphore_mem>>)
        %dma_wait3A = arith.constant 0 : i32
        %dma_wait3A_40 = tpu.memref_slice %arg18[%mul3A_0, %dma_wait3A] : memref<10000x64xf32, #tpu.memory_space<vmem_shared>> -> memref<624x64xf32, #tpu.memory_space<vmem_shared>>
        %dma_wait3A_41 = arith.constant 0 : i32
        %dma_wait3A_42 = tpu.memref_slice %arg3[%mul3A_0, %dma_wait3A_41] : memref<10000x64xf32, #tpu.memory_space<hbm>> -> memref<624x64xf32, #tpu.memory_space<hbm>>
        tpu.wait_dma2 semaphore(%run_scoped3A : memref<!tpu.dma_semaphore, #tpu.memory_space<semaphore_mem>>) src(%dma_wait3A_42 : memref<624x64xf32, #tpu.memory_space<hbm>>) dst(%dma_wait3A_40 : memref<624x64xf32, #tpu.memory_space<vmem_shared>>)
        tpu.yield
      }) : () -> ()
      %eq3A_32 = arith.constant 15 : i32
      %eq3A_33 = arith.cmpi eq, %arg1, %eq3A_32 : i32
      %convert_element_type3A_34 = arith.extui %eq3A_33 : i1 to i32
      %cond3A_35 = arith.constant 0 : i32
      %cond3A_36 = arith.cmpi ne, %convert_element_type3A_34, %cond3A_35 : i32
      scf.if %cond3A_36 {
        "tpu.region"() ({
          %run_scoped3A = tpu.sem_alloc : memref<!tpu.dma_semaphore, #tpu.memory_space<semaphore_mem>>
          %dma_start3A = arith.constant 9984 : i32
          %dma_start3A_37 = arith.constant 0 : i32
          %dma_start3A_38 = tpu.memref_slice %arg18[%dma_start3A, %dma_start3A_37] : memref<10000x64xf32, #tpu.memory_space<vmem_shared>> -> memref<16x64xf32, #tpu.memory_space<vmem_shared>>
          %dma_start3A_39 = arith.constant 9984 : i32
          %dma_start3A_40 = arith.constant 0 : i32
          %dma_start3A_41 = tpu.memref_slice %arg3[%dma_start3A_39, %dma_start3A_40] : memref<10000x64xf32, #tpu.memory_space<hbm>> -> memref<16x64xf32, #tpu.memory_space<hbm>>
          tpu.enqueue_dma source(%dma_start3A_41 : memref<16x64xf32, #tpu.memory_space<hbm>>) target(%dma_start3A_38 : memref<16x64xf32, #tpu.memory_space<vmem_shared>>) target_semaphore(%run_scoped3A : memref<!tpu.dma_semaphore, #tpu.memory_space<semaphore_mem>>)
          %dma_wait3A = arith.constant 9984 : i32
          %dma_wait3A_42 = arith.constant 0 : i32
          %dma_wait3A_43 = tpu.memref_slice %arg18[%dma_wait3A, %dma_wait3A_42] : memref<10000x64xf32, #tpu.memory_space<vmem_shared>> -> memref<16x64xf32, #tpu.memory_space<vmem_shared>>
          %dma_wait3A_44 = arith.constant 9984 : i32
          %dma_wait3A_45 = arith.constant 0 : i32
          %dma_wait3A_46 = tpu.memref_slice %arg3[%dma_wait3A_44, %dma_wait3A_45] : memref<10000x64xf32, #tpu.memory_space<hbm>> -> memref<16x64xf32, #tpu.memory_space<hbm>>
          tpu.wait_dma2 semaphore(%run_scoped3A : memref<!tpu.dma_semaphore, #tpu.memory_space<semaphore_mem>>) src(%dma_wait3A_46 : memref<16x64xf32, #tpu.memory_space<hbm>>) dst(%dma_wait3A_43 : memref<16x64xf32, #tpu.memory_space<vmem_shared>>)
          tpu.yield
        }) : () -> ()
      } else {
      }
    } else {
    }
    %barrier3A = arith.constant 0 : index
    tpu.barrier barrier_id(%barrier3A)
    %eq3A_16 = arith.constant 0 : i32
    %eq3A_17 = arith.cmpi eq, %arg0, %eq3A_16 : i32
    %convert_element_type3A_18 = arith.extui %eq3A_17 : i1 to i32
    %cond3A_19 = arith.constant 0 : i32
    %cond3A_20 = arith.cmpi ne, %convert_element_type3A_18, %cond3A_19 : i32
    scf.if %cond3A_20 {
      %dma_start3A = arith.constant 0 : i32
      %dma_start3A_32 = arith.constant 0 : i32
      %dma_start3A_33 = tpu.memref_slice %arg9[%dma_start3A, %dma_start3A_32] : memref<160x128xi32, #tpu.memory_space<vmem>> -> memref<1x128xi32, #tpu.memory_space<vmem>>
      %dma_start3A_34 = tpu.memref_squeeze %dma_start3A_33 : memref<1x128xi32, #tpu.memory_space<vmem>> -> memref<128xi32, #tpu.memory_space<vmem>>
      %dma_start3A_35 = arith.constant 0 : i32
      %dma_start3A_36 = arith.constant 0 : i32
      %dma_start3A_37 = tpu.memref_slice %arg2[%dma_start3A_35, %dma_start3A_36] : memref<10000x64xf32, #tpu.memory_space<hbm>> -> memref<10000x64xf32, #tpu.memory_space<hbm>>
      tpu.enqueue_indirect_dma source(%dma_start3A_37 : memref<10000x64xf32, #tpu.memory_space<hbm>>) target(%arg13 : memref<128x64xf32, #tpu.memory_space<vmem>>) offsets(%dma_start3A_34 : memref<128xi32, #tpu.memory_space<vmem>>) semaphore(%arg19 : memref<!tpu.dma_semaphore, #tpu.memory_space<semaphore_mem>>)
      %dma_start3A_38 = arith.constant 1 : i32
      %dma_start3A_39 = arith.constant 0 : i32
      %dma_start3A_40 = tpu.memref_slice %arg9[%dma_start3A_38, %dma_start3A_39] : memref<160x128xi32, #tpu.memory_space<vmem>> -> memref<1x128xi32, #tpu.memory_space<vmem>>
      %dma_start3A_41 = tpu.memref_squeeze %dma_start3A_40 : memref<1x128xi32, #tpu.memory_space<vmem>> -> memref<128xi32, #tpu.memory_space<vmem>>
      %dma_start3A_42 = arith.constant 0 : i32
      %dma_start3A_43 = arith.constant 0 : i32
      %dma_start3A_44 = tpu.memref_slice %arg2[%dma_start3A_42, %dma_start3A_43] : memref<10000x64xf32, #tpu.memory_space<hbm>> -> memref<10000x64xf32, #tpu.memory_space<hbm>>
      tpu.enqueue_indirect_dma source(%dma_start3A_44 : memref<10000x64xf32, #tpu.memory_space<hbm>>) target(%arg14 : memref<128x64xf32, #tpu.memory_space<vmem>>) offsets(%dma_start3A_41 : memref<128xi32, #tpu.memory_space<vmem>>) semaphore(%arg20 : memref<!tpu.dma_semaphore, #tpu.memory_space<semaphore_mem>>)
      %dma_start3A_45 = arith.constant 2 : i32
      %dma_start3A_46 = arith.constant 0 : i32
      %dma_start3A_47 = tpu.memref_slice %arg9[%dma_start3A_45, %dma_start3A_46] : memref<160x128xi32, #tpu.memory_space<vmem>> -> memref<1x128xi32, #tpu.memory_space<vmem>>
      %dma_start3A_48 = tpu.memref_squeeze %dma_start3A_47 : memref<1x128xi32, #tpu.memory_space<vmem>> -> memref<128xi32, #tpu.memory_space<vmem>>
      %dma_start3A_49 = arith.constant 0 : i32
      %dma_start3A_50 = arith.constant 0 : i32
      %dma_start3A_51 = tpu.memref_slice %arg2[%dma_start3A_49, %dma_start3A_50] : memref<10000x64xf32, #tpu.memory_space<hbm>> -> memref<10000x64xf32, #tpu.memory_space<hbm>>
      tpu.enqueue_indirect_dma source(%dma_start3A_51 : memref<10000x64xf32, #tpu.memory_space<hbm>>) target(%arg15 : memref<128x64xf32, #tpu.memory_space<vmem>>) offsets(%dma_start3A_48 : memref<128xi32, #tpu.memory_space<vmem>>) semaphore(%arg21 : memref<!tpu.dma_semaphore, #tpu.memory_space<semaphore_mem>>)
      %dma_start3A_52 = arith.constant 3 : i32
      %dma_start3A_53 = arith.constant 0 : i32
      %dma_start3A_54 = tpu.memref_slice %arg9[%dma_start3A_52, %dma_start3A_53] : memref<160x128xi32, #tpu.memory_space<vmem>> -> memref<1x128xi32, #tpu.memory_space<vmem>>
      %dma_start3A_55 = tpu.memref_squeeze %dma_start3A_54 : memref<1x128xi32, #tpu.memory_space<vmem>> -> memref<128xi32, #tpu.memory_space<vmem>>
      %dma_start3A_56 = arith.constant 0 : i32
      %dma_start3A_57 = arith.constant 0 : i32
      %dma_start3A_58 = tpu.memref_slice %arg2[%dma_start3A_56, %dma_start3A_57] : memref<10000x64xf32, #tpu.memory_space<hbm>> -> memref<10000x64xf32, #tpu.memory_space<hbm>>
      tpu.enqueue_indirect_dma source(%dma_start3A_58 : memref<10000x64xf32, #tpu.memory_space<hbm>>) target(%arg16 : memref<128x64xf32, #tpu.memory_space<vmem>>) offsets(%dma_start3A_55 : memref<128xi32, #tpu.memory_space<vmem>>) semaphore(%arg22 : memref<!tpu.dma_semaphore, #tpu.memory_space<semaphore_mem>>)
      %scan3A = arith.constant 0 : i32
      %scan3A_59 = arith.constant 38 : i32
      %scan3A_60 = arith.addi %scan3A, %scan3A_59 : i32
      %scan3A_61 = arith.constant 1 : i32
      scf.for %scan3A_152 = %scan3A to %scan3A_60 step %scan3A_61  : i32 {
        %mul3A_153 = arith.constant 1 : i32
        %mul3A_154 = arith.muli %scan3A_152, %mul3A_153 : i32
        %add3A = arith.constant 0 : i32
        %add3A_155 = arith.addi %add3A, %mul3A_154 : i32
        %mul3A_156 = arith.constant 4 : i32
        %mul3A_157 = arith.muli %add3A_155, %mul3A_156 : i32
        %add3A_158 = arith.constant 0 : i32
        %add3A_159 = arith.addi %mul3A_157, %add3A_158 : i32
        %dma_wait3A_160 = arith.constant 0 : i32
        %dma_wait3A_161 = tpu.memref_slice %arg9[%add3A_159, %dma_wait3A_160] : memref<160x128xi32, #tpu.memory_space<vmem>> -> memref<1x128xi32, #tpu.memory_space<vmem>>
        %dma_wait3A_162 = tpu.memref_squeeze %dma_wait3A_161 : memref<1x128xi32, #tpu.memory_space<vmem>> -> memref<128xi32, #tpu.memory_space<vmem>>
        %dma_wait3A_163 = arith.constant 0 : i32
        %dma_wait3A_164 = arith.constant 0 : i32
        %dma_wait3A_165 = tpu.memref_slice %arg2[%dma_wait3A_163, %dma_wait3A_164] : memref<10000x64xf32, #tpu.memory_space<hbm>> -> memref<10000x64xf32, #tpu.memory_space<hbm>>
        tpu.wait_indirect_dma semaphore(%arg19 : memref<!tpu.dma_semaphore, #tpu.memory_space<semaphore_mem>>) src(%dma_wait3A_165 : memref<10000x64xf32, #tpu.memory_space<hbm>>) dst(%arg13 : memref<128x64xf32, #tpu.memory_space<vmem>>)
        %add3A_166 = arith.constant 0 : i32
        %add3A_167 = arith.addi %mul3A_157, %add3A_166 : i32
        %dma_start3A_168 = arith.constant 0 : i32
        %dma_start3A_169 = tpu.memref_slice %arg10[%add3A_167, %dma_start3A_168] : memref<160x128xi32, #tpu.memory_space<vmem>> -> memref<1x128xi32, #tpu.memory_space<vmem>>
        %dma_start3A_170 = tpu.memref_squeeze %dma_start3A_169 : memref<1x128xi32, #tpu.memory_space<vmem>> -> memref<128xi32, #tpu.memory_space<vmem>>
        %dma_start3A_171 = arith.constant 0 : i32
        %dma_start3A_172 = arith.constant 0 : i32
        %dma_start3A_173 = tpu.memref_slice %arg18[%dma_start3A_171, %dma_start3A_172] : memref<10000x64xf32, #tpu.memory_space<vmem_shared>> -> memref<10000x64xf32, #tpu.memory_space<vmem_shared>>
        tpu.enqueue_indirect_dma source(%arg13 : memref<128x64xf32, #tpu.memory_space<vmem>>) target(%dma_start3A_173 : memref<10000x64xf32, #tpu.memory_space<vmem_shared>>) offsets(%dma_start3A_170 : memref<128xi32, #tpu.memory_space<vmem>>) semaphore(%arg23 : memref<!tpu.dma_semaphore, #tpu.memory_space<semaphore_mem>>) {add = true}
        %add3A_174 = arith.constant 1 : i32
        %add3A_175 = arith.addi %mul3A_157, %add3A_174 : i32
        %dma_wait3A_176 = arith.constant 0 : i32
        %dma_wait3A_177 = tpu.memref_slice %arg9[%add3A_175, %dma_wait3A_176] : memref<160x128xi32, #tpu.memory_space<vmem>> -> memref<1x128xi32, #tpu.memory_space<vmem>>
        %dma_wait3A_178 = tpu.memref_squeeze %dma_wait3A_177 : memref<1x128xi32, #tpu.memory_space<vmem>> -> memref<128xi32, #tpu.memory_space<vmem>>
        %dma_wait3A_179 = arith.constant 0 : i32
        %dma_wait3A_180 = arith.constant 0 : i32
        %dma_wait3A_181 = tpu.memref_slice %arg2[%dma_wait3A_179, %dma_wait3A_180] : memref<10000x64xf32, #tpu.memory_space<hbm>> -> memref<10000x64xf32, #tpu.memory_space<hbm>>
        tpu.wait_indirect_dma semaphore(%arg20 : memref<!tpu.dma_semaphore, #tpu.memory_space<semaphore_mem>>) src(%dma_wait3A_181 : memref<10000x64xf32, #tpu.memory_space<hbm>>) dst(%arg14 : memref<128x64xf32, #tpu.memory_space<vmem>>)
        %add3A_182 = arith.constant 1 : i32
        %add3A_183 = arith.addi %mul3A_157, %add3A_182 : i32
        %dma_start3A_184 = arith.constant 0 : i32
        %dma_start3A_185 = tpu.memref_slice %arg10[%add3A_183, %dma_start3A_184] : memref<160x128xi32, #tpu.memory_space<vmem>> -> memref<1x128xi32, #tpu.memory_space<vmem>>
        %dma_start3A_186 = tpu.memref_squeeze %dma_start3A_185 : memref<1x128xi32, #tpu.memory_space<vmem>> -> memref<128xi32, #tpu.memory_space<vmem>>
        %dma_start3A_187 = arith.constant 0 : i32
        %dma_start3A_188 = arith.constant 0 : i32
        %dma_start3A_189 = tpu.memref_slice %arg18[%dma_start3A_187, %dma_start3A_188] : memref<10000x64xf32, #tpu.memory_space<vmem_shared>> -> memref<10000x64xf32, #tpu.memory_space<vmem_shared>>
        tpu.enqueue_indirect_dma source(%arg14 : memref<128x64xf32, #tpu.memory_space<vmem>>) target(%dma_start3A_189 : memref<10000x64xf32, #tpu.memory_space<vmem_shared>>) offsets(%dma_start3A_186 : memref<128xi32, #tpu.memory_space<vmem>>) semaphore(%arg24 : memref<!tpu.dma_semaphore, #tpu.memory_space<semaphore_mem>>) {add = true}
        %add3A_190 = arith.constant 2 : i32
        %add3A_191 = arith.addi %mul3A_157, %add3A_190 : i32
        %dma_wait3A_192 = arith.constant 0 : i32
        %dma_wait3A_193 = tpu.memref_slice %arg9[%add3A_191, %dma_wait3A_192] : memref<160x128xi32, #tpu.memory_space<vmem>> -> memref<1x128xi32, #tpu.memory_space<vmem>>
        %dma_wait3A_194 = tpu.memref_squeeze %dma_wait3A_193 : memref<1x128xi32, #tpu.memory_space<vmem>> -> memref<128xi32, #tpu.memory_space<vmem>>
        %dma_wait3A_195 = arith.constant 0 : i32
        %dma_wait3A_196 = arith.constant 0 : i32
        %dma_wait3A_197 = tpu.memref_slice %arg2[%dma_wait3A_195, %dma_wait3A_196] : memref<10000x64xf32, #tpu.memory_space<hbm>> -> memref<10000x64xf32, #tpu.memory_space<hbm>>
        tpu.wait_indirect_dma semaphore(%arg21 : memref<!tpu.dma_semaphore, #tpu.memory_space<semaphore_mem>>) src(%dma_wait3A_197 : memref<10000x64xf32, #tpu.memory_space<hbm>>) dst(%arg15 : memref<128x64xf32, #tpu.memory_space<vmem>>)
        %add3A_198 = arith.constant 2 : i32
        %add3A_199 = arith.addi %mul3A_157, %add3A_198 : i32
        %dma_start3A_200 = arith.constant 0 : i32
        %dma_start3A_201 = tpu.memref_slice %arg10[%add3A_199, %dma_start3A_200] : memref<160x128xi32, #tpu.memory_space<vmem>> -> memref<1x128xi32, #tpu.memory_space<vmem>>
        %dma_start3A_202 = tpu.memref_squeeze %dma_start3A_201 : memref<1x128xi32, #tpu.memory_space<vmem>> -> memref<128xi32, #tpu.memory_space<vmem>>
        %dma_start3A_203 = arith.constant 0 : i32
        %dma_start3A_204 = arith.constant 0 : i32
        %dma_start3A_205 = tpu.memref_slice %arg18[%dma_start3A_203, %dma_start3A_204] : memref<10000x64xf32, #tpu.memory_space<vmem_shared>> -> memref<10000x64xf32, #tpu.memory_space<vmem_shared>>
        tpu.enqueue_indirect_dma source(%arg15 : memref<128x64xf32, #tpu.memory_space<vmem>>) target(%dma_start3A_205 : memref<10000x64xf32, #tpu.memory_space<vmem_shared>>) offsets(%dma_start3A_202 : memref<128xi32, #tpu.memory_space<vmem>>) semaphore(%arg25 : memref<!tpu.dma_semaphore, #tpu.memory_space<semaphore_mem>>) {add = true}
        %add3A_206 = arith.constant 3 : i32
        %add3A_207 = arith.addi %mul3A_157, %add3A_206 : i32
        %dma_wait3A_208 = arith.constant 0 : i32
        %dma_wait3A_209 = tpu.memref_slice %arg9[%add3A_207, %dma_wait3A_208] : memref<160x128xi32, #tpu.memory_space<vmem>> -> memref<1x128xi32, #tpu.memory_space<vmem>>
        %dma_wait3A_210 = tpu.memref_squeeze %dma_wait3A_209 : memref<1x128xi32, #tpu.memory_space<vmem>> -> memref<128xi32, #tpu.memory_space<vmem>>
        %dma_wait3A_211 = arith.constant 0 : i32
        %dma_wait3A_212 = arith.constant 0 : i32
        %dma_wait3A_213 = tpu.memref_slice %arg2[%dma_wait3A_211, %dma_wait3A_212] : memref<10000x64xf32, #tpu.memory_space<hbm>> -> memref<10000x64xf32, #tpu.memory_space<hbm>>
        tpu.wait_indirect_dma semaphore(%arg22 : memref<!tpu.dma_semaphore, #tpu.memory_space<semaphore_mem>>) src(%dma_wait3A_213 : memref<10000x64xf32, #tpu.memory_space<hbm>>) dst(%arg16 : memref<128x64xf32, #tpu.memory_space<vmem>>)
        %add3A_214 = arith.constant 3 : i32
        %add3A_215 = arith.addi %mul3A_157, %add3A_214 : i32
        %dma_start3A_216 = arith.constant 0 : i32
        %dma_start3A_217 = tpu.memref_slice %arg10[%add3A_215, %dma_start3A_216] : memref<160x128xi32, #tpu.memory_space<vmem>> -> memref<1x128xi32, #tpu.memory_space<vmem>>
        %dma_start3A_218 = tpu.memref_squeeze %dma_start3A_217 : memref<1x128xi32, #tpu.memory_space<vmem>> -> memref<128xi32, #tpu.memory_space<vmem>>
        %dma_start3A_219 = arith.constant 0 : i32
        %dma_start3A_220 = arith.constant 0 : i32
        %dma_start3A_221 = tpu.memref_slice %arg18[%dma_start3A_219, %dma_start3A_220] : memref<10000x64xf32, #tpu.memory_space<vmem_shared>> -> memref<10000x64xf32, #tpu.memory_space<vmem_shared>>
        tpu.enqueue_indirect_dma source(%arg16 : memref<128x64xf32, #tpu.memory_space<vmem>>) target(%dma_start3A_221 : memref<10000x64xf32, #tpu.memory_space<vmem_shared>>) offsets(%dma_start3A_218 : memref<128xi32, #tpu.memory_space<vmem>>) semaphore(%arg26 : memref<!tpu.dma_semaphore, #tpu.memory_space<semaphore_mem>>) {add = true}
        %add3A_222 = arith.constant 0 : i32
        %add3A_223 = arith.addi %mul3A_157, %add3A_222 : i32
        %dma_wait3A_224 = arith.constant 0 : i32
        %dma_wait3A_225 = tpu.memref_slice %arg10[%add3A_223, %dma_wait3A_224] : memref<160x128xi32, #tpu.memory_space<vmem>> -> memref<1x128xi32, #tpu.memory_space<vmem>>
        %dma_wait3A_226 = tpu.memref_squeeze %dma_wait3A_225 : memref<1x128xi32, #tpu.memory_space<vmem>> -> memref<128xi32, #tpu.memory_space<vmem>>
        %dma_wait3A_227 = arith.constant 0 : i32
        %dma_wait3A_228 = arith.constant 0 : i32
        %dma_wait3A_229 = tpu.memref_slice %arg18[%dma_wait3A_227, %dma_wait3A_228] : memref<10000x64xf32, #tpu.memory_space<vmem_shared>> -> memref<10000x64xf32, #tpu.memory_space<vmem_shared>>
        tpu.wait_indirect_dma semaphore(%arg23 : memref<!tpu.dma_semaphore, #tpu.memory_space<semaphore_mem>>) src(%arg13 : memref<128x64xf32, #tpu.memory_space<vmem>>) dst(%dma_wait3A_229 : memref<10000x64xf32, #tpu.memory_space<vmem_shared>>)
        %add3A_230 = arith.constant 4 : i32
        %add3A_231 = arith.addi %mul3A_157, %add3A_230 : i32
        %add3A_232 = arith.constant 0 : i32
        %add3A_233 = arith.addi %add3A_231, %add3A_232 : i32
        %dma_start3A_234 = arith.constant 0 : i32
        %dma_start3A_235 = tpu.memref_slice %arg9[%add3A_233, %dma_start3A_234] : memref<160x128xi32, #tpu.memory_space<vmem>> -> memref<1x128xi32, #tpu.memory_space<vmem>>
        %dma_start3A_236 = tpu.memref_squeeze %dma_start3A_235 : memref<1x128xi32, #tpu.memory_space<vmem>> -> memref<128xi32, #tpu.memory_space<vmem>>
        %dma_start3A_237 = arith.constant 0 : i32
        %dma_start3A_238 = arith.constant 0 : i32
        %dma_start3A_239 = tpu.memref_slice %arg2[%dma_start3A_237, %dma_start3A_238] : memref<10000x64xf32, #tpu.memory_space<hbm>> -> memref<10000x64xf32, #tpu.memory_space<hbm>>
        tpu.enqueue_indirect_dma source(%dma_start3A_239 : memref<10000x64xf32, #tpu.memory_space<hbm>>) target(%arg13 : memref<128x64xf32, #tpu.memory_space<vmem>>) offsets(%dma_start3A_236 : memref<128xi32, #tpu.memory_space<vmem>>) semaphore(%arg19 : memref<!tpu.dma_semaphore, #tpu.memory_space<semaphore_mem>>)
        %add3A_240 = arith.constant 1 : i32
        %add3A_241 = arith.addi %mul3A_157, %add3A_240 : i32
        %dma_wait3A_242 = arith.constant 0 : i32
        %dma_wait3A_243 = tpu.memref_slice %arg10[%add3A_241, %dma_wait3A_242] : memref<160x128xi32, #tpu.memory_space<vmem>> -> memref<1x128xi32, #tpu.memory_space<vmem>>
        %dma_wait3A_244 = tpu.memref_squeeze %dma_wait3A_243 : memref<1x128xi32, #tpu.memory_space<vmem>> -> memref<128xi32, #tpu.memory_space<vmem>>
        %dma_wait3A_245 = arith.constant 0 : i32
        %dma_wait3A_246 = arith.constant 0 : i32
        %dma_wait3A_247 = tpu.memref_slice %arg18[%dma_wait3A_245, %dma_wait3A_246] : memref<10000x64xf32, #tpu.memory_space<vmem_shared>> -> memref<10000x64xf32, #tpu.memory_space<vmem_shared>>
        tpu.wait_indirect_dma semaphore(%arg24 : memref<!tpu.dma_semaphore, #tpu.memory_space<semaphore_mem>>) src(%arg14 : memref<128x64xf32, #tpu.memory_space<vmem>>) dst(%dma_wait3A_247 : memref<10000x64xf32, #tpu.memory_space<vmem_shared>>)
        %add3A_248 = arith.constant 4 : i32
        %add3A_249 = arith.addi %mul3A_157, %add3A_248 : i32
        %add3A_250 = arith.constant 1 : i32
        %add3A_251 = arith.addi %add3A_249, %add3A_250 : i32
        %dma_start3A_252 = arith.constant 0 : i32
        %dma_start3A_253 = tpu.memref_slice %arg9[%add3A_251, %dma_start3A_252] : memref<160x128xi32, #tpu.memory_space<vmem>> -> memref<1x128xi32, #tpu.memory_space<vmem>>
        %dma_start3A_254 = tpu.memref_squeeze %dma_start3A_253 : memref<1x128xi32, #tpu.memory_space<vmem>> -> memref<128xi32, #tpu.memory_space<vmem>>
        %dma_start3A_255 = arith.constant 0 : i32
        %dma_start3A_256 = arith.constant 0 : i32
        %dma_start3A_257 = tpu.memref_slice %arg2[%dma_start3A_255, %dma_start3A_256] : memref<10000x64xf32, #tpu.memory_space<hbm>> -> memref<10000x64xf32, #tpu.memory_space<hbm>>
        tpu.enqueue_indirect_dma source(%dma_start3A_257 : memref<10000x64xf32, #tpu.memory_space<hbm>>) target(%arg14 : memref<128x64xf32, #tpu.memory_space<vmem>>) offsets(%dma_start3A_254 : memref<128xi32, #tpu.memory_space<vmem>>) semaphore(%arg20 : memref<!tpu.dma_semaphore, #tpu.memory_space<semaphore_mem>>)
        %add3A_258 = arith.constant 2 : i32
        %add3A_259 = arith.addi %mul3A_157, %add3A_258 : i32
        %dma_wait3A_260 = arith.constant 0 : i32
        %dma_wait3A_261 = tpu.memref_slice %arg10[%add3A_259, %dma_wait3A_260] : memref<160x128xi32, #tpu.memory_space<vmem>> -> memref<1x128xi32, #tpu.memory_space<vmem>>
        %dma_wait3A_262 = tpu.memref_squeeze %dma_wait3A_261 : memref<1x128xi32, #tpu.memory_space<vmem>> -> memref<128xi32, #tpu.memory_space<vmem>>
        %dma_wait3A_263 = arith.constant 0 : i32
        %dma_wait3A_264 = arith.constant 0 : i32
        %dma_wait3A_265 = tpu.memref_slice %arg18[%dma_wait3A_263, %dma_wait3A_264] : memref<10000x64xf32, #tpu.memory_space<vmem_shared>> -> memref<10000x64xf32, #tpu.memory_space<vmem_shared>>
        tpu.wait_indirect_dma semaphore(%arg25 : memref<!tpu.dma_semaphore, #tpu.memory_space<semaphore_mem>>) src(%arg15 : memref<128x64xf32, #tpu.memory_space<vmem>>) dst(%dma_wait3A_265 : memref<10000x64xf32, #tpu.memory_space<vmem_shared>>)
        %add3A_266 = arith.constant 4 : i32
        %add3A_267 = arith.addi %mul3A_157, %add3A_266 : i32
        %add3A_268 = arith.constant 2 : i32
        %add3A_269 = arith.addi %add3A_267, %add3A_268 : i32
        %dma_start3A_270 = arith.constant 0 : i32
        %dma_start3A_271 = tpu.memref_slice %arg9[%add3A_269, %dma_start3A_270] : memref<160x128xi32, #tpu.memory_space<vmem>> -> memref<1x128xi32, #tpu.memory_space<vmem>>
        %dma_start3A_272 = tpu.memref_squeeze %dma_start3A_271 : memref<1x128xi32, #tpu.memory_space<vmem>> -> memref<128xi32, #tpu.memory_space<vmem>>
        %dma_start3A_273 = arith.constant 0 : i32
        %dma_start3A_274 = arith.constant 0 : i32
        %dma_start3A_275 = tpu.memref_slice %arg2[%dma_start3A_273, %dma_start3A_274] : memref<10000x64xf32, #tpu.memory_space<hbm>> -> memref<10000x64xf32, #tpu.memory_space<hbm>>
        tpu.enqueue_indirect_dma source(%dma_start3A_275 : memref<10000x64xf32, #tpu.memory_space<hbm>>) target(%arg15 : memref<128x64xf32, #tpu.memory_space<vmem>>) offsets(%dma_start3A_272 : memref<128xi32, #tpu.memory_space<vmem>>) semaphore(%arg21 : memref<!tpu.dma_semaphore, #tpu.memory_space<semaphore_mem>>)
        %add3A_276 = arith.constant 3 : i32
        %add3A_277 = arith.addi %mul3A_157, %add3A_276 : i32
        %dma_wait3A_278 = arith.constant 0 : i32
        %dma_wait3A_279 = tpu.memref_slice %arg10[%add3A_277, %dma_wait3A_278] : memref<160x128xi32, #tpu.memory_space<vmem>> -> memref<1x128xi32, #tpu.memory_space<vmem>>
        %dma_wait3A_280 = tpu.memref_squeeze %dma_wait3A_279 : memref<1x128xi32, #tpu.memory_space<vmem>> -> memref<128xi32, #tpu.memory_space<vmem>>
        %dma_wait3A_281 = arith.constant 0 : i32
        %dma_wait3A_282 = arith.constant 0 : i32
        %dma_wait3A_283 = tpu.memref_slice %arg18[%dma_wait3A_281, %dma_wait3A_282] : memref<10000x64xf32, #tpu.memory_space<vmem_shared>> -> memref<10000x64xf32, #tpu.memory_space<vmem_shared>>
        tpu.wait_indirect_dma semaphore(%arg26 : memref<!tpu.dma_semaphore, #tpu.memory_space<semaphore_mem>>) src(%arg16 : memref<128x64xf32, #tpu.memory_space<vmem>>) dst(%dma_wait3A_283 : memref<10000x64xf32, #tpu.memory_space<vmem_shared>>)
        %add3A_284 = arith.constant 4 : i32
        %add3A_285 = arith.addi %mul3A_157, %add3A_284 : i32
        %add3A_286 = arith.constant 3 : i32
        %add3A_287 = arith.addi %add3A_285, %add3A_286 : i32
        %dma_start3A_288 = arith.constant 0 : i32
        %dma_start3A_289 = tpu.memref_slice %arg9[%add3A_287, %dma_start3A_288] : memref<160x128xi32, #tpu.memory_space<vmem>> -> memref<1x128xi32, #tpu.memory_space<vmem>>
        %dma_start3A_290 = tpu.memref_squeeze %dma_start3A_289 : memref<1x128xi32, #tpu.memory_space<vmem>> -> memref<128xi32, #tpu.memory_space<vmem>>
        %dma_start3A_291 = arith.constant 0 : i32
        %dma_start3A_292 = arith.constant 0 : i32
        %dma_start3A_293 = tpu.memref_slice %arg2[%dma_start3A_291, %dma_start3A_292] : memref<10000x64xf32, #tpu.memory_space<hbm>> -> memref<10000x64xf32, #tpu.memory_space<hbm>>
        tpu.enqueue_indirect_dma source(%dma_start3A_293 : memref<10000x64xf32, #tpu.memory_space<hbm>>) target(%arg16 : memref<128x64xf32, #tpu.memory_space<vmem>>) offsets(%dma_start3A_290 : memref<128xi32, #tpu.memory_space<vmem>>) semaphore(%arg22 : memref<!tpu.dma_semaphore, #tpu.memory_space<semaphore_mem>>)
      }
      %scan3A_62 = arith.constant 38 : i32
      %dma_wait3A = arith.constant 152 : i32
      %dma_wait3A_63 = arith.constant 0 : i32
      %dma_wait3A_64 = tpu.memref_slice %arg9[%dma_wait3A, %dma_wait3A_63] : memref<160x128xi32, #tpu.memory_space<vmem>> -> memref<1x128xi32, #tpu.memory_space<vmem>>
      %dma_wait3A_65 = tpu.memref_squeeze %dma_wait3A_64 : memref<1x128xi32, #tpu.memory_space<vmem>> -> memref<128xi32, #tpu.memory_space<vmem>>
      %dma_wait3A_66 = arith.constant 0 : i32
      %dma_wait3A_67 = arith.constant 0 : i32
      %dma_wait3A_68 = tpu.memref_slice %arg2[%dma_wait3A_66, %dma_wait3A_67] : memref<10000x64xf32, #tpu.memory_space<hbm>> -> memref<10000x64xf32, #tpu.memory_space<hbm>>
      tpu.wait_indirect_dma semaphore(%arg19 : memref<!tpu.dma_semaphore, #tpu.memory_space<semaphore_mem>>) src(%dma_wait3A_68 : memref<10000x64xf32, #tpu.memory_space<hbm>>) dst(%arg13 : memref<128x64xf32, #tpu.memory_space<vmem>>)
      %dma_start3A_69 = arith.constant 152 : i32
      %dma_start3A_70 = arith.constant 0 : i32
      %dma_start3A_71 = tpu.memref_slice %arg10[%dma_start3A_69, %dma_start3A_70] : memref<160x128xi32, #tpu.memory_space<vmem>> -> memref<1x128xi32, #tpu.memory_space<vmem>>
      %dma_start3A_72 = tpu.memref_squeeze %dma_start3A_71 : memref<1x128xi32, #tpu.memory_space<vmem>> -> memref<128xi32, #tpu.memory_space<vmem>>
      %dma_start3A_73 = arith.constant 0 : i32
      %dma_start3A_74 = arith.constant 0 : i32
      %dma_start3A_75 = tpu.memref_slice %arg18[%dma_start3A_73, %dma_start3A_74] : memref<10000x64xf32, #tpu.memory_space<vmem_shared>> -> memref<10000x64xf32, #tpu.memory_space<vmem_shared>>
      tpu.enqueue_indirect_dma source(%arg13 : memref<128x64xf32, #tpu.memory_space<vmem>>) target(%dma_start3A_75 : memref<10000x64xf32, #tpu.memory_space<vmem_shared>>) offsets(%dma_start3A_72 : memref<128xi32, #tpu.memory_space<vmem>>) semaphore(%arg23 : memref<!tpu.dma_semaphore, #tpu.memory_space<semaphore_mem>>) {add = true}
      %dma_wait3A_76 = arith.constant 153 : i32
      %dma_wait3A_77 = arith.constant 0 : i32
      %dma_wait3A_78 = tpu.memref_slice %arg9[%dma_wait3A_76, %dma_wait3A_77] : memref<160x128xi32, #tpu.memory_space<vmem>> -> memref<1x128xi32, #tpu.memory_space<vmem>>
      %dma_wait3A_79 = tpu.memref_squeeze %dma_wait3A_78 : memref<1x128xi32, #tpu.memory_space<vmem>> -> memref<128xi32, #tpu.memory_space<vmem>>
      %dma_wait3A_80 = arith.constant 0 : i32
      %dma_wait3A_81 = arith.constant 0 : i32
      %dma_wait3A_82 = tpu.memref_slice %arg2[%dma_wait3A_80, %dma_wait3A_81] : memref<10000x64xf32, #tpu.memory_space<hbm>> -> memref<10000x64xf32, #tpu.memory_space<hbm>>
      tpu.wait_indirect_dma semaphore(%arg20 : memref<!tpu.dma_semaphore, #tpu.memory_space<semaphore_mem>>) src(%dma_wait3A_82 : memref<10000x64xf32, #tpu.memory_space<hbm>>) dst(%arg14 : memref<128x64xf32, #tpu.memory_space<vmem>>)
      %dma_start3A_83 = arith.constant 153 : i32
      %dma_start3A_84 = arith.constant 0 : i32
      %dma_start3A_85 = tpu.memref_slice %arg10[%dma_start3A_83, %dma_start3A_84] : memref<160x128xi32, #tpu.memory_space<vmem>> -> memref<1x128xi32, #tpu.memory_space<vmem>>
      %dma_start3A_86 = tpu.memref_squeeze %dma_start3A_85 : memref<1x128xi32, #tpu.memory_space<vmem>> -> memref<128xi32, #tpu.memory_space<vmem>>
      %dma_start3A_87 = arith.constant 0 : i32
      %dma_start3A_88 = arith.constant 0 : i32
      %dma_start3A_89 = tpu.memref_slice %arg18[%dma_start3A_87, %dma_start3A_88] : memref<10000x64xf32, #tpu.memory_space<vmem_shared>> -> memref<10000x64xf32, #tpu.memory_space<vmem_shared>>
      tpu.enqueue_indirect_dma source(%arg14 : memref<128x64xf32, #tpu.memory_space<vmem>>) target(%dma_start3A_89 : memref<10000x64xf32, #tpu.memory_space<vmem_shared>>) offsets(%dma_start3A_86 : memref<128xi32, #tpu.memory_space<vmem>>) semaphore(%arg24 : memref<!tpu.dma_semaphore, #tpu.memory_space<semaphore_mem>>) {add = true}
      %dma_wait3A_90 = arith.constant 154 : i32
      %dma_wait3A_91 = arith.constant 0 : i32
      %dma_wait3A_92 = tpu.memref_slice %arg9[%dma_wait3A_90, %dma_wait3A_91] : memref<160x128xi32, #tpu.memory_space<vmem>> -> memref<1x128xi32, #tpu.memory_space<vmem>>
      %dma_wait3A_93 = tpu.memref_squeeze %dma_wait3A_92 : memref<1x128xi32, #tpu.memory_space<vmem>> -> memref<128xi32, #tpu.memory_space<vmem>>
      %dma_wait3A_94 = arith.constant 0 : i32
      %dma_wait3A_95 = arith.constant 0 : i32
      %dma_wait3A_96 = tpu.memref_slice %arg2[%dma_wait3A_94, %dma_wait3A_95] : memref<10000x64xf32, #tpu.memory_space<hbm>> -> memref<10000x64xf32, #tpu.memory_space<hbm>>
      tpu.wait_indirect_dma semaphore(%arg21 : memref<!tpu.dma_semaphore, #tpu.memory_space<semaphore_mem>>) src(%dma_wait3A_96 : memref<10000x64xf32, #tpu.memory_space<hbm>>) dst(%arg15 : memref<128x64xf32, #tpu.memory_space<vmem>>)
      %dma_start3A_97 = arith.constant 154 : i32
      %dma_start3A_98 = arith.constant 0 : i32
      %dma_start3A_99 = tpu.memref_slice %arg10[%dma_start3A_97, %dma_start3A_98] : memref<160x128xi32, #tpu.memory_space<vmem>> -> memref<1x128xi32, #tpu.memory_space<vmem>>
      %dma_start3A_100 = tpu.memref_squeeze %dma_start3A_99 : memref<1x128xi32, #tpu.memory_space<vmem>> -> memref<128xi32, #tpu.memory_space<vmem>>
      %dma_start3A_101 = arith.constant 0 : i32
      %dma_start3A_102 = arith.constant 0 : i32
      %dma_start3A_103 = tpu.memref_slice %arg18[%dma_start3A_101, %dma_start3A_102] : memref<10000x64xf32, #tpu.memory_space<vmem_shared>> -> memref<10000x64xf32, #tpu.memory_space<vmem_shared>>
      tpu.enqueue_indirect_dma source(%arg15 : memref<128x64xf32, #tpu.memory_space<vmem>>) target(%dma_start3A_103 : memref<10000x64xf32, #tpu.memory_space<vmem_shared>>) offsets(%dma_start3A_100 : memref<128xi32, #tpu.memory_space<vmem>>) semaphore(%arg25 : memref<!tpu.dma_semaphore, #tpu.memory_space<semaphore_mem>>) {add = true}
      %dma_wait3A_104 = arith.constant 155 : i32
      %dma_wait3A_105 = arith.constant 0 : i32
      %dma_wait3A_106 = tpu.memref_slice %arg9[%dma_wait3A_104, %dma_wait3A_105] : memref<160x128xi32, #tpu.memory_space<vmem>> -> memref<1x128xi32, #tpu.memory_space<vmem>>
      %dma_wait3A_107 = tpu.memref_squeeze %dma_wait3A_106 : memref<1x128xi32, #tpu.memory_space<vmem>> -> memref<128xi32, #tpu.memory_space<vmem>>
      %dma_wait3A_108 = arith.constant 0 : i32
      %dma_wait3A_109 = arith.constant 0 : i32
      %dma_wait3A_110 = tpu.memref_slice %arg2[%dma_wait3A_108, %dma_wait3A_109] : memref<10000x64xf32, #tpu.memory_space<hbm>> -> memref<10000x64xf32, #tpu.memory_space<hbm>>
      tpu.wait_indirect_dma semaphore(%arg22 : memref<!tpu.dma_semaphore, #tpu.memory_space<semaphore_mem>>) src(%dma_wait3A_110 : memref<10000x64xf32, #tpu.memory_space<hbm>>) dst(%arg16 : memref<128x64xf32, #tpu.memory_space<vmem>>)
      %dma_start3A_111 = arith.constant 155 : i32
      %dma_start3A_112 = arith.constant 0 : i32
      %dma_start3A_113 = tpu.memref_slice %arg10[%dma_start3A_111, %dma_start3A_112] : memref<160x128xi32, #tpu.memory_space<vmem>> -> memref<1x128xi32, #tpu.memory_space<vmem>>
      %dma_start3A_114 = tpu.memref_squeeze %dma_start3A_113 : memref<1x128xi32, #tpu.memory_space<vmem>> -> memref<128xi32, #tpu.memory_space<vmem>>
      %dma_start3A_115 = arith.constant 0 : i32
      %dma_start3A_116 = arith.constant 0 : i32
      %dma_start3A_117 = tpu.memref_slice %arg18[%dma_start3A_115, %dma_start3A_116] : memref<10000x64xf32, #tpu.memory_space<vmem_shared>> -> memref<10000x64xf32, #tpu.memory_space<vmem_shared>>
      tpu.enqueue_indirect_dma source(%arg16 : memref<128x64xf32, #tpu.memory_space<vmem>>) target(%dma_start3A_117 : memref<10000x64xf32, #tpu.memory_space<vmem_shared>>) offsets(%dma_start3A_114 : memref<128xi32, #tpu.memory_space<vmem>>) semaphore(%arg26 : memref<!tpu.dma_semaphore, #tpu.memory_space<semaphore_mem>>) {add = true}
      %dma_wait3A_118 = arith.constant 152 : i32
      %dma_wait3A_119 = arith.constant 0 : i32
      %dma_wait3A_120 = tpu.memref_slice %arg10[%dma_wait3A_118, %dma_wait3A_119] : memref<160x128xi32, #tpu.memory_space<vmem>> -> memref<1x128xi32, #tpu.memory_space<vmem>>
      %dma_wait3A_121 = tpu.memref_squeeze %dma_wait3A_120 : memref<1x128xi32, #tpu.memory_space<vmem>> -> memref<128xi32, #tpu.memory_space<vmem>>
      %dma_wait3A_122 = arith.constant 0 : i32
      %dma_wait3A_123 = arith.constant 0 : i32
      %dma_wait3A_124 = tpu.memref_slice %arg18[%dma_wait3A_122, %dma_wait3A_123] : memref<10000x64xf32, #tpu.memory_space<vmem_shared>> -> memref<10000x64xf32, #tpu.memory_space<vmem_shared>>
      tpu.wait_indirect_dma semaphore(%arg23 : memref<!tpu.dma_semaphore, #tpu.memory_space<semaphore_mem>>) src(%arg13 : memref<128x64xf32, #tpu.memory_space<vmem>>) dst(%dma_wait3A_124 : memref<10000x64xf32, #tpu.memory_space<vmem_shared>>)
      %dma_wait3A_125 = arith.constant 153 : i32
      %dma_wait3A_126 = arith.constant 0 : i32
      %dma_wait3A_127 = tpu.memref_slice %arg10[%dma_wait3A_125, %dma_wait3A_126] : memref<160x128xi32, #tpu.memory_space<vmem>> -> memref<1x128xi32, #tpu.memory_space<vmem>>
      %dma_wait3A_128 = tpu.memref_squeeze %dma_wait3A_127 : memref<1x128xi32, #tpu.memory_space<vmem>> -> memref<128xi32, #tpu.memory_space<vmem>>
      %dma_wait3A_129 = arith.constant 0 : i32
      %dma_wait3A_130 = arith.constant 0 : i32
      %dma_wait3A_131 = tpu.memref_slice %arg18[%dma_wait3A_129, %dma_wait3A_130] : memref<10000x64xf32, #tpu.memory_space<vmem_shared>> -> memref<10000x64xf32, #tpu.memory_space<vmem_shared>>
      tpu.wait_indirect_dma semaphore(%arg24 : memref<!tpu.dma_semaphore, #tpu.memory_space<semaphore_mem>>) src(%arg14 : memref<128x64xf32, #tpu.memory_space<vmem>>) dst(%dma_wait3A_131 : memref<10000x64xf32, #tpu.memory_space<vmem_shared>>)
      %dma_wait3A_132 = arith.constant 154 : i32
      %dma_wait3A_133 = arith.constant 0 : i32
      %dma_wait3A_134 = tpu.memref_slice %arg10[%dma_wait3A_132, %dma_wait3A_133] : memref<160x128xi32, #tpu.memory_space<vmem>> -> memref<1x128xi32, #tpu.memory_space<vmem>>
      %dma_wait3A_135 = tpu.memref_squeeze %dma_wait3A_134 : memref<1x128xi32, #tpu.memory_space<vmem>> -> memref<128xi32, #tpu.memory_space<vmem>>
      %dma_wait3A_136 = arith.constant 0 : i32
      %dma_wait3A_137 = arith.constant 0 : i32
      %dma_wait3A_138 = tpu.memref_slice %arg18[%dma_wait3A_136, %dma_wait3A_137] : memref<10000x64xf32, #tpu.memory_space<vmem_shared>> -> memref<10000x64xf32, #tpu.memory_space<vmem_shared>>
      tpu.wait_indirect_dma semaphore(%arg25 : memref<!tpu.dma_semaphore, #tpu.memory_space<semaphore_mem>>) src(%arg15 : memref<128x64xf32, #tpu.memory_space<vmem>>) dst(%dma_wait3A_138 : memref<10000x64xf32, #tpu.memory_space<vmem_shared>>)
      %dma_wait3A_139 = arith.constant 155 : i32
      %dma_wait3A_140 = arith.constant 0 : i32
      %dma_wait3A_141 = tpu.memref_slice %arg10[%dma_wait3A_139, %dma_wait3A_140] : memref<160x128xi32, #tpu.memory_space<vmem>> -> memref<1x128xi32, #tpu.memory_space<vmem>>
      %dma_wait3A_142 = tpu.memref_squeeze %dma_wait3A_141 : memref<1x128xi32, #tpu.memory_space<vmem>> -> memref<128xi32, #tpu.memory_space<vmem>>
      %dma_wait3A_143 = arith.constant 0 : i32
      %dma_wait3A_144 = arith.constant 0 : i32
      %dma_wait3A_145 = tpu.memref_slice %arg18[%dma_wait3A_143, %dma_wait3A_144] : memref<10000x64xf32, #tpu.memory_space<vmem_shared>> -> memref<10000x64xf32, #tpu.memory_space<vmem_shared>>
      tpu.wait_indirect_dma semaphore(%arg26 : memref<!tpu.dma_semaphore, #tpu.memory_space<semaphore_mem>>) src(%arg16 : memref<128x64xf32, #tpu.memory_space<vmem>>) dst(%dma_wait3A_145 : memref<10000x64xf32, #tpu.memory_space<vmem_shared>>)
      %dma_start3A_146 = arith.constant 0 : i32
      %dma_start3A_147 = arith.constant 0 : i32
      %dma_start3A_148 = tpu.memref_slice %arg2[%dma_start3A_146, %dma_start3A_147] : memref<10000x64xf32, #tpu.memory_space<hbm>> -> memref<10000x64xf32, #tpu.memory_space<hbm>>
      tpu.enqueue_indirect_dma source(%dma_start3A_148 : memref<10000x64xf32, #tpu.memory_space<hbm>>) target(%arg17 : memref<32x64xf32, #tpu.memory_space<vmem>>) offsets(%arg11 : memref<32xi32, #tpu.memory_space<vmem>>) semaphore(%arg19 : memref<!tpu.dma_semaphore, #tpu.memory_space<semaphore_mem>>)
      %dma_wait3A_149 = arith.constant 0 : i32
      %dma_wait3A_150 = arith.constant 0 : i32
      %dma_wait3A_151 = tpu.memref_slice %arg2[%dma_wait3A_149, %dma_wait3A_150] : memref<10000x64xf32, #tpu.memory_space<hbm>> -> memref<10000x64xf32, #tpu.memory_space<hbm>>
      tpu.wait_indirect_dma semaphore(%arg19 : memref<!tpu.dma_semaphore, #tpu.memory_space<semaphore_mem>>) src(%dma_wait3A_151 : memref<10000x64xf32, #tpu.memory_space<hbm>>) dst(%arg17 : memref<32x64xf32, #tpu.memory_space<vmem>>)
      "tpu.region"() ({
        %run_scoped3A = tpu.sem_alloc : memref<!tpu.dma_semaphore, #tpu.memory_space<semaphore_mem>>
        %dma_start3A_152 = arith.constant 0 : i32
        %dma_start3A_153 = arith.constant 0 : i32
        %dma_start3A_154 = tpu.memref_slice %arg18[%dma_start3A_152, %dma_start3A_153] : memref<10000x64xf32, #tpu.memory_space<vmem_shared>> -> memref<10000x64xf32, #tpu.memory_space<vmem_shared>>
        tpu.enqueue_indirect_dma source(%arg17 : memref<32x64xf32, #tpu.memory_space<vmem>>) target(%dma_start3A_154 : memref<10000x64xf32, #tpu.memory_space<vmem_shared>>) offsets(%arg12 : memref<32xi32, #tpu.memory_space<vmem>>) semaphore(%run_scoped3A : memref<!tpu.dma_semaphore, #tpu.memory_space<semaphore_mem>>) {add = true}
        %dma_wait3A_155 = arith.constant 0 : i32
        %dma_wait3A_156 = arith.constant 0 : i32
        %dma_wait3A_157 = tpu.memref_slice %arg18[%dma_wait3A_155, %dma_wait3A_156] : memref<10000x64xf32, #tpu.memory_space<vmem_shared>> -> memref<10000x64xf32, #tpu.memory_space<vmem_shared>>
        tpu.wait_indirect_dma semaphore(%run_scoped3A : memref<!tpu.dma_semaphore, #tpu.memory_space<semaphore_mem>>) src(%arg17 : memref<32x64xf32, #tpu.memory_space<vmem>>) dst(%dma_wait3A_157 : memref<10000x64xf32, #tpu.memory_space<vmem_shared>>)
        tpu.yield
      }) : () -> ()
    } else {
    }
    %eq3A_21 = arith.constant 1 : i32
    %eq3A_22 = arith.cmpi eq, %arg0, %eq3A_21 : i32
    %convert_element_type3A_23 = arith.extui %eq3A_22 : i1 to i32
    %cond3A_24 = arith.constant 0 : i32
    %cond3A_25 = arith.cmpi ne, %convert_element_type3A_23, %cond3A_24 : i32
    scf.if %cond3A_25 {
      %dma_start3A = arith.constant 0 : i32
      %dma_start3A_32 = arith.constant 0 : i32
      %dma_start3A_33 = tpu.memref_slice %arg9[%dma_start3A, %dma_start3A_32] : memref<160x128xi32, #tpu.memory_space<vmem>> -> memref<1x128xi32, #tpu.memory_space<vmem>>
      %dma_start3A_34 = tpu.memref_squeeze %dma_start3A_33 : memref<1x128xi32, #tpu.memory_space<vmem>> -> memref<128xi32, #tpu.memory_space<vmem>>
      %dma_start3A_35 = arith.constant 0 : i32
      %dma_start3A_36 = arith.constant 0 : i32
      %dma_start3A_37 = tpu.memref_slice %arg3[%dma_start3A_35, %dma_start3A_36] : memref<10000x64xf32, #tpu.memory_space<hbm>> -> memref<10000x64xf32, #tpu.memory_space<hbm>>
      tpu.enqueue_indirect_dma source(%dma_start3A_37 : memref<10000x64xf32, #tpu.memory_space<hbm>>) target(%arg13 : memref<128x64xf32, #tpu.memory_space<vmem>>) offsets(%dma_start3A_34 : memref<128xi32, #tpu.memory_space<vmem>>) semaphore(%arg19 : memref<!tpu.dma_semaphore, #tpu.memory_space<semaphore_mem>>)
      %dma_start3A_38 = arith.constant 1 : i32
      %dma_start3A_39 = arith.constant 0 : i32
      %dma_start3A_40 = tpu.memref_slice %arg9[%dma_start3A_38, %dma_start3A_39] : memref<160x128xi32, #tpu.memory_space<vmem>> -> memref<1x128xi32, #tpu.memory_space<vmem>>
      %dma_start3A_41 = tpu.memref_squeeze %dma_start3A_40 : memref<1x128xi32, #tpu.memory_space<vmem>> -> memref<128xi32, #tpu.memory_space<vmem>>
      %dma_start3A_42 = arith.constant 0 : i32
      %dma_start3A_43 = arith.constant 0 : i32
      %dma_start3A_44 = tpu.memref_slice %arg3[%dma_start3A_42, %dma_start3A_43] : memref<10000x64xf32, #tpu.memory_space<hbm>> -> memref<10000x64xf32, #tpu.memory_space<hbm>>
      tpu.enqueue_indirect_dma source(%dma_start3A_44 : memref<10000x64xf32, #tpu.memory_space<hbm>>) target(%arg14 : memref<128x64xf32, #tpu.memory_space<vmem>>) offsets(%dma_start3A_41 : memref<128xi32, #tpu.memory_space<vmem>>) semaphore(%arg20 : memref<!tpu.dma_semaphore, #tpu.memory_space<semaphore_mem>>)
      %dma_start3A_45 = arith.constant 2 : i32
      %dma_start3A_46 = arith.constant 0 : i32
      %dma_start3A_47 = tpu.memref_slice %arg9[%dma_start3A_45, %dma_start3A_46] : memref<160x128xi32, #tpu.memory_space<vmem>> -> memref<1x128xi32, #tpu.memory_space<vmem>>
      %dma_start3A_48 = tpu.memref_squeeze %dma_start3A_47 : memref<1x128xi32, #tpu.memory_space<vmem>> -> memref<128xi32, #tpu.memory_space<vmem>>
      %dma_start3A_49 = arith.constant 0 : i32
      %dma_start3A_50 = arith.constant 0 : i32
      %dma_start3A_51 = tpu.memref_slice %arg3[%dma_start3A_49, %dma_start3A_50] : memref<10000x64xf32, #tpu.memory_space<hbm>> -> memref<10000x64xf32, #tpu.memory_space<hbm>>
      tpu.enqueue_indirect_dma source(%dma_start3A_51 : memref<10000x64xf32, #tpu.memory_space<hbm>>) target(%arg15 : memref<128x64xf32, #tpu.memory_space<vmem>>) offsets(%dma_start3A_48 : memref<128xi32, #tpu.memory_space<vmem>>) semaphore(%arg21 : memref<!tpu.dma_semaphore, #tpu.memory_space<semaphore_mem>>)
      %dma_start3A_52 = arith.constant 3 : i32
      %dma_start3A_53 = arith.constant 0 : i32
      %dma_start3A_54 = tpu.memref_slice %arg9[%dma_start3A_52, %dma_start3A_53] : memref<160x128xi32, #tpu.memory_space<vmem>> -> memref<1x128xi32, #tpu.memory_space<vmem>>
      %dma_start3A_55 = tpu.memref_squeeze %dma_start3A_54 : memref<1x128xi32, #tpu.memory_space<vmem>> -> memref<128xi32, #tpu.memory_space<vmem>>
      %dma_start3A_56 = arith.constant 0 : i32
      %dma_start3A_57 = arith.constant 0 : i32
      %dma_start3A_58 = tpu.memref_slice %arg3[%dma_start3A_56, %dma_start3A_57] : memref<10000x64xf32, #tpu.memory_space<hbm>> -> memref<10000x64xf32, #tpu.memory_space<hbm>>
      tpu.enqueue_indirect_dma source(%dma_start3A_58 : memref<10000x64xf32, #tpu.memory_space<hbm>>) target(%arg16 : memref<128x64xf32, #tpu.memory_space<vmem>>) offsets(%dma_start3A_55 : memref<128xi32, #tpu.memory_space<vmem>>) semaphore(%arg22 : memref<!tpu.dma_semaphore, #tpu.memory_space<semaphore_mem>>)
      %scan3A = arith.constant 0 : i32
      %scan3A_59 = arith.constant 38 : i32
      %scan3A_60 = arith.addi %scan3A, %scan3A_59 : i32
      %scan3A_61 = arith.constant 1 : i32
      scf.for %scan3A_152 = %scan3A to %scan3A_60 step %scan3A_61  : i32 {
        %mul3A_153 = arith.constant 1 : i32
        %mul3A_154 = arith.muli %scan3A_152, %mul3A_153 : i32
        %add3A = arith.constant 0 : i32
        %add3A_155 = arith.addi %add3A, %mul3A_154 : i32
        %mul3A_156 = arith.constant 4 : i32
        %mul3A_157 = arith.muli %add3A_155, %mul3A_156 : i32
        %add3A_158 = arith.constant 0 : i32
        %add3A_159 = arith.addi %mul3A_157, %add3A_158 : i32
        %dma_wait3A_160 = arith.constant 0 : i32
        %dma_wait3A_161 = tpu.memref_slice %arg9[%add3A_159, %dma_wait3A_160] : memref<160x128xi32, #tpu.memory_space<vmem>> -> memref<1x128xi32, #tpu.memory_space<vmem>>
        %dma_wait3A_162 = tpu.memref_squeeze %dma_wait3A_161 : memref<1x128xi32, #tpu.memory_space<vmem>> -> memref<128xi32, #tpu.memory_space<vmem>>
        %dma_wait3A_163 = arith.constant 0 : i32
        %dma_wait3A_164 = arith.constant 0 : i32
        %dma_wait3A_165 = tpu.memref_slice %arg3[%dma_wait3A_163, %dma_wait3A_164] : memref<10000x64xf32, #tpu.memory_space<hbm>> -> memref<10000x64xf32, #tpu.memory_space<hbm>>
        tpu.wait_indirect_dma semaphore(%arg19 : memref<!tpu.dma_semaphore, #tpu.memory_space<semaphore_mem>>) src(%dma_wait3A_165 : memref<10000x64xf32, #tpu.memory_space<hbm>>) dst(%arg13 : memref<128x64xf32, #tpu.memory_space<vmem>>)
        %add3A_166 = arith.constant 0 : i32
        %add3A_167 = arith.addi %mul3A_157, %add3A_166 : i32
        %dma_start3A_168 = arith.constant 0 : i32
        %dma_start3A_169 = tpu.memref_slice %arg10[%add3A_167, %dma_start3A_168] : memref<160x128xi32, #tpu.memory_space<vmem>> -> memref<1x128xi32, #tpu.memory_space<vmem>>
        %dma_start3A_170 = tpu.memref_squeeze %dma_start3A_169 : memref<1x128xi32, #tpu.memory_space<vmem>> -> memref<128xi32, #tpu.memory_space<vmem>>
        %dma_start3A_171 = arith.constant 0 : i32
        %dma_start3A_172 = arith.constant 0 : i32
        %dma_start3A_173 = tpu.memref_slice %arg18[%dma_start3A_171, %dma_start3A_172] : memref<10000x64xf32, #tpu.memory_space<vmem_shared>> -> memref<10000x64xf32, #tpu.memory_space<vmem_shared>>
        tpu.enqueue_indirect_dma source(%arg13 : memref<128x64xf32, #tpu.memory_space<vmem>>) target(%dma_start3A_173 : memref<10000x64xf32, #tpu.memory_space<vmem_shared>>) offsets(%dma_start3A_170 : memref<128xi32, #tpu.memory_space<vmem>>) semaphore(%arg23 : memref<!tpu.dma_semaphore, #tpu.memory_space<semaphore_mem>>) {add = true}
        %add3A_174 = arith.constant 1 : i32
        %add3A_175 = arith.addi %mul3A_157, %add3A_174 : i32
        %dma_wait3A_176 = arith.constant 0 : i32
        %dma_wait3A_177 = tpu.memref_slice %arg9[%add3A_175, %dma_wait3A_176] : memref<160x128xi32, #tpu.memory_space<vmem>> -> memref<1x128xi32, #tpu.memory_space<vmem>>
        %dma_wait3A_178 = tpu.memref_squeeze %dma_wait3A_177 : memref<1x128xi32, #tpu.memory_space<vmem>> -> memref<128xi32, #tpu.memory_space<vmem>>
        %dma_wait3A_179 = arith.constant 0 : i32
        %dma_wait3A_180 = arith.constant 0 : i32
        %dma_wait3A_181 = tpu.memref_slice %arg3[%dma_wait3A_179, %dma_wait3A_180] : memref<10000x64xf32, #tpu.memory_space<hbm>> -> memref<10000x64xf32, #tpu.memory_space<hbm>>
        tpu.wait_indirect_dma semaphore(%arg20 : memref<!tpu.dma_semaphore, #tpu.memory_space<semaphore_mem>>) src(%dma_wait3A_181 : memref<10000x64xf32, #tpu.memory_space<hbm>>) dst(%arg14 : memref<128x64xf32, #tpu.memory_space<vmem>>)
        %add3A_182 = arith.constant 1 : i32
        %add3A_183 = arith.addi %mul3A_157, %add3A_182 : i32
        %dma_start3A_184 = arith.constant 0 : i32
        %dma_start3A_185 = tpu.memref_slice %arg10[%add3A_183, %dma_start3A_184] : memref<160x128xi32, #tpu.memory_space<vmem>> -> memref<1x128xi32, #tpu.memory_space<vmem>>
        %dma_start3A_186 = tpu.memref_squeeze %dma_start3A_185 : memref<1x128xi32, #tpu.memory_space<vmem>> -> memref<128xi32, #tpu.memory_space<vmem>>
        %dma_start3A_187 = arith.constant 0 : i32
        %dma_start3A_188 = arith.constant 0 : i32
        %dma_start3A_189 = tpu.memref_slice %arg18[%dma_start3A_187, %dma_start3A_188] : memref<10000x64xf32, #tpu.memory_space<vmem_shared>> -> memref<10000x64xf32, #tpu.memory_space<vmem_shared>>
        tpu.enqueue_indirect_dma source(%arg14 : memref<128x64xf32, #tpu.memory_space<vmem>>) target(%dma_start3A_189 : memref<10000x64xf32, #tpu.memory_space<vmem_shared>>) offsets(%dma_start3A_186 : memref<128xi32, #tpu.memory_space<vmem>>) semaphore(%arg24 : memref<!tpu.dma_semaphore, #tpu.memory_space<semaphore_mem>>) {add = true}
        %add3A_190 = arith.constant 2 : i32
        %add3A_191 = arith.addi %mul3A_157, %add3A_190 : i32
        %dma_wait3A_192 = arith.constant 0 : i32
        %dma_wait3A_193 = tpu.memref_slice %arg9[%add3A_191, %dma_wait3A_192] : memref<160x128xi32, #tpu.memory_space<vmem>> -> memref<1x128xi32, #tpu.memory_space<vmem>>
        %dma_wait3A_194 = tpu.memref_squeeze %dma_wait3A_193 : memref<1x128xi32, #tpu.memory_space<vmem>> -> memref<128xi32, #tpu.memory_space<vmem>>
        %dma_wait3A_195 = arith.constant 0 : i32
        %dma_wait3A_196 = arith.constant 0 : i32
        %dma_wait3A_197 = tpu.memref_slice %arg3[%dma_wait3A_195, %dma_wait3A_196] : memref<10000x64xf32, #tpu.memory_space<hbm>> -> memref<10000x64xf32, #tpu.memory_space<hbm>>
        tpu.wait_indirect_dma semaphore(%arg21 : memref<!tpu.dma_semaphore, #tpu.memory_space<semaphore_mem>>) src(%dma_wait3A_197 : memref<10000x64xf32, #tpu.memory_space<hbm>>) dst(%arg15 : memref<128x64xf32, #tpu.memory_space<vmem>>)
        %add3A_198 = arith.constant 2 : i32
        %add3A_199 = arith.addi %mul3A_157, %add3A_198 : i32
        %dma_start3A_200 = arith.constant 0 : i32
        %dma_start3A_201 = tpu.memref_slice %arg10[%add3A_199, %dma_start3A_200] : memref<160x128xi32, #tpu.memory_space<vmem>> -> memref<1x128xi32, #tpu.memory_space<vmem>>
        %dma_start3A_202 = tpu.memref_squeeze %dma_start3A_201 : memref<1x128xi32, #tpu.memory_space<vmem>> -> memref<128xi32, #tpu.memory_space<vmem>>
        %dma_start3A_203 = arith.constant 0 : i32
        %dma_start3A_204 = arith.constant 0 : i32
        %dma_start3A_205 = tpu.memref_slice %arg18[%dma_start3A_203, %dma_start3A_204] : memref<10000x64xf32, #tpu.memory_space<vmem_shared>> -> memref<10000x64xf32, #tpu.memory_space<vmem_shared>>
        tpu.enqueue_indirect_dma source(%arg15 : memref<128x64xf32, #tpu.memory_space<vmem>>) target(%dma_start3A_205 : memref<10000x64xf32, #tpu.memory_space<vmem_shared>>) offsets(%dma_start3A_202 : memref<128xi32, #tpu.memory_space<vmem>>) semaphore(%arg25 : memref<!tpu.dma_semaphore, #tpu.memory_space<semaphore_mem>>) {add = true}
        %add3A_206 = arith.constant 3 : i32
        %add3A_207 = arith.addi %mul3A_157, %add3A_206 : i32
        %dma_wait3A_208 = arith.constant 0 : i32
        %dma_wait3A_209 = tpu.memref_slice %arg9[%add3A_207, %dma_wait3A_208] : memref<160x128xi32, #tpu.memory_space<vmem>> -> memref<1x128xi32, #tpu.memory_space<vmem>>
        %dma_wait3A_210 = tpu.memref_squeeze %dma_wait3A_209 : memref<1x128xi32, #tpu.memory_space<vmem>> -> memref<128xi32, #tpu.memory_space<vmem>>
        %dma_wait3A_211 = arith.constant 0 : i32
        %dma_wait3A_212 = arith.constant 0 : i32
        %dma_wait3A_213 = tpu.memref_slice %arg3[%dma_wait3A_211, %dma_wait3A_212] : memref<10000x64xf32, #tpu.memory_space<hbm>> -> memref<10000x64xf32, #tpu.memory_space<hbm>>
        tpu.wait_indirect_dma semaphore(%arg22 : memref<!tpu.dma_semaphore, #tpu.memory_space<semaphore_mem>>) src(%dma_wait3A_213 : memref<10000x64xf32, #tpu.memory_space<hbm>>) dst(%arg16 : memref<128x64xf32, #tpu.memory_space<vmem>>)
        %add3A_214 = arith.constant 3 : i32
        %add3A_215 = arith.addi %mul3A_157, %add3A_214 : i32
        %dma_start3A_216 = arith.constant 0 : i32
        %dma_start3A_217 = tpu.memref_slice %arg10[%add3A_215, %dma_start3A_216] : memref<160x128xi32, #tpu.memory_space<vmem>> -> memref<1x128xi32, #tpu.memory_space<vmem>>
        %dma_start3A_218 = tpu.memref_squeeze %dma_start3A_217 : memref<1x128xi32, #tpu.memory_space<vmem>> -> memref<128xi32, #tpu.memory_space<vmem>>
        %dma_start3A_219 = arith.constant 0 : i32
        %dma_start3A_220 = arith.constant 0 : i32
        %dma_start3A_221 = tpu.memref_slice %arg18[%dma_start3A_219, %dma_start3A_220] : memref<10000x64xf32, #tpu.memory_space<vmem_shared>> -> memref<10000x64xf32, #tpu.memory_space<vmem_shared>>
        tpu.enqueue_indirect_dma source(%arg16 : memref<128x64xf32, #tpu.memory_space<vmem>>) target(%dma_start3A_221 : memref<10000x64xf32, #tpu.memory_space<vmem_shared>>) offsets(%dma_start3A_218 : memref<128xi32, #tpu.memory_space<vmem>>) semaphore(%arg26 : memref<!tpu.dma_semaphore, #tpu.memory_space<semaphore_mem>>) {add = true}
        %add3A_222 = arith.constant 0 : i32
        %add3A_223 = arith.addi %mul3A_157, %add3A_222 : i32
        %dma_wait3A_224 = arith.constant 0 : i32
        %dma_wait3A_225 = tpu.memref_slice %arg10[%add3A_223, %dma_wait3A_224] : memref<160x128xi32, #tpu.memory_space<vmem>> -> memref<1x128xi32, #tpu.memory_space<vmem>>
        %dma_wait3A_226 = tpu.memref_squeeze %dma_wait3A_225 : memref<1x128xi32, #tpu.memory_space<vmem>> -> memref<128xi32, #tpu.memory_space<vmem>>
        %dma_wait3A_227 = arith.constant 0 : i32
        %dma_wait3A_228 = arith.constant 0 : i32
        %dma_wait3A_229 = tpu.memref_slice %arg18[%dma_wait3A_227, %dma_wait3A_228] : memref<10000x64xf32, #tpu.memory_space<vmem_shared>> -> memref<10000x64xf32, #tpu.memory_space<vmem_shared>>
        tpu.wait_indirect_dma semaphore(%arg23 : memref<!tpu.dma_semaphore, #tpu.memory_space<semaphore_mem>>) src(%arg13 : memref<128x64xf32, #tpu.memory_space<vmem>>) dst(%dma_wait3A_229 : memref<10000x64xf32, #tpu.memory_space<vmem_shared>>)
        %add3A_230 = arith.constant 4 : i32
        %add3A_231 = arith.addi %mul3A_157, %add3A_230 : i32
        %add3A_232 = arith.constant 0 : i32
        %add3A_233 = arith.addi %add3A_231, %add3A_232 : i32
        %dma_start3A_234 = arith.constant 0 : i32
        %dma_start3A_235 = tpu.memref_slice %arg9[%add3A_233, %dma_start3A_234] : memref<160x128xi32, #tpu.memory_space<vmem>> -> memref<1x128xi32, #tpu.memory_space<vmem>>
        %dma_start3A_236 = tpu.memref_squeeze %dma_start3A_235 : memref<1x128xi32, #tpu.memory_space<vmem>> -> memref<128xi32, #tpu.memory_space<vmem>>
        %dma_start3A_237 = arith.constant 0 : i32
        %dma_start3A_238 = arith.constant 0 : i32
        %dma_start3A_239 = tpu.memref_slice %arg3[%dma_start3A_237, %dma_start3A_238] : memref<10000x64xf32, #tpu.memory_space<hbm>> -> memref<10000x64xf32, #tpu.memory_space<hbm>>
        tpu.enqueue_indirect_dma source(%dma_start3A_239 : memref<10000x64xf32, #tpu.memory_space<hbm>>) target(%arg13 : memref<128x64xf32, #tpu.memory_space<vmem>>) offsets(%dma_start3A_236 : memref<128xi32, #tpu.memory_space<vmem>>) semaphore(%arg19 : memref<!tpu.dma_semaphore, #tpu.memory_space<semaphore_mem>>)
        %add3A_240 = arith.constant 1 : i32
        %add3A_241 = arith.addi %mul3A_157, %add3A_240 : i32
        %dma_wait3A_242 = arith.constant 0 : i32
        %dma_wait3A_243 = tpu.memref_slice %arg10[%add3A_241, %dma_wait3A_242] : memref<160x128xi32, #tpu.memory_space<vmem>> -> memref<1x128xi32, #tpu.memory_space<vmem>>
        %dma_wait3A_244 = tpu.memref_squeeze %dma_wait3A_243 : memref<1x128xi32, #tpu.memory_space<vmem>> -> memref<128xi32, #tpu.memory_space<vmem>>
        %dma_wait3A_245 = arith.constant 0 : i32
        %dma_wait3A_246 = arith.constant 0 : i32
        %dma_wait3A_247 = tpu.memref_slice %arg18[%dma_wait3A_245, %dma_wait3A_246] : memref<10000x64xf32, #tpu.memory_space<vmem_shared>> -> memref<10000x64xf32, #tpu.memory_space<vmem_shared>>
        tpu.wait_indirect_dma semaphore(%arg24 : memref<!tpu.dma_semaphore, #tpu.memory_space<semaphore_mem>>) src(%arg14 : memref<128x64xf32, #tpu.memory_space<vmem>>) dst(%dma_wait3A_247 : memref<10000x64xf32, #tpu.memory_space<vmem_shared>>)
        %add3A_248 = arith.constant 4 : i32
        %add3A_249 = arith.addi %mul3A_157, %add3A_248 : i32
        %add3A_250 = arith.constant 1 : i32
        %add3A_251 = arith.addi %add3A_249, %add3A_250 : i32
        %dma_start3A_252 = arith.constant 0 : i32
        %dma_start3A_253 = tpu.memref_slice %arg9[%add3A_251, %dma_start3A_252] : memref<160x128xi32, #tpu.memory_space<vmem>> -> memref<1x128xi32, #tpu.memory_space<vmem>>
        %dma_start3A_254 = tpu.memref_squeeze %dma_start3A_253 : memref<1x128xi32, #tpu.memory_space<vmem>> -> memref<128xi32, #tpu.memory_space<vmem>>
        %dma_start3A_255 = arith.constant 0 : i32
        %dma_start3A_256 = arith.constant 0 : i32
        %dma_start3A_257 = tpu.memref_slice %arg3[%dma_start3A_255, %dma_start3A_256] : memref<10000x64xf32, #tpu.memory_space<hbm>> -> memref<10000x64xf32, #tpu.memory_space<hbm>>
        tpu.enqueue_indirect_dma source(%dma_start3A_257 : memref<10000x64xf32, #tpu.memory_space<hbm>>) target(%arg14 : memref<128x64xf32, #tpu.memory_space<vmem>>) offsets(%dma_start3A_254 : memref<128xi32, #tpu.memory_space<vmem>>) semaphore(%arg20 : memref<!tpu.dma_semaphore, #tpu.memory_space<semaphore_mem>>)
        %add3A_258 = arith.constant 2 : i32
        %add3A_259 = arith.addi %mul3A_157, %add3A_258 : i32
        %dma_wait3A_260 = arith.constant 0 : i32
        %dma_wait3A_261 = tpu.memref_slice %arg10[%add3A_259, %dma_wait3A_260] : memref<160x128xi32, #tpu.memory_space<vmem>> -> memref<1x128xi32, #tpu.memory_space<vmem>>
        %dma_wait3A_262 = tpu.memref_squeeze %dma_wait3A_261 : memref<1x128xi32, #tpu.memory_space<vmem>> -> memref<128xi32, #tpu.memory_space<vmem>>
        %dma_wait3A_263 = arith.constant 0 : i32
        %dma_wait3A_264 = arith.constant 0 : i32
        %dma_wait3A_265 = tpu.memref_slice %arg18[%dma_wait3A_263, %dma_wait3A_264] : memref<10000x64xf32, #tpu.memory_space<vmem_shared>> -> memref<10000x64xf32, #tpu.memory_space<vmem_shared>>
        tpu.wait_indirect_dma semaphore(%arg25 : memref<!tpu.dma_semaphore, #tpu.memory_space<semaphore_mem>>) src(%arg15 : memref<128x64xf32, #tpu.memory_space<vmem>>) dst(%dma_wait3A_265 : memref<10000x64xf32, #tpu.memory_space<vmem_shared>>)
        %add3A_266 = arith.constant 4 : i32
        %add3A_267 = arith.addi %mul3A_157, %add3A_266 : i32
        %add3A_268 = arith.constant 2 : i32
        %add3A_269 = arith.addi %add3A_267, %add3A_268 : i32
        %dma_start3A_270 = arith.constant 0 : i32
        %dma_start3A_271 = tpu.memref_slice %arg9[%add3A_269, %dma_start3A_270] : memref<160x128xi32, #tpu.memory_space<vmem>> -> memref<1x128xi32, #tpu.memory_space<vmem>>
        %dma_start3A_272 = tpu.memref_squeeze %dma_start3A_271 : memref<1x128xi32, #tpu.memory_space<vmem>> -> memref<128xi32, #tpu.memory_space<vmem>>
        %dma_start3A_273 = arith.constant 0 : i32
        %dma_start3A_274 = arith.constant 0 : i32
        %dma_start3A_275 = tpu.memref_slice %arg3[%dma_start3A_273, %dma_start3A_274] : memref<10000x64xf32, #tpu.memory_space<hbm>> -> memref<10000x64xf32, #tpu.memory_space<hbm>>
        tpu.enqueue_indirect_dma source(%dma_start3A_275 : memref<10000x64xf32, #tpu.memory_space<hbm>>) target(%arg15 : memref<128x64xf32, #tpu.memory_space<vmem>>) offsets(%dma_start3A_272 : memref<128xi32, #tpu.memory_space<vmem>>) semaphore(%arg21 : memref<!tpu.dma_semaphore, #tpu.memory_space<semaphore_mem>>)
        %add3A_276 = arith.constant 3 : i32
        %add3A_277 = arith.addi %mul3A_157, %add3A_276 : i32
        %dma_wait3A_278 = arith.constant 0 : i32
        %dma_wait3A_279 = tpu.memref_slice %arg10[%add3A_277, %dma_wait3A_278] : memref<160x128xi32, #tpu.memory_space<vmem>> -> memref<1x128xi32, #tpu.memory_space<vmem>>
        %dma_wait3A_280 = tpu.memref_squeeze %dma_wait3A_279 : memref<1x128xi32, #tpu.memory_space<vmem>> -> memref<128xi32, #tpu.memory_space<vmem>>
        %dma_wait3A_281 = arith.constant 0 : i32
        %dma_wait3A_282 = arith.constant 0 : i32
        %dma_wait3A_283 = tpu.memref_slice %arg18[%dma_wait3A_281, %dma_wait3A_282] : memref<10000x64xf32, #tpu.memory_space<vmem_shared>> -> memref<10000x64xf32, #tpu.memory_space<vmem_shared>>
        tpu.wait_indirect_dma semaphore(%arg26 : memref<!tpu.dma_semaphore, #tpu.memory_space<semaphore_mem>>) src(%arg16 : memref<128x64xf32, #tpu.memory_space<vmem>>) dst(%dma_wait3A_283 : memref<10000x64xf32, #tpu.memory_space<vmem_shared>>)
        %add3A_284 = arith.constant 4 : i32
        %add3A_285 = arith.addi %mul3A_157, %add3A_284 : i32
        %add3A_286 = arith.constant 3 : i32
        %add3A_287 = arith.addi %add3A_285, %add3A_286 : i32
        %dma_start3A_288 = arith.constant 0 : i32
        %dma_start3A_289 = tpu.memref_slice %arg9[%add3A_287, %dma_start3A_288] : memref<160x128xi32, #tpu.memory_space<vmem>> -> memref<1x128xi32, #tpu.memory_space<vmem>>
        %dma_start3A_290 = tpu.memref_squeeze %dma_start3A_289 : memref<1x128xi32, #tpu.memory_space<vmem>> -> memref<128xi32, #tpu.memory_space<vmem>>
        %dma_start3A_291 = arith.constant 0 : i32
        %dma_start3A_292 = arith.constant 0 : i32
        %dma_start3A_293 = tpu.memref_slice %arg3[%dma_start3A_291, %dma_start3A_292] : memref<10000x64xf32, #tpu.memory_space<hbm>> -> memref<10000x64xf32, #tpu.memory_space<hbm>>
        tpu.enqueue_indirect_dma source(%dma_start3A_293 : memref<10000x64xf32, #tpu.memory_space<hbm>>) target(%arg16 : memref<128x64xf32, #tpu.memory_space<vmem>>) offsets(%dma_start3A_290 : memref<128xi32, #tpu.memory_space<vmem>>) semaphore(%arg22 : memref<!tpu.dma_semaphore, #tpu.memory_space<semaphore_mem>>)
      }
      %scan3A_62 = arith.constant 38 : i32
      %dma_wait3A = arith.constant 152 : i32
      %dma_wait3A_63 = arith.constant 0 : i32
      %dma_wait3A_64 = tpu.memref_slice %arg9[%dma_wait3A, %dma_wait3A_63] : memref<160x128xi32, #tpu.memory_space<vmem>> -> memref<1x128xi32, #tpu.memory_space<vmem>>
      %dma_wait3A_65 = tpu.memref_squeeze %dma_wait3A_64 : memref<1x128xi32, #tpu.memory_space<vmem>> -> memref<128xi32, #tpu.memory_space<vmem>>
      %dma_wait3A_66 = arith.constant 0 : i32
      %dma_wait3A_67 = arith.constant 0 : i32
      %dma_wait3A_68 = tpu.memref_slice %arg3[%dma_wait3A_66, %dma_wait3A_67] : memref<10000x64xf32, #tpu.memory_space<hbm>> -> memref<10000x64xf32, #tpu.memory_space<hbm>>
      tpu.wait_indirect_dma semaphore(%arg19 : memref<!tpu.dma_semaphore, #tpu.memory_space<semaphore_mem>>) src(%dma_wait3A_68 : memref<10000x64xf32, #tpu.memory_space<hbm>>) dst(%arg13 : memref<128x64xf32, #tpu.memory_space<vmem>>)
      %dma_start3A_69 = arith.constant 152 : i32
      %dma_start3A_70 = arith.constant 0 : i32
      %dma_start3A_71 = tpu.memref_slice %arg10[%dma_start3A_69, %dma_start3A_70] : memref<160x128xi32, #tpu.memory_space<vmem>> -> memref<1x128xi32, #tpu.memory_space<vmem>>
      %dma_start3A_72 = tpu.memref_squeeze %dma_start3A_71 : memref<1x128xi32, #tpu.memory_space<vmem>> -> memref<128xi32, #tpu.memory_space<vmem>>
      %dma_start3A_73 = arith.constant 0 : i32
      %dma_start3A_74 = arith.constant 0 : i32
      %dma_start3A_75 = tpu.memref_slice %arg18[%dma_start3A_73, %dma_start3A_74] : memref<10000x64xf32, #tpu.memory_space<vmem_shared>> -> memref<10000x64xf32, #tpu.memory_space<vmem_shared>>
      tpu.enqueue_indirect_dma source(%arg13 : memref<128x64xf32, #tpu.memory_space<vmem>>) target(%dma_start3A_75 : memref<10000x64xf32, #tpu.memory_space<vmem_shared>>) offsets(%dma_start3A_72 : memref<128xi32, #tpu.memory_space<vmem>>) semaphore(%arg23 : memref<!tpu.dma_semaphore, #tpu.memory_space<semaphore_mem>>) {add = true}
      %dma_wait3A_76 = arith.constant 153 : i32
      %dma_wait3A_77 = arith.constant 0 : i32
      %dma_wait3A_78 = tpu.memref_slice %arg9[%dma_wait3A_76, %dma_wait3A_77] : memref<160x128xi32, #tpu.memory_space<vmem>> -> memref<1x128xi32, #tpu.memory_space<vmem>>
      %dma_wait3A_79 = tpu.memref_squeeze %dma_wait3A_78 : memref<1x128xi32, #tpu.memory_space<vmem>> -> memref<128xi32, #tpu.memory_space<vmem>>
      %dma_wait3A_80 = arith.constant 0 : i32
      %dma_wait3A_81 = arith.constant 0 : i32
      %dma_wait3A_82 = tpu.memref_slice %arg3[%dma_wait3A_80, %dma_wait3A_81] : memref<10000x64xf32, #tpu.memory_space<hbm>> -> memref<10000x64xf32, #tpu.memory_space<hbm>>
      tpu.wait_indirect_dma semaphore(%arg20 : memref<!tpu.dma_semaphore, #tpu.memory_space<semaphore_mem>>) src(%dma_wait3A_82 : memref<10000x64xf32, #tpu.memory_space<hbm>>) dst(%arg14 : memref<128x64xf32, #tpu.memory_space<vmem>>)
      %dma_start3A_83 = arith.constant 153 : i32
      %dma_start3A_84 = arith.constant 0 : i32
      %dma_start3A_85 = tpu.memref_slice %arg10[%dma_start3A_83, %dma_start3A_84] : memref<160x128xi32, #tpu.memory_space<vmem>> -> memref<1x128xi32, #tpu.memory_space<vmem>>
      %dma_start3A_86 = tpu.memref_squeeze %dma_start3A_85 : memref<1x128xi32, #tpu.memory_space<vmem>> -> memref<128xi32, #tpu.memory_space<vmem>>
      %dma_start3A_87 = arith.constant 0 : i32
      %dma_start3A_88 = arith.constant 0 : i32
      %dma_start3A_89 = tpu.memref_slice %arg18[%dma_start3A_87, %dma_start3A_88] : memref<10000x64xf32, #tpu.memory_space<vmem_shared>> -> memref<10000x64xf32, #tpu.memory_space<vmem_shared>>
      tpu.enqueue_indirect_dma source(%arg14 : memref<128x64xf32, #tpu.memory_space<vmem>>) target(%dma_start3A_89 : memref<10000x64xf32, #tpu.memory_space<vmem_shared>>) offsets(%dma_start3A_86 : memref<128xi32, #tpu.memory_space<vmem>>) semaphore(%arg24 : memref<!tpu.dma_semaphore, #tpu.memory_space<semaphore_mem>>) {add = true}
      %dma_wait3A_90 = arith.constant 154 : i32
      %dma_wait3A_91 = arith.constant 0 : i32
      %dma_wait3A_92 = tpu.memref_slice %arg9[%dma_wait3A_90, %dma_wait3A_91] : memref<160x128xi32, #tpu.memory_space<vmem>> -> memref<1x128xi32, #tpu.memory_space<vmem>>
      %dma_wait3A_93 = tpu.memref_squeeze %dma_wait3A_92 : memref<1x128xi32, #tpu.memory_space<vmem>> -> memref<128xi32, #tpu.memory_space<vmem>>
      %dma_wait3A_94 = arith.constant 0 : i32
      %dma_wait3A_95 = arith.constant 0 : i32
      %dma_wait3A_96 = tpu.memref_slice %arg3[%dma_wait3A_94, %dma_wait3A_95] : memref<10000x64xf32, #tpu.memory_space<hbm>> -> memref<10000x64xf32, #tpu.memory_space<hbm>>
      tpu.wait_indirect_dma semaphore(%arg21 : memref<!tpu.dma_semaphore, #tpu.memory_space<semaphore_mem>>) src(%dma_wait3A_96 : memref<10000x64xf32, #tpu.memory_space<hbm>>) dst(%arg15 : memref<128x64xf32, #tpu.memory_space<vmem>>)
      %dma_start3A_97 = arith.constant 154 : i32
      %dma_start3A_98 = arith.constant 0 : i32
      %dma_start3A_99 = tpu.memref_slice %arg10[%dma_start3A_97, %dma_start3A_98] : memref<160x128xi32, #tpu.memory_space<vmem>> -> memref<1x128xi32, #tpu.memory_space<vmem>>
      %dma_start3A_100 = tpu.memref_squeeze %dma_start3A_99 : memref<1x128xi32, #tpu.memory_space<vmem>> -> memref<128xi32, #tpu.memory_space<vmem>>
      %dma_start3A_101 = arith.constant 0 : i32
      %dma_start3A_102 = arith.constant 0 : i32
      %dma_start3A_103 = tpu.memref_slice %arg18[%dma_start3A_101, %dma_start3A_102] : memref<10000x64xf32, #tpu.memory_space<vmem_shared>> -> memref<10000x64xf32, #tpu.memory_space<vmem_shared>>
      tpu.enqueue_indirect_dma source(%arg15 : memref<128x64xf32, #tpu.memory_space<vmem>>) target(%dma_start3A_103 : memref<10000x64xf32, #tpu.memory_space<vmem_shared>>) offsets(%dma_start3A_100 : memref<128xi32, #tpu.memory_space<vmem>>) semaphore(%arg25 : memref<!tpu.dma_semaphore, #tpu.memory_space<semaphore_mem>>) {add = true}
      %dma_wait3A_104 = arith.constant 155 : i32
      %dma_wait3A_105 = arith.constant 0 : i32
      %dma_wait3A_106 = tpu.memref_slice %arg9[%dma_wait3A_104, %dma_wait3A_105] : memref<160x128xi32, #tpu.memory_space<vmem>> -> memref<1x128xi32, #tpu.memory_space<vmem>>
      %dma_wait3A_107 = tpu.memref_squeeze %dma_wait3A_106 : memref<1x128xi32, #tpu.memory_space<vmem>> -> memref<128xi32, #tpu.memory_space<vmem>>
      %dma_wait3A_108 = arith.constant 0 : i32
      %dma_wait3A_109 = arith.constant 0 : i32
      %dma_wait3A_110 = tpu.memref_slice %arg3[%dma_wait3A_108, %dma_wait3A_109] : memref<10000x64xf32, #tpu.memory_space<hbm>> -> memref<10000x64xf32, #tpu.memory_space<hbm>>
      tpu.wait_indirect_dma semaphore(%arg22 : memref<!tpu.dma_semaphore, #tpu.memory_space<semaphore_mem>>) src(%dma_wait3A_110 : memref<10000x64xf32, #tpu.memory_space<hbm>>) dst(%arg16 : memref<128x64xf32, #tpu.memory_space<vmem>>)
      %dma_start3A_111 = arith.constant 155 : i32
      %dma_start3A_112 = arith.constant 0 : i32
      %dma_start3A_113 = tpu.memref_slice %arg10[%dma_start3A_111, %dma_start3A_112] : memref<160x128xi32, #tpu.memory_space<vmem>> -> memref<1x128xi32, #tpu.memory_space<vmem>>
      %dma_start3A_114 = tpu.memref_squeeze %dma_start3A_113 : memref<1x128xi32, #tpu.memory_space<vmem>> -> memref<128xi32, #tpu.memory_space<vmem>>
      %dma_start3A_115 = arith.constant 0 : i32
      %dma_start3A_116 = arith.constant 0 : i32
      %dma_start3A_117 = tpu.memref_slice %arg18[%dma_start3A_115, %dma_start3A_116] : memref<10000x64xf32, #tpu.memory_space<vmem_shared>> -> memref<10000x64xf32, #tpu.memory_space<vmem_shared>>
      tpu.enqueue_indirect_dma source(%arg16 : memref<128x64xf32, #tpu.memory_space<vmem>>) target(%dma_start3A_117 : memref<10000x64xf32, #tpu.memory_space<vmem_shared>>) offsets(%dma_start3A_114 : memref<128xi32, #tpu.memory_space<vmem>>) semaphore(%arg26 : memref<!tpu.dma_semaphore, #tpu.memory_space<semaphore_mem>>) {add = true}
      %dma_wait3A_118 = arith.constant 152 : i32
      %dma_wait3A_119 = arith.constant 0 : i32
      %dma_wait3A_120 = tpu.memref_slice %arg10[%dma_wait3A_118, %dma_wait3A_119] : memref<160x128xi32, #tpu.memory_space<vmem>> -> memref<1x128xi32, #tpu.memory_space<vmem>>
      %dma_wait3A_121 = tpu.memref_squeeze %dma_wait3A_120 : memref<1x128xi32, #tpu.memory_space<vmem>> -> memref<128xi32, #tpu.memory_space<vmem>>
      %dma_wait3A_122 = arith.constant 0 : i32
      %dma_wait3A_123 = arith.constant 0 : i32
      %dma_wait3A_124 = tpu.memref_slice %arg18[%dma_wait3A_122, %dma_wait3A_123] : memref<10000x64xf32, #tpu.memory_space<vmem_shared>> -> memref<10000x64xf32, #tpu.memory_space<vmem_shared>>
      tpu.wait_indirect_dma semaphore(%arg23 : memref<!tpu.dma_semaphore, #tpu.memory_space<semaphore_mem>>) src(%arg13 : memref<128x64xf32, #tpu.memory_space<vmem>>) dst(%dma_wait3A_124 : memref<10000x64xf32, #tpu.memory_space<vmem_shared>>)
      %dma_wait3A_125 = arith.constant 153 : i32
      %dma_wait3A_126 = arith.constant 0 : i32
      %dma_wait3A_127 = tpu.memref_slice %arg10[%dma_wait3A_125, %dma_wait3A_126] : memref<160x128xi32, #tpu.memory_space<vmem>> -> memref<1x128xi32, #tpu.memory_space<vmem>>
      %dma_wait3A_128 = tpu.memref_squeeze %dma_wait3A_127 : memref<1x128xi32, #tpu.memory_space<vmem>> -> memref<128xi32, #tpu.memory_space<vmem>>
      %dma_wait3A_129 = arith.constant 0 : i32
      %dma_wait3A_130 = arith.constant 0 : i32
      %dma_wait3A_131 = tpu.memref_slice %arg18[%dma_wait3A_129, %dma_wait3A_130] : memref<10000x64xf32, #tpu.memory_space<vmem_shared>> -> memref<10000x64xf32, #tpu.memory_space<vmem_shared>>
      tpu.wait_indirect_dma semaphore(%arg24 : memref<!tpu.dma_semaphore, #tpu.memory_space<semaphore_mem>>) src(%arg14 : memref<128x64xf32, #tpu.memory_space<vmem>>) dst(%dma_wait3A_131 : memref<10000x64xf32, #tpu.memory_space<vmem_shared>>)
      %dma_wait3A_132 = arith.constant 154 : i32
      %dma_wait3A_133 = arith.constant 0 : i32
      %dma_wait3A_134 = tpu.memref_slice %arg10[%dma_wait3A_132, %dma_wait3A_133] : memref<160x128xi32, #tpu.memory_space<vmem>> -> memref<1x128xi32, #tpu.memory_space<vmem>>
      %dma_wait3A_135 = tpu.memref_squeeze %dma_wait3A_134 : memref<1x128xi32, #tpu.memory_space<vmem>> -> memref<128xi32, #tpu.memory_space<vmem>>
      %dma_wait3A_136 = arith.constant 0 : i32
      %dma_wait3A_137 = arith.constant 0 : i32
      %dma_wait3A_138 = tpu.memref_slice %arg18[%dma_wait3A_136, %dma_wait3A_137] : memref<10000x64xf32, #tpu.memory_space<vmem_shared>> -> memref<10000x64xf32, #tpu.memory_space<vmem_shared>>
      tpu.wait_indirect_dma semaphore(%arg25 : memref<!tpu.dma_semaphore, #tpu.memory_space<semaphore_mem>>) src(%arg15 : memref<128x64xf32, #tpu.memory_space<vmem>>) dst(%dma_wait3A_138 : memref<10000x64xf32, #tpu.memory_space<vmem_shared>>)
      %dma_wait3A_139 = arith.constant 155 : i32
      %dma_wait3A_140 = arith.constant 0 : i32
      %dma_wait3A_141 = tpu.memref_slice %arg10[%dma_wait3A_139, %dma_wait3A_140] : memref<160x128xi32, #tpu.memory_space<vmem>> -> memref<1x128xi32, #tpu.memory_space<vmem>>
      %dma_wait3A_142 = tpu.memref_squeeze %dma_wait3A_141 : memref<1x128xi32, #tpu.memory_space<vmem>> -> memref<128xi32, #tpu.memory_space<vmem>>
      %dma_wait3A_143 = arith.constant 0 : i32
      %dma_wait3A_144 = arith.constant 0 : i32
      %dma_wait3A_145 = tpu.memref_slice %arg18[%dma_wait3A_143, %dma_wait3A_144] : memref<10000x64xf32, #tpu.memory_space<vmem_shared>> -> memref<10000x64xf32, #tpu.memory_space<vmem_shared>>
      tpu.wait_indirect_dma semaphore(%arg26 : memref<!tpu.dma_semaphore, #tpu.memory_space<semaphore_mem>>) src(%arg16 : memref<128x64xf32, #tpu.memory_space<vmem>>) dst(%dma_wait3A_145 : memref<10000x64xf32, #tpu.memory_space<vmem_shared>>)
      %dma_start3A_146 = arith.constant 0 : i32
      %dma_start3A_147 = arith.constant 0 : i32
      %dma_start3A_148 = tpu.memref_slice %arg3[%dma_start3A_146, %dma_start3A_147] : memref<10000x64xf32, #tpu.memory_space<hbm>> -> memref<10000x64xf32, #tpu.memory_space<hbm>>
      tpu.enqueue_indirect_dma source(%dma_start3A_148 : memref<10000x64xf32, #tpu.memory_space<hbm>>) target(%arg17 : memref<32x64xf32, #tpu.memory_space<vmem>>) offsets(%arg11 : memref<32xi32, #tpu.memory_space<vmem>>) semaphore(%arg19 : memref<!tpu.dma_semaphore, #tpu.memory_space<semaphore_mem>>)
      %dma_wait3A_149 = arith.constant 0 : i32
      %dma_wait3A_150 = arith.constant 0 : i32
      %dma_wait3A_151 = tpu.memref_slice %arg3[%dma_wait3A_149, %dma_wait3A_150] : memref<10000x64xf32, #tpu.memory_space<hbm>> -> memref<10000x64xf32, #tpu.memory_space<hbm>>
      tpu.wait_indirect_dma semaphore(%arg19 : memref<!tpu.dma_semaphore, #tpu.memory_space<semaphore_mem>>) src(%dma_wait3A_151 : memref<10000x64xf32, #tpu.memory_space<hbm>>) dst(%arg17 : memref<32x64xf32, #tpu.memory_space<vmem>>)
      "tpu.region"() ({
        %run_scoped3A = tpu.sem_alloc : memref<!tpu.dma_semaphore, #tpu.memory_space<semaphore_mem>>
        %dma_start3A_152 = arith.constant 0 : i32
        %dma_start3A_153 = arith.constant 0 : i32
        %dma_start3A_154 = tpu.memref_slice %arg18[%dma_start3A_152, %dma_start3A_153] : memref<10000x64xf32, #tpu.memory_space<vmem_shared>> -> memref<10000x64xf32, #tpu.memory_space<vmem_shared>>
        tpu.enqueue_indirect_dma source(%arg17 : memref<32x64xf32, #tpu.memory_space<vmem>>) target(%dma_start3A_154 : memref<10000x64xf32, #tpu.memory_space<vmem_shared>>) offsets(%arg12 : memref<32xi32, #tpu.memory_space<vmem>>) semaphore(%run_scoped3A : memref<!tpu.dma_semaphore, #tpu.memory_space<semaphore_mem>>) {add = true}
        %dma_wait3A_155 = arith.constant 0 : i32
        %dma_wait3A_156 = arith.constant 0 : i32
        %dma_wait3A_157 = tpu.memref_slice %arg18[%dma_wait3A_155, %dma_wait3A_156] : memref<10000x64xf32, #tpu.memory_space<vmem_shared>> -> memref<10000x64xf32, #tpu.memory_space<vmem_shared>>
        tpu.wait_indirect_dma semaphore(%run_scoped3A : memref<!tpu.dma_semaphore, #tpu.memory_space<semaphore_mem>>) src(%arg17 : memref<32x64xf32, #tpu.memory_space<vmem>>) dst(%dma_wait3A_157 : memref<10000x64xf32, #tpu.memory_space<vmem_shared>>)
        tpu.yield
      }) : () -> ()
    } else {
    }
    %barrier3A_26 = arith.constant 0 : index
    tpu.barrier barrier_id(%barrier3A_26)
    "tpu.region"() ({
      %run_scoped3A = tpu.sem_alloc : memref<!tpu.dma_semaphore, #tpu.memory_space<semaphore_mem>>
      %dma_start3A = arith.constant 0 : i32
      %dma_start3A_32 = arith.constant 0 : i32
      %dma_start3A_33 = tpu.memref_slice %arg8[%arg0, %dma_start3A, %dma_start3A_32] : memref<2x10000x64xf32, #tpu.memory_space<hbm>> -> memref<1x10000x64xf32, #tpu.memory_space<hbm>>
      %dma_start3A_34 = tpu.memref_squeeze %dma_start3A_33 : memref<1x10000x64xf32, #tpu.memory_space<hbm>> -> memref<10000x64xf32, #tpu.memory_space<hbm>>
      %dma_start3A_35 = arith.constant 0 : i32
      %dma_start3A_36 = tpu.memref_slice %dma_start3A_34[%mul3A_0, %dma_start3A_35] : memref<10000x64xf32, #tpu.memory_space<hbm>> -> memref<624x64xf32, #tpu.memory_space<hbm>>
      %dma_start3A_37 = arith.constant 0 : i32
      %dma_start3A_38 = tpu.memref_slice %arg18[%mul3A_0, %dma_start3A_37] : memref<10000x64xf32, #tpu.memory_space<vmem_shared>> -> memref<624x64xf32, #tpu.memory_space<vmem_shared>>
      tpu.enqueue_dma source(%dma_start3A_38 : memref<624x64xf32, #tpu.memory_space<vmem_shared>>) target(%dma_start3A_36 : memref<624x64xf32, #tpu.memory_space<hbm>>) target_semaphore(%run_scoped3A : memref<!tpu.dma_semaphore, #tpu.memory_space<semaphore_mem>>)
      %dma_wait3A = arith.constant 0 : i32
      %dma_wait3A_39 = arith.constant 0 : i32
      %dma_wait3A_40 = tpu.memref_slice %arg8[%arg0, %dma_wait3A, %dma_wait3A_39] : memref<2x10000x64xf32, #tpu.memory_space<hbm>> -> memref<1x10000x64xf32, #tpu.memory_space<hbm>>
      %dma_wait3A_41 = tpu.memref_squeeze %dma_wait3A_40 : memref<1x10000x64xf32, #tpu.memory_space<hbm>> -> memref<10000x64xf32, #tpu.memory_space<hbm>>
      %dma_wait3A_42 = arith.constant 0 : i32
      %dma_wait3A_43 = tpu.memref_slice %dma_wait3A_41[%mul3A_0, %dma_wait3A_42] : memref<10000x64xf32, #tpu.memory_space<hbm>> -> memref<624x64xf32, #tpu.memory_space<hbm>>
      %dma_wait3A_44 = arith.constant 0 : i32
      %dma_wait3A_45 = tpu.memref_slice %arg18[%mul3A_0, %dma_wait3A_44] : memref<10000x64xf32, #tpu.memory_space<vmem_shared>> -> memref<624x64xf32, #tpu.memory_space<vmem_shared>>
      tpu.wait_dma2 semaphore(%run_scoped3A : memref<!tpu.dma_semaphore, #tpu.memory_space<semaphore_mem>>) src(%dma_wait3A_45 : memref<624x64xf32, #tpu.memory_space<vmem_shared>>) dst(%dma_wait3A_43 : memref<624x64xf32, #tpu.memory_space<hbm>>)
      tpu.yield
    }) : () -> ()
    %eq3A_27 = arith.constant 15 : i32
    %eq3A_28 = arith.cmpi eq, %arg1, %eq3A_27 : i32
    %convert_element_type3A_29 = arith.extui %eq3A_28 : i1 to i32
    %cond3A_30 = arith.constant 0 : i32
    %cond3A_31 = arith.cmpi ne, %convert_element_type3A_29, %cond3A_30 : i32
    scf.if %cond3A_31 {
      "tpu.region"() ({
        %run_scoped3A = tpu.sem_alloc : memref<!tpu.dma_semaphore, #tpu.memory_space<semaphore_mem>>
        %dma_start3A = arith.constant 0 : i32
        %dma_start3A_32 = arith.constant 0 : i32
        %dma_start3A_33 = tpu.memref_slice %arg8[%arg0, %dma_start3A, %dma_start3A_32] : memref<2x10000x64xf32, #tpu.memory_space<hbm>> -> memref<1x10000x64xf32, #tpu.memory_space<hbm>>
        %dma_start3A_34 = tpu.memref_squeeze %dma_start3A_33 : memref<1x10000x64xf32, #tpu.memory_space<hbm>> -> memref<10000x64xf32, #tpu.memory_space<hbm>>
        %dma_start3A_35 = arith.constant 9984 : i32
        %dma_start3A_36 = arith.constant 0 : i32
        %dma_start3A_37 = tpu.memref_slice %dma_start3A_34[%dma_start3A_35, %dma_start3A_36] : memref<10000x64xf32, #tpu.memory_space<hbm>> -> memref<16x64xf32, #tpu.memory_space<hbm>>
        %dma_start3A_38 = arith.constant 9984 : i32
        %dma_start3A_39 = arith.constant 0 : i32
        %dma_start3A_40 = tpu.memref_slice %arg18[%dma_start3A_38, %dma_start3A_39] : memref<10000x64xf32, #tpu.memory_space<vmem_shared>> -> memref<16x64xf32, #tpu.memory_space<vmem_shared>>
        tpu.enqueue_dma source(%dma_start3A_40 : memref<16x64xf32, #tpu.memory_space<vmem_shared>>) target(%dma_start3A_37 : memref<16x64xf32, #tpu.memory_space<hbm>>) target_semaphore(%run_scoped3A : memref<!tpu.dma_semaphore, #tpu.memory_space<semaphore_mem>>)
        %dma_wait3A = arith.constant 0 : i32
        %dma_wait3A_41 = arith.constant 0 : i32
        %dma_wait3A_42 = tpu.memref_slice %arg8[%arg0, %dma_wait3A, %dma_wait3A_41] : memref<2x10000x64xf32, #tpu.memory_space<hbm>> -> memref<1x10000x64xf32, #tpu.memory_space<hbm>>
        %dma_wait3A_43 = tpu.memref_squeeze %dma_wait3A_42 : memref<1x10000x64xf32, #tpu.memory_space<hbm>> -> memref<10000x64xf32, #tpu.memory_space<hbm>>
        %dma_wait3A_44 = arith.constant 9984 : i32
        %dma_wait3A_45 = arith.constant 0 : i32
        %dma_wait3A_46 = tpu.memref_slice %dma_wait3A_43[%dma_wait3A_44, %dma_wait3A_45] : memref<10000x64xf32, #tpu.memory_space<hbm>> -> memref<16x64xf32, #tpu.memory_space<hbm>>
        %dma_wait3A_47 = arith.constant 9984 : i32
        %dma_wait3A_48 = arith.constant 0 : i32
        %dma_wait3A_49 = tpu.memref_slice %arg18[%dma_wait3A_47, %dma_wait3A_48] : memref<10000x64xf32, #tpu.memory_space<vmem_shared>> -> memref<16x64xf32, #tpu.memory_space<vmem_shared>>
        tpu.wait_dma2 semaphore(%run_scoped3A : memref<!tpu.dma_semaphore, #tpu.memory_space<semaphore_mem>>) src(%dma_wait3A_49 : memref<16x64xf32, #tpu.memory_space<vmem_shared>>) dst(%dma_wait3A_46 : memref<16x64xf32, #tpu.memory_space<hbm>>)
        tpu.yield
      }) : () -> ()
    } else {
    }
    return
  }
}

module attributes {stable_mosaic.version = 14 : i64} {
  func.func @_mlp0_body(%arg0: i32, %arg1: memref<1000x64xf32, #tpu.memory_space<vmem>>, %arg2: memref<1000x64xf32, #tpu.memory_space<vmem>>, %arg3: memref<128x128xf32, #tpu.memory_space<vmem>>, %arg4: memref<1x128xf32, #tpu.memory_space<vmem>>, %arg5: memref<1x128xf32, #tpu.memory_space<vmem>>, %arg6: memref<1x128xf32, #tpu.memory_space<vmem>>, %arg7: memref<128x128xf32, #tpu.memory_space<vmem>>, %arg8: memref<1x128xf32, #tpu.memory_space<vmem>>, %arg9: memref<1x128xf32, #tpu.memory_space<vmem>>, %arg10: memref<1x128xf32, #tpu.memory_space<vmem>>, %arg11: memref<1000x64xf32, #tpu.memory_space<vmem>>, %arg12: memref<1000x64xf32, #tpu.memory_space<vmem>>) attributes {dimension_semantics = [#tpu.dimension_semantics<arbitrary>], iteration_bounds = array<i64: 10>, scalar_prefetch = 0 : i64, scratch_operands = 0 : i64, tpu.core_type = #tpu.core_type<tc>, window_params = [{transform_indices = @transform_0, window_bounds = array<i64: 1000, 64>}, {transform_indices = @transform_1, window_bounds = array<i64: 1000, 64>}, {pipeline_mode = #tpu.pipeline_mode<synchronous>, transform_indices = @transform_2, window_bounds = array<i64: 128, 128>}, {pipeline_mode = #tpu.pipeline_mode<synchronous>, transform_indices = @transform_3, window_bounds = array<i64: 1, 128>}, {pipeline_mode = #tpu.pipeline_mode<synchronous>, transform_indices = @transform_4, window_bounds = array<i64: 1, 128>}, {pipeline_mode = #tpu.pipeline_mode<synchronous>, transform_indices = @transform_5, window_bounds = array<i64: 1, 128>}, {pipeline_mode = #tpu.pipeline_mode<synchronous>, transform_indices = @transform_6, window_bounds = array<i64: 128, 128>}, {pipeline_mode = #tpu.pipeline_mode<synchronous>, transform_indices = @transform_7, window_bounds = array<i64: 1, 128>}, {pipeline_mode = #tpu.pipeline_mode<synchronous>, transform_indices = @transform_8, window_bounds = array<i64: 1, 128>}, {pipeline_mode = #tpu.pipeline_mode<synchronous>, transform_indices = @transform_9, window_bounds = array<i64: 1, 128>}, {transform_indices = @transform_10, window_bounds = array<i64: 1000, 64>}, {transform_indices = @transform_11, window_bounds = array<i64: 1000, 64>}]} {
    %get3A = arith.constant 0 : index
    %get3A_0 = arith.constant 0 : index
    %get3A_1 = vector.load %arg1[%get3A, %get3A_0] : memref<1000x64xf32, #tpu.memory_space<vmem>>, vector<1000x64xf32>
    %get3A_2 = arith.constant 0 : index
    %get3A_3 = arith.constant 0 : index
    %get3A_4 = vector.load %arg2[%get3A_2, %get3A_3] : memref<1000x64xf32, #tpu.memory_space<vmem>>, vector<1000x64xf32>
    %concatenate3A = tpu.concatenate %get3A_1, %get3A_4 in 1 : vector<1000x64xf32>, vector<1000x64xf32> -> vector<1000x128xf32>
    %get3A_5 = arith.constant 0 : index
    %get3A_6 = arith.constant 0 : index
    %get3A_7 = vector.load %arg3[%get3A_5, %get3A_6] : memref<128x128xf32, #tpu.memory_space<vmem>>, vector<128x128xf32>
    %dot_general3A = arith.constant dense<0.000000e+00> : vector<1000x128xf32>
    %dot_general3A_8 = tpu.matmul %concatenate3A, %get3A_7, %dot_general3A {dimension_numbers = #tpu.dot_dimension_numbers<[1], [0], [0], [1], [0, 0, 1, 1], [], []>, transpose_lhs_hint = false} : vector<1000x128xf32>, vector<128x128xf32>, vector<1000x128xf32> -> vector<1000x128xf32>
    %get3A_9 = arith.constant 0 : index
    %get3A_10 = arith.constant 0 : index
    %get3A_11 = vector.load %arg4[%get3A_9, %get3A_10] : memref<1x128xf32, #tpu.memory_space<vmem>>, vector<1x128xf32>
    %add3A = vector.broadcast %get3A_11 : vector<1x128xf32> to vector<1000x128xf32>
    %add3A_12 = arith.addf %dot_general3A_8, %add3A : vector<1000x128xf32>
    %get3A_13 = arith.constant 0 : index
    %get3A_14 = arith.constant 0 : index
    %get3A_15 = vector.load %arg5[%get3A_13, %get3A_14] : memref<1x128xf32, #tpu.memory_space<vmem>>, vector<1x128xf32>
    %mul3A = arith.constant 0.999994993 : f32
    %mul3A_16 = vector.broadcast %mul3A : f32 to vector<1x128xf32>
    %mul3A_17 = arith.mulf %mul3A_16, %get3A_15 : vector<1x128xf32>
    %mul3A_18 = vector.broadcast %mul3A_17 : vector<1x128xf32> to vector<1000x128xf32>
    %mul3A_19 = arith.mulf %add3A_12, %mul3A_18 : vector<1000x128xf32>
    %get3A_20 = arith.constant 0 : index
    %get3A_21 = arith.constant 0 : index
    %get3A_22 = vector.load %arg6[%get3A_20, %get3A_21] : memref<1x128xf32, #tpu.memory_space<vmem>>, vector<1x128xf32>
    %add3A_23 = vector.broadcast %get3A_22 : vector<1x128xf32> to vector<1000x128xf32>
    %add3A_24 = arith.addf %mul3A_19, %add3A_23 : vector<1000x128xf32>
    %max3A = arith.constant 0.000000e+00 : f32
    %max3A_25 = vector.broadcast %max3A : f32 to vector<1000x128xf32>
    %max3A_26 = arith.maximumf %add3A_24, %max3A_25 : vector<1000x128xf32>
    %get3A_27 = arith.constant 0 : index
    %get3A_28 = arith.constant 0 : index
    %get3A_29 = vector.load %arg7[%get3A_27, %get3A_28] : memref<128x128xf32, #tpu.memory_space<vmem>>, vector<128x128xf32>
    %dot_general3A_30 = arith.constant dense<0.000000e+00> : vector<1000x128xf32>
    %dot_general3A_31 = tpu.matmul %max3A_26, %get3A_29, %dot_general3A_30 {dimension_numbers = #tpu.dot_dimension_numbers<[1], [0], [0], [1], [0, 0, 1, 1], [], []>, transpose_lhs_hint = false} : vector<1000x128xf32>, vector<128x128xf32>, vector<1000x128xf32> -> vector<1000x128xf32>
    %get3A_32 = arith.constant 0 : index
    %get3A_33 = arith.constant 0 : index
    %get3A_34 = vector.load %arg8[%get3A_32, %get3A_33] : memref<1x128xf32, #tpu.memory_space<vmem>>, vector<1x128xf32>
    %add3A_35 = vector.broadcast %get3A_34 : vector<1x128xf32> to vector<1000x128xf32>
    %add3A_36 = arith.addf %dot_general3A_31, %add3A_35 : vector<1000x128xf32>
    %get3A_37 = arith.constant 0 : index
    %get3A_38 = arith.constant 0 : index
    %get3A_39 = vector.load %arg9[%get3A_37, %get3A_38] : memref<1x128xf32, #tpu.memory_space<vmem>>, vector<1x128xf32>
    %mul3A_40 = arith.constant 0.999994993 : f32
    %mul3A_41 = vector.broadcast %mul3A_40 : f32 to vector<1x128xf32>
    %mul3A_42 = arith.mulf %mul3A_41, %get3A_39 : vector<1x128xf32>
    %mul3A_43 = vector.broadcast %mul3A_42 : vector<1x128xf32> to vector<1000x128xf32>
    %mul3A_44 = arith.mulf %add3A_36, %mul3A_43 : vector<1000x128xf32>
    %get3A_45 = arith.constant 0 : index
    %get3A_46 = arith.constant 0 : index
    %get3A_47 = vector.load %arg10[%get3A_45, %get3A_46] : memref<1x128xf32, #tpu.memory_space<vmem>>, vector<1x128xf32>
    %add3A_48 = vector.broadcast %get3A_47 : vector<1x128xf32> to vector<1000x128xf32>
    %add3A_49 = arith.addf %mul3A_44, %add3A_48 : vector<1000x128xf32>
    %max3A_50 = arith.constant 0.000000e+00 : f32
    %max3A_51 = vector.broadcast %max3A_50 : f32 to vector<1000x128xf32>
    %max3A_52 = arith.maximumf %add3A_49, %max3A_51 : vector<1000x128xf32>
    %slice3A = vector.extract_strided_slice %max3A_52 {offsets = [0, 0], sizes = [1000, 64], strides = [1, 1]} : vector<1000x128xf32> to vector<1000x64xf32>
    %swap3A = arith.constant 0 : index
    %swap3A_53 = arith.constant 0 : index
    %swap3A_54 = vector.load %arg11[%swap3A, %swap3A_53] : memref<1000x64xf32, #tpu.memory_space<vmem>>, vector<1000x64xf32>
    tpu.vector_store %arg11[%swap3A, %swap3A_53], %slice3A {strides = array<i32>} : memref<1000x64xf32, #tpu.memory_space<vmem>>, vector<1000x64xf32>,
    %slice3A_55 = vector.extract_strided_slice %max3A_52 {offsets = [0, 64], sizes = [1000, 64], strides = [1, 1]} : vector<1000x128xf32> to vector<1000x64xf32>
    %swap3A_56 = arith.constant 0 : index
    %swap3A_57 = arith.constant 0 : index
    %swap3A_58 = vector.load %arg12[%swap3A_56, %swap3A_57] : memref<1000x64xf32, #tpu.memory_space<vmem>>, vector<1000x64xf32>
    tpu.vector_store %arg12[%swap3A_56, %swap3A_57], %slice3A_55 {strides = array<i32>} : memref<1000x64xf32, #tpu.memory_space<vmem>>, vector<1000x64xf32>,
    return
  }
  func.func @transform_0(%arg0: i32) -> (i32, i32) {
    %c0_i32 = arith.constant 0 : i32
    %c0_i32_0 = arith.constant 0 : i32
    return %arg0, %c0_i32 : i32, i32
  }
  func.func @transform_1(%arg0: i32) -> (i32, i32) {
    %c0_i32 = arith.constant 0 : i32
    %c0_i32_0 = arith.constant 0 : i32
    return %arg0, %c0_i32 : i32, i32
  }
  func.func @transform_2(%arg0: i32) -> (i32, i32) {
    %c0_i32 = arith.constant 0 : i32
    %c0_i32_0 = arith.constant 0 : i32
    %c0_i32_1 = arith.constant 0 : i32
    return %c0_i32, %c0_i32_0 : i32, i32
  }
  func.func @transform_3(%arg0: i32) -> (i32, i32) {
    %c0_i32 = arith.constant 0 : i32
    %c0_i32_0 = arith.constant 0 : i32
    %c0_i32_1 = arith.constant 0 : i32
    return %c0_i32, %c0_i32_0 : i32, i32
  }
  func.func @transform_4(%arg0: i32) -> (i32, i32) {
    %c0_i32 = arith.constant 0 : i32
    %c0_i32_0 = arith.constant 0 : i32
    %c0_i32_1 = arith.constant 0 : i32
    return %c0_i32, %c0_i32_0 : i32, i32
  }
  func.func @transform_5(%arg0: i32) -> (i32, i32) {
    %c0_i32 = arith.constant 0 : i32
    %c0_i32_0 = arith.constant 0 : i32
    %c0_i32_1 = arith.constant 0 : i32
    return %c0_i32, %c0_i32_0 : i32, i32
  }
  func.func @transform_6(%arg0: i32) -> (i32, i32) {
    %c0_i32 = arith.constant 0 : i32
    %c0_i32_0 = arith.constant 0 : i32
    %c0_i32_1 = arith.constant 0 : i32
    return %c0_i32, %c0_i32_0 : i32, i32
  }
  func.func @transform_7(%arg0: i32) -> (i32, i32) {
    %c0_i32 = arith.constant 0 : i32
    %c0_i32_0 = arith.constant 0 : i32
    %c0_i32_1 = arith.constant 0 : i32
    return %c0_i32, %c0_i32_0 : i32, i32
  }
  func.func @transform_8(%arg0: i32) -> (i32, i32) {
    %c0_i32 = arith.constant 0 : i32
    %c0_i32_0 = arith.constant 0 : i32
    %c0_i32_1 = arith.constant 0 : i32
    return %c0_i32, %c0_i32_0 : i32, i32
  }
  func.func @transform_9(%arg0: i32) -> (i32, i32) {
    %c0_i32 = arith.constant 0 : i32
    %c0_i32_0 = arith.constant 0 : i32
    %c0_i32_1 = arith.constant 0 : i32
    return %c0_i32, %c0_i32_0 : i32, i32
  }
  func.func @transform_10(%arg0: i32) -> (i32, i32) {
    %c0_i32 = arith.constant 0 : i32
    %c0_i32_0 = arith.constant 0 : i32
    return %arg0, %c0_i32 : i32, i32
  }
  func.func @transform_11(%arg0: i32) -> (i32, i32) {
    %c0_i32 = arith.constant 0 : i32
    %c0_i32_0 = arith.constant 0 : i32
    return %arg0, %c0_i32 : i32, i32
  }
}

module attributes {stable_mosaic.version = 14 : i64} {
  func.func @_head_body(%arg0: i32, %arg1: memref<1000x64xf32, #tpu.memory_space<vmem>>, %arg2: memref<1000x64xf32, #tpu.memory_space<vmem>>, %arg3: memref<128x128xf32, #tpu.memory_space<vmem>>, %arg4: memref<1x128xf32, #tpu.memory_space<vmem>>, %arg5: memref<1x128xf32, #tpu.memory_space<vmem>>, %arg6: memref<1x128xf32, #tpu.memory_space<vmem>>, %arg7: memref<128x128xf32, #tpu.memory_space<vmem>>, %arg8: memref<1x128xf32, #tpu.memory_space<vmem>>, %arg9: memref<128x40xf32, #tpu.memory_space<vmem>>, %arg10: memref<1x40xf32, #tpu.memory_space<vmem>>, %arg11: memref<128x40xf32, #tpu.memory_space<vmem>>, %arg12: memref<1x40xf32, #tpu.memory_space<vmem>>, %arg13: memref<128x2xf32, #tpu.memory_space<vmem>>, %arg14: memref<1x2xf32, #tpu.memory_space<vmem>>, %arg15: memref<1000x40xf32, #tpu.memory_space<vmem>>, %arg16: memref<1000x40xf32, #tpu.memory_space<vmem>>, %arg17: memref<1000x2xf32, #tpu.memory_space<vmem>>) attributes {dimension_semantics = [#tpu.dimension_semantics<arbitrary>], iteration_bounds = array<i64: 10>, scalar_prefetch = 0 : i64, scratch_operands = 0 : i64, tpu.core_type = #tpu.core_type<tc>, window_params = [{transform_indices = @transform_0, window_bounds = array<i64: 1000, 64>}, {transform_indices = @transform_1, window_bounds = array<i64: 1000, 64>}, {pipeline_mode = #tpu.pipeline_mode<synchronous>, transform_indices = @transform_2, window_bounds = array<i64: 128, 128>}, {pipeline_mode = #tpu.pipeline_mode<synchronous>, transform_indices = @transform_3, window_bounds = array<i64: 1, 128>}, {pipeline_mode = #tpu.pipeline_mode<synchronous>, transform_indices = @transform_4, window_bounds = array<i64: 1, 128>}, {pipeline_mode = #tpu.pipeline_mode<synchronous>, transform_indices = @transform_5, window_bounds = array<i64: 1, 128>}, {pipeline_mode = #tpu.pipeline_mode<synchronous>, transform_indices = @transform_6, window_bounds = array<i64: 128, 128>}, {pipeline_mode = #tpu.pipeline_mode<synchronous>, transform_indices = @transform_7, window_bounds = array<i64: 1, 128>}, {pipeline_mode = #tpu.pipeline_mode<synchronous>, transform_indices = @transform_8, window_bounds = array<i64: 128, 40>}, {pipeline_mode = #tpu.pipeline_mode<synchronous>, transform_indices = @transform_9, window_bounds = array<i64: 1, 40>}, {pipeline_mode = #tpu.pipeline_mode<synchronous>, transform_indices = @transform_10, window_bounds = array<i64: 128, 40>}, {pipeline_mode = #tpu.pipeline_mode<synchronous>, transform_indices = @transform_11, window_bounds = array<i64: 1, 40>}, {pipeline_mode = #tpu.pipeline_mode<synchronous>, transform_indices = @transform_12, window_bounds = array<i64: 128, 2>}, {pipeline_mode = #tpu.pipeline_mode<synchronous>, transform_indices = @transform_13, window_bounds = array<i64: 1, 2>}, {transform_indices = @transform_14, window_bounds = array<i64: 1000, 40>}, {transform_indices = @transform_15, window_bounds = array<i64: 1000, 40>}, {transform_indices = @transform_16, window_bounds = array<i64: 1000, 2>}]} {
    %get3A = arith.constant 0 : index
    %get3A_0 = arith.constant 0 : index
    %get3A_1 = vector.load %arg1[%get3A, %get3A_0] : memref<1000x64xf32, #tpu.memory_space<vmem>>, vector<1000x64xf32>
    %get3A_2 = arith.constant 0 : index
    %get3A_3 = arith.constant 0 : index
    %get3A_4 = vector.load %arg2[%get3A_2, %get3A_3] : memref<1000x64xf32, #tpu.memory_space<vmem>>, vector<1000x64xf32>
    %concatenate3A = tpu.concatenate %get3A_1, %get3A_4 in 1 : vector<1000x64xf32>, vector<1000x64xf32> -> vector<1000x128xf32>
    %get3A_5 = arith.constant 0 : index
    %get3A_6 = arith.constant 0 : index
    %get3A_7 = vector.load %arg3[%get3A_5, %get3A_6] : memref<128x128xf32, #tpu.memory_space<vmem>>, vector<128x128xf32>
    %dot_general3A = arith.constant dense<0.000000e+00> : vector<1000x128xf32>
    %dot_general3A_8 = tpu.matmul %concatenate3A, %get3A_7, %dot_general3A {dimension_numbers = #tpu.dot_dimension_numbers<[1], [0], [0], [1], [0, 0, 1, 1], [], []>, transpose_lhs_hint = false} : vector<1000x128xf32>, vector<128x128xf32>, vector<1000x128xf32> -> vector<1000x128xf32>
    %get3A_9 = arith.constant 0 : index
    %get3A_10 = arith.constant 0 : index
    %get3A_11 = vector.load %arg4[%get3A_9, %get3A_10] : memref<1x128xf32, #tpu.memory_space<vmem>>, vector<1x128xf32>
    %add3A = vector.broadcast %get3A_11 : vector<1x128xf32> to vector<1000x128xf32>
    %add3A_12 = arith.addf %dot_general3A_8, %add3A : vector<1000x128xf32>
    %get3A_13 = arith.constant 0 : index
    %get3A_14 = arith.constant 0 : index
    %get3A_15 = vector.load %arg5[%get3A_13, %get3A_14] : memref<1x128xf32, #tpu.memory_space<vmem>>, vector<1x128xf32>
    %mul3A = arith.constant 0.999994993 : f32
    %mul3A_16 = vector.broadcast %mul3A : f32 to vector<1x128xf32>
    %mul3A_17 = arith.mulf %mul3A_16, %get3A_15 : vector<1x128xf32>
    %mul3A_18 = vector.broadcast %mul3A_17 : vector<1x128xf32> to vector<1000x128xf32>
    %mul3A_19 = arith.mulf %add3A_12, %mul3A_18 : vector<1000x128xf32>
    %get3A_20 = arith.constant 0 : index
    %get3A_21 = arith.constant 0 : index
    %get3A_22 = vector.load %arg6[%get3A_20, %get3A_21] : memref<1x128xf32, #tpu.memory_space<vmem>>, vector<1x128xf32>
    %add3A_23 = vector.broadcast %get3A_22 : vector<1x128xf32> to vector<1000x128xf32>
    %add3A_24 = arith.addf %mul3A_19, %add3A_23 : vector<1000x128xf32>
    %max3A = arith.constant 0.000000e+00 : f32
    %max3A_25 = vector.broadcast %max3A : f32 to vector<1000x128xf32>
    %max3A_26 = arith.maximumf %add3A_24, %max3A_25 : vector<1000x128xf32>
    %get3A_27 = arith.constant 0 : index
    %get3A_28 = arith.constant 0 : index
    %get3A_29 = vector.load %arg7[%get3A_27, %get3A_28] : memref<128x128xf32, #tpu.memory_space<vmem>>, vector<128x128xf32>
    %dot_general3A_30 = arith.constant dense<0.000000e+00> : vector<1000x128xf32>
    %dot_general3A_31 = tpu.matmul %max3A_26, %get3A_29, %dot_general3A_30 {dimension_numbers = #tpu.dot_dimension_numbers<[1], [0], [0], [1], [0, 0, 1, 1], [], []>, transpose_lhs_hint = false} : vector<1000x128xf32>, vector<128x128xf32>, vector<1000x128xf32> -> vector<1000x128xf32>
    %get3A_32 = arith.constant 0 : index
    %get3A_33 = arith.constant 0 : index
    %get3A_34 = vector.load %arg8[%get3A_32, %get3A_33] : memref<1x128xf32, #tpu.memory_space<vmem>>, vector<1x128xf32>
    %add3A_35 = vector.broadcast %get3A_34 : vector<1x128xf32> to vector<1000x128xf32>
    %add3A_36 = arith.addf %dot_general3A_31, %add3A_35 : vector<1000x128xf32>
    %get3A_37 = arith.constant 0 : index
    %get3A_38 = arith.constant 0 : index
    %get3A_39 = vector.load %arg9[%get3A_37, %get3A_38] : memref<128x40xf32, #tpu.memory_space<vmem>>, vector<128x40xf32>
    %dot_general3A_40 = arith.constant dense<0.000000e+00> : vector<1000x40xf32>
    %dot_general3A_41 = tpu.matmul %add3A_36, %get3A_39, %dot_general3A_40 {dimension_numbers = #tpu.dot_dimension_numbers<[1], [0], [0], [1], [0, 0, 1, 1], [], []>, transpose_lhs_hint = false} : vector<1000x128xf32>, vector<128x40xf32>, vector<1000x40xf32> -> vector<1000x40xf32>
    %get3A_42 = arith.constant 0 : index
    %get3A_43 = arith.constant 0 : index
    %get3A_44 = vector.load %arg10[%get3A_42, %get3A_43] : memref<1x40xf32, #tpu.memory_space<vmem>>, vector<1x40xf32>
    %add3A_45 = vector.broadcast %get3A_44 : vector<1x40xf32> to vector<1000x40xf32>
    %add3A_46 = arith.addf %dot_general3A_41, %add3A_45 : vector<1000x40xf32>
    %reduce_max3A = arith.constant dense<0xFF800000> : vector<1000xf32>
    %reduce_max3A_47 = vector.multi_reduction <maximumf>, %add3A_46, %reduce_max3A [1] : vector<1000x40xf32> to vector<1000xf32>
    %broadcast_in_dim3A = vector.shape_cast %reduce_max3A_47 : vector<1000xf32> to vector<1000x1xf32>
    %sub3A = vector.broadcast %broadcast_in_dim3A : vector<1000x1xf32> to vector<1000x40xf32>
    %sub3A_48 = arith.subf %add3A_46, %sub3A : vector<1000x40xf32>
    %exp3A = math.exp %sub3A_48 : vector<1000x40xf32>
    %reduce_sum3A = arith.constant dense<0.000000e+00> : vector<1000xf32>
    %reduce_sum3A_49 = vector.multi_reduction <add>, %exp3A, %reduce_sum3A [1] : vector<1000x40xf32> to vector<1000xf32>
    %broadcast_in_dim3A_50 = vector.shape_cast %reduce_sum3A_49 : vector<1000xf32> to vector<1000x1xf32>
    %log3A = math.log %broadcast_in_dim3A_50 : vector<1000x1xf32>
    %sub3A_51 = vector.broadcast %log3A : vector<1000x1xf32> to vector<1000x40xf32>
    %sub3A_52 = arith.subf %sub3A_48, %sub3A_51 : vector<1000x40xf32>
    %swap3A = arith.constant 0 : index
    %swap3A_53 = arith.constant 0 : index
    %swap3A_54 = vector.load %arg15[%swap3A, %swap3A_53] : memref<1000x40xf32, #tpu.memory_space<vmem>>, vector<1000x40xf32>
    tpu.vector_store %arg15[%swap3A, %swap3A_53], %sub3A_52 {strides = array<i32>} : memref<1000x40xf32, #tpu.memory_space<vmem>>, vector<1000x40xf32>,
    %get3A_55 = arith.constant 0 : index
    %get3A_56 = arith.constant 0 : index
    %get3A_57 = vector.load %arg11[%get3A_55, %get3A_56] : memref<128x40xf32, #tpu.memory_space<vmem>>, vector<128x40xf32>
    %dot_general3A_58 = arith.constant dense<0.000000e+00> : vector<1000x40xf32>
    %dot_general3A_59 = tpu.matmul %add3A_36, %get3A_57, %dot_general3A_58 {dimension_numbers = #tpu.dot_dimension_numbers<[1], [0], [0], [1], [0, 0, 1, 1], [], []>, transpose_lhs_hint = false} : vector<1000x128xf32>, vector<128x40xf32>, vector<1000x40xf32> -> vector<1000x40xf32>
    %get3A_60 = arith.constant 0 : index
    %get3A_61 = arith.constant 0 : index
    %get3A_62 = vector.load %arg12[%get3A_60, %get3A_61] : memref<1x40xf32, #tpu.memory_space<vmem>>, vector<1x40xf32>
    %add3A_63 = vector.broadcast %get3A_62 : vector<1x40xf32> to vector<1000x40xf32>
    %add3A_64 = arith.addf %dot_general3A_59, %add3A_63 : vector<1000x40xf32>
    %reduce_max3A_65 = arith.constant dense<0xFF800000> : vector<1000xf32>
    %reduce_max3A_66 = vector.multi_reduction <maximumf>, %add3A_64, %reduce_max3A_65 [1] : vector<1000x40xf32> to vector<1000xf32>
    %broadcast_in_dim3A_67 = vector.shape_cast %reduce_max3A_66 : vector<1000xf32> to vector<1000x1xf32>
    %sub3A_68 = vector.broadcast %broadcast_in_dim3A_67 : vector<1000x1xf32> to vector<1000x40xf32>
    %sub3A_69 = arith.subf %add3A_64, %sub3A_68 : vector<1000x40xf32>
    %exp3A_70 = math.exp %sub3A_69 : vector<1000x40xf32>
    %reduce_sum3A_71 = arith.constant dense<0.000000e+00> : vector<1000xf32>
    %reduce_sum3A_72 = vector.multi_reduction <add>, %exp3A_70, %reduce_sum3A_71 [1] : vector<1000x40xf32> to vector<1000xf32>
    %broadcast_in_dim3A_73 = vector.shape_cast %reduce_sum3A_72 : vector<1000xf32> to vector<1000x1xf32>
    %div3A = vector.broadcast %broadcast_in_dim3A_73 : vector<1000x1xf32> to vector<1000x40xf32>
    %div3A_74 = arith.divf %exp3A_70, %div3A : vector<1000x40xf32>
    %swap3A_75 = arith.constant 0 : index
    %swap3A_76 = arith.constant 0 : index
    %swap3A_77 = vector.load %arg16[%swap3A_75, %swap3A_76] : memref<1000x40xf32, #tpu.memory_space<vmem>>, vector<1000x40xf32>
    tpu.vector_store %arg16[%swap3A_75, %swap3A_76], %div3A_74 {strides = array<i32>} : memref<1000x40xf32, #tpu.memory_space<vmem>>, vector<1000x40xf32>,
    %get3A_78 = arith.constant 0 : index
    %get3A_79 = arith.constant 0 : index
    %get3A_80 = vector.load %arg13[%get3A_78, %get3A_79] : memref<128x2xf32, #tpu.memory_space<vmem>>, vector<128x2xf32>
    %dot_general3A_81 = arith.constant dense<0.000000e+00> : vector<1000x2xf32>
    %dot_general3A_82 = tpu.matmul %add3A_36, %get3A_80, %dot_general3A_81 {dimension_numbers = #tpu.dot_dimension_numbers<[1], [0], [0], [1], [0, 0, 1, 1], [], []>, transpose_lhs_hint = false} : vector<1000x128xf32>, vector<128x2xf32>, vector<1000x2xf32> -> vector<1000x2xf32>
    %get3A_83 = arith.constant 0 : index
    %get3A_84 = arith.constant 0 : index
    %get3A_85 = vector.load %arg14[%get3A_83, %get3A_84] : memref<1x2xf32, #tpu.memory_space<vmem>>, vector<1x2xf32>
    %add3A_86 = vector.broadcast %get3A_85 : vector<1x2xf32> to vector<1000x2xf32>
    %add3A_87 = arith.addf %dot_general3A_82, %add3A_86 : vector<1000x2xf32>
    %neg3A = arith.constant 0.000000e+00 : f32
    %neg3A_88 = vector.broadcast %neg3A : f32 to vector<1000x2xf32>
    %neg3A_89 = arith.subf %neg3A_88, %add3A_87 : vector<1000x2xf32>
    %exp3A_90 = math.exp %neg3A_89 : vector<1000x2xf32>
    %add3A_91 = arith.constant 1.000000e+00 : f32
    %add3A_92 = vector.broadcast %add3A_91 : f32 to vector<1000x2xf32>
    %add3A_93 = arith.addf %add3A_92, %exp3A_90 : vector<1000x2xf32>
    %div3A_94 = arith.constant 1.000000e+00 : f32
    %div3A_95 = vector.broadcast %div3A_94 : f32 to vector<1000x2xf32>
    %div3A_96 = arith.divf %div3A_95, %add3A_93 : vector<1000x2xf32>
    %swap3A_97 = arith.constant 0 : index
    %swap3A_98 = arith.constant 0 : index
    %swap3A_99 = vector.load %arg17[%swap3A_97, %swap3A_98] : memref<1000x2xf32, #tpu.memory_space<vmem>>, vector<1000x2xf32>
    tpu.vector_store %arg17[%swap3A_97, %swap3A_98], %div3A_96 {strides = array<i32>} : memref<1000x2xf32, #tpu.memory_space<vmem>>, vector<1000x2xf32>,
    return
  }
  func.func @transform_0(%arg0: i32) -> (i32, i32) {
    %c0_i32 = arith.constant 0 : i32
    %c0_i32_0 = arith.constant 0 : i32
    return %arg0, %c0_i32 : i32, i32
  }
  func.func @transform_1(%arg0: i32) -> (i32, i32) {
    %c0_i32 = arith.constant 0 : i32
    %c0_i32_0 = arith.constant 0 : i32
    return %arg0, %c0_i32 : i32, i32
  }
  func.func @transform_2(%arg0: i32) -> (i32, i32) {
    %c0_i32 = arith.constant 0 : i32
    %c0_i32_0 = arith.constant 0 : i32
    %c0_i32_1 = arith.constant 0 : i32
    return %c0_i32, %c0_i32_0 : i32, i32
  }
  func.func @transform_3(%arg0: i32) -> (i32, i32) {
    %c0_i32 = arith.constant 0 : i32
    %c0_i32_0 = arith.constant 0 : i32
    %c0_i32_1 = arith.constant 0 : i32
    return %c0_i32, %c0_i32_0 : i32, i32
  }
  func.func @transform_4(%arg0: i32) -> (i32, i32) {
    %c0_i32 = arith.constant 0 : i32
    %c0_i32_0 = arith.constant 0 : i32
    %c0_i32_1 = arith.constant 0 : i32
    return %c0_i32, %c0_i32_0 : i32, i32
  }
  func.func @transform_5(%arg0: i32) -> (i32, i32) {
    %c0_i32 = arith.constant 0 : i32
    %c0_i32_0 = arith.constant 0 : i32
    %c0_i32_1 = arith.constant 0 : i32
    return %c0_i32, %c0_i32_0 : i32, i32
  }
  func.func @transform_6(%arg0: i32) -> (i32, i32) {
    %c0_i32 = arith.constant 0 : i32
    %c0_i32_0 = arith.constant 0 : i32
    %c0_i32_1 = arith.constant 0 : i32
    return %c0_i32, %c0_i32_0 : i32, i32
  }
  func.func @transform_7(%arg0: i32) -> (i32, i32) {
    %c0_i32 = arith.constant 0 : i32
    %c0_i32_0 = arith.constant 0 : i32
    %c0_i32_1 = arith.constant 0 : i32
    return %c0_i32, %c0_i32_0 : i32, i32
  }
  func.func @transform_8(%arg0: i32) -> (i32, i32) {
    %c0_i32 = arith.constant 0 : i32
    %c0_i32_0 = arith.constant 0 : i32
    %c0_i32_1 = arith.constant 0 : i32
    return %c0_i32, %c0_i32_0 : i32, i32
  }
  func.func @transform_9(%arg0: i32) -> (i32, i32) {
    %c0_i32 = arith.constant 0 : i32
    %c0_i32_0 = arith.constant 0 : i32
    %c0_i32_1 = arith.constant 0 : i32
    return %c0_i32, %c0_i32_0 : i32, i32
  }
  func.func @transform_10(%arg0: i32) -> (i32, i32) {
    %c0_i32 = arith.constant 0 : i32
    %c0_i32_0 = arith.constant 0 : i32
    %c0_i32_1 = arith.constant 0 : i32
    return %c0_i32, %c0_i32_0 : i32, i32
  }
  func.func @transform_11(%arg0: i32) -> (i32, i32) {
    %c0_i32 = arith.constant 0 : i32
    %c0_i32_0 = arith.constant 0 : i32
    %c0_i32_1 = arith.constant 0 : i32
    return %c0_i32, %c0_i32_0 : i32, i32
  }
  func.func @transform_12(%arg0: i32) -> (i32, i32) {
    %c0_i32 = arith.constant 0 : i32
    %c0_i32_0 = arith.constant 0 : i32
    %c0_i32_1 = arith.constant 0 : i32
    return %c0_i32, %c0_i32_0 : i32, i32
  }
  func.func @transform_13(%arg0: i32) -> (i32, i32) {
    %c0_i32 = arith.constant 0 : i32
    %c0_i32_0 = arith.constant 0 : i32
    %c0_i32_1 = arith.constant 0 : i32
    return %c0_i32, %c0_i32_0 : i32, i32
  }
  func.func @transform_14(%arg0: i32) -> (i32, i32) {
    %c0_i32 = arith.constant 0 : i32
    %c0_i32_0 = arith.constant 0 : i32
    return %arg0, %c0_i32 : i32, i32
  }
  func.func @transform_15(%arg0: i32) -> (i32, i32) {
    %c0_i32 = arith.constant 0 : i32
    %c0_i32_0 = arith.constant 0 : i32
    return %arg0, %c0_i32 : i32, i32
  }
  func.func @transform_16(%arg0: i32) -> (i32, i32) {
    %c0_i32 = arith.constant 0 : i32
    %c0_i32_0 = arith.constant 0 : i32
    return %arg0, %c0_i32 : i32, i32
  }
}

</mosaic_0001>

<sc_bundles>
// kernel: kernel.6.cloned.1.call-start
scs
__scs_entry_jumppad:
0x0: {  	(pc) =	sbr.rel $0x88, $3  }
0x1: {  	(tag) =	ssettag $0x0;
	lr =	simm.s32 $0x1  }
0x2: {  	[smem:$0x3F89] =	sst lr;
	_ =	strace $0xD0000000  }
0x3: {  	_ = 	snop  }
0x4: {  	_ = 	snop  }
0x5: {  	_ = 	snop  }
0x6: {  	_ = 	snop  }
0x7: {  	_ = 	snop  }
__scs_overlays_trampoline_lowered:
0x8: {  	[smem:$0x3F98] =	sst s0  }
0x9: {  	[smem:$0x3F99] =	sst s1  }
0xa: {  	[smem:$0x3F9A] =	sst s2  }
0xb: {  	[smem:$0x3F9B] =	sst s3  }
0xc: {  	[smem:$0x3F9C] =	sst s4  }
0xd: {  	[smem:$0x3F9D] =	sst s5  }
0xe: {  	[smem:$0x3F9E] =	sst s6  }
0xf: {  	[smem:$0x3F9F] =	sst s7  }
0x10: {  	[smem:$0x3FA0] =	sst s8  }
0x11: {  	[smem:$0x3FA1] =	sst s9;
	s0 =	simm.s32 @!p0 $0x0  }
0x12: {  	s1 =	sld [smem:$0x3F87];
	s0 =	simm.s32 @p0 $0x1  }
0x13: {  	[smem:$0x3FA2] =	sst s0;
	s0 =	simm.s32 @!p1 $0x0  }
0x14: {  	s2 =	sld [smem:$0x3F86];
	s0 =	simm.s32 @p1 $0x1  }
0x15: {  	[smem:$0x3FA3] =	sst s0;
	s0 =	simm.s32 @!p2 $0x0  }
0x16: {  	s3 =	sld [smem:$0x3FDB];
	s0 =	simm.s32 @p2 $0x1  }
0x17: {  	s4 =	simm.s32 $0x1BF5;
	[smem:$0x3FA5] =	sst s0  }
0x18: {  	s0 =	sld [smem:$0x3F88];
	_ =	swait.ge [sflag:s4], $0x0  }
0x19: {  	s7 =	sld [smem:$0x3F89]  }
0x1a: {  	s8 =	sadd.s32 $0xFFFFE003, lr  }
0x1b: {  	s9 =	sadd.s32 $0xFFFFFEF7, lr;
	s5 =	simm.s32 $0xFFFFFFFF;
	p2 =	slt.u32 s8, $0xFFFFF086  }
0x1c: {  	p1 =	slt.u32 s9, $0xF7A;
	s5 =	simm.s32 @!p2 $0x0  }
0x1d: {  	s5 =	simm.s32 @p1 $0x1;
	p0 =	seq.s32 s7, s2  }
0x1e: {  	s7 =	smul.u32 @!p0 $0xF7A, s2;
	p2 =	seq.s32 @!p0 s5, $0x0  }
0x1f: {  	s9 =	smul.u32 $0xF7A, s1;
	s8 =	simm.s32 @!p0 $0x1BF5;
	p2 =	por !p2, p0  }
0x20: {  	[sflag:s8] =	ssyncset.s32 @!p0 $0xFFFFF086;
	s6 =	sadd.s32 @!p0 s3, s7;
	s7 =	simm.s32 @!p0 $0x108  }
0x21: {  	s3 =	sadd.s32 s3, s9;
	s6 =	sadd.s32 @!p0 $0x88, s6;
	s7 =	simm.s32 @p2 $0x1082  }
0x22: {  	[simem:s7], [sflag:s8] =	dma.local @!p0 [hbm:s6], $0xF7A  }
0x23: {  	s9 =	sor.u32 $0xD0000000, s2;
	s6 =	simm.s32 $0x108;
	_ =	swait.ge @!p0 [sflag:s8], $0x0  }
0x24: {  	s3 =	sadd.s32 $0x88, s3;
	s6 =	simm.s32 @!p1 $0x1082;
	[sflag:s4] =	ssyncset.s32 $0xFFFFF086  }
0x25: {  	[simem:s6], [sflag:s4] =	dma.local [hbm:s3], $0xF7A  }
0x26: {  	[smem:$0x3F89] =	sst s1;
	(tag) =	ssettag s2;
	_ =	strace s9  }
0x27: {  	s1 =	sld [smem:$0x3F99]  }
0x28: {  	s2 =	sld [smem:$0x3F9A]  }
0x29: {  	s4 =	sld [smem:$0x3F9C]  }
0x2a: {  	p0 =	seq.s32 s5, $0x0;
	s5 =	sld [smem:$0x3F9D]  }
0x2b: {  	s6 =	sld [smem:$0x3F9E]  }
0x2c: {  	s7 =	sld [smem:$0x3F9F]  }
0x2d: {  	s3 =	simm.s32 $0x108;
	s8 =	sld [smem:$0x3FA0]  }
0x2e: {  	s3 =	simm.s32 @!p0 $0x1082;
	s9 =	sld [smem:$0x3FA1]  }
0x2f: {  	lr =	sadd.s32 s0, s3;
	s0 =	sld [smem:$0x3F98]  }
0x30: {  	s3 =	sld [smem:$0x3F9B]  }
0x31: {  	[smem:$0x3FA4] =	sst s10  }
0x32: {  	s10 =	sld [smem:$0x3FA2];
	_ =	sdelay $0x3  }
0x33: {  	p0 =	seq.s32 s10, $0x1;
	s10 =	sld [smem:$0x3FA4];
	_ =	sdelay $0x3  }
0x34: {  	[smem:$0x3FA4] =	sst s10  }
0x35: {  	s10 =	sld [smem:$0x3FA3];
	_ =	sdelay $0x3  }
0x36: {  	p1 =	seq.s32 s10, $0x1;
	s10 =	sld [smem:$0x3FA4];
	_ =	sdelay $0x3  }
0x37: {  	[smem:$0x3FA4] =	sst s10  }
0x38: {  	s10 =	sld [smem:$0x3FA5]  }
0x39: {  	_ = 	snop;
	(pc) =	sbr.ind lr, $3  }
0x3a: {  	_ = 	snop  }
0x3b: {  	_ = 	snop  }
0x3c: {  	p2 =	seq.s32 s10, $0x1;
	s10 =	sld [smem:$0x3FA4]  }
0x3d: {  	_ =	shalt  }
0x3e: {  	_ =	shalt  }
0x3f: {  	_ =	shalt  }
0x40: {  	_ =	shalt  }
0x41: {  	_ =	shalt  }
0x42: {  	_ =	shalt  }
0x43: {  	_ =	shalt  }
0x44: {  	_ =	shalt  }
0x45: {  	_ =	shalt  }
0x46: {  	_ =	shalt  }
0x47: {  	_ =	shalt  }
0x48: {  	_ =	shalt  }
0x49: {  	_ =	shalt  }
0x4a: {  	_ =	shalt  }
0x4b: {  	_ =	shalt  }
0x4c: {  	_ =	shalt  }
0x4d: {  	_ =	shalt  }
0x4e: {  	_ =	shalt  }
0x4f: {  	_ =	shalt  }
0x50: {  	_ =	shalt  }
0x51: {  	_ =	shalt  }
0x52: {  	_ =	shalt  }
0x53: {  	_ =	shalt  }
0x54: {  	_ =	shalt  }
0x55: {  	_ =	shalt  }
0x56: {  	_ =	shalt  }
0x57: {  	_ =	shalt  }
0x58: {  	_ =	shalt  }
0x59: {  	_ =	shalt  }
0x5a: {  	_ =	shalt  }
0x5b: {  	_ =	shalt  }
0x5c: {  	_ =	shalt  }
0x5d: {  	_ =	shalt  }
0x5e: {  	_ =	shalt  }
0x5f: {  	_ =	shalt  }
0x60: {  	_ =	shalt  }
0x61: {  	_ =	shalt  }
0x62: {  	_ =	shalt  }
0x63: {  	_ =	shalt  }
0x64: {  	_ =	shalt  }
0x65: {  	_ =	shalt  }
0x66: {  	_ =	shalt  }
0x67: {  	_ =	shalt  }
0x68: {  	_ =	shalt  }
0x69: {  	_ =	shalt  }
0x6a: {  	_ =	shalt  }
0x6b: {  	_ =	shalt  }
0x6c: {  	_ =	shalt  }
0x6d: {  	_ =	shalt  }
0x6e: {  	_ =	shalt  }
0x6f: {  	_ =	shalt  }
0x70: {  	_ =	shalt  }
0x71: {  	_ =	shalt  }
0x72: {  	_ =	shalt  }
0x73: {  	_ =	shalt  }
0x74: {  	_ =	shalt  }
0x75: {  	_ =	shalt  }
0x76: {  	_ =	shalt  }
0x77: {  	_ =	shalt  }
0x78: {  	_ =	shalt  }
0x79: {  	_ =	shalt  }
0x7a: {  	_ =	shalt  }
0x7b: {  	_ =	shalt  }
0x7c: {  	_ =	shalt  }
0x7d: {  	_ =	shalt  }
0x7e: {  	_ =	shalt  }
0x7f: {  	_ =	shalt  }
0x80: {  	_ =	shalt  }
0x81: {  	_ =	shalt  }
0x82: {  	_ =	shalt  }
0x83: {  	_ =	shalt  }
0x84: {  	_ =	shalt  }
0x85: {  	_ =	shalt  }
0x86: {  	_ =	shalt  }
0x87: {  	_ =	shalt  }
.Lfunc_end0:
.L_simem_size_0:
called_computation_lowered:
.L_overlay_start_0:
0x88: {  	s2 =	sld [smem:$0x3FD9]  }
0x89: {  	s3 =	sld [smem:$0x3FFE];
	_ =	sdelay $0x1  }
0x8a: {  	s1 =	srdreg.scid  }
0x8b: {  	s0 =	sand.u32 $0x1, s1  }
0x8c: {  	s14 =	sshll.u32 s0, $0xA;
	s2 =	sadd.s32 s3, s2  }
0x8d: {  	s2 =	sadd.s32 s2, s14  }
0x8e: {  	[smem:$0x3FB0] =	sst s2  }
0x8f: {  	_ = 	snop  }
0x90: {  	s2 =	sld [smem:$0x3FD0];
	_ =	sdelay $0x2  }
0x91: {  	s15 =	simm.s32 $0xA;
	s4 =	simm.s32 $0x10  }
0x92: {  	[smem:s4], [sflag:s15] =	dma.local [hbm:s2], $0x1  }
0x93: {  	_ =	swait.eq [sflag:s15], $0x1  }
0x94: {  	s16 =	sld [smem:$0x10]  }
0x95: {  	s17 =	sld [smem:$0x11];
	[sflag:s15] =	ssyncset.done $0x0  }
0x96: {  	s5 =	sld [smem:$0x12];
	[sflag:s15] =	ssyncadd.s32 $0xFFFFFFFF  }
0x97: {  	s18 =	sld [smem:$0x13];
	(tm) =	ssettm $0x1  }
0x98: {  	s6 =	sld [smem:$0x3FFB];
	_ =	sdelay $0x3  }
0x99: {  	_ =	strace s6  }
0x9a: {  	s6 =	sld [smem:$0x3FFC];
	_ =	sdelay $0x3  }
0x9b: {  	_ =	strace s6  }
0x9c: {  	s6 =	sld [smem:$0x3FFD];
	_ =	sdelay $0x3  }
0x9d: {  	_ =	strace s6  }
0x9e: {  	_ =	strace $0x8FFFFFFF  }
0x9f: {  	s19 =	sld [smem:$0x3FDB];
	_ =	sdelay $0x1  }
0xa0: {  	s7 =	simm.s32 $_scs_section_size  }
0xa1: {  	s8 =	simm.s32 $_size__tile_overlayer_lowered;
	s9 =	simm.s32 $_tile_overlayer_lowered  }
0xa2: {  	s22 =	simm.s32 $0x1BFF;
	s21 =	sshll.u32 s9, $0x1;
	s6 =	sadd.s32 s7, s19  }
0xa3: {  	s10 =	simm.s32 $0x0;
	s20 =	sshll.u32 s8, $0x1;
	s8 =	sadd.s32 s21, s6  }
0xa4: {  	[timem:s10], [sflag:s22] =	dma.local [hbm:s8], s20  }
0xa5: {  	_ =	swait.ge [sflag:s22], s20  }
0xa6: {  	s7 =	ssub.s32 $0x0, s20;
	[sflag:s22] =	ssyncset.done $0x0  }
0xa7: {  	[sflag:s22] =	ssyncadd.s32 s7;
	_ =	sdelay $0x1  }
0xa8: {  	s23 =	simm.s32 $0x1B8B  }
0xa9: {  	_ =	swait.ge [sflag:s23], $0x1  }
0xaa: {  	[sflag:s23] =	ssyncset.done $0x0  }
0xab: {  	s25 =	simm.s32 $0x1B8E;
	s24 =	sld [smem:$0x3FFE];
	[sflag:s23] =	ssyncadd.s32 $0xFFFFFFFF  }
0xac: {  	s26 =	simm.s32 $execute0_lowered;
	[smem:$0x3FD2] =	sst s25  }
0xad: {  	s8 =	sshll.u32 s26, $0x1;
	_ =	strace $0x80000046;
	[dreg:$0x1] =	wrdreg $0xFFFFFFFF  }
0xae: {  	s28 =	simm.s32 $_size_execute0_lowered;
	s6 =	sadd.s32 s6, s8;
	[dreg:$0x0] =	wrdreg $0x0  }
0xaf: {  	s8 =	sshll.u32 s28, $0x1;
	[dreg:$0x2] =	wrdreg s6  }
0xb0: {  	[dreg:$0x3] =	wrdreg s8  }
0xb1: {  	[dreg:$0x4] =	wrdreg $0xC0  }
0xb2: {  	_ =	task [dreg:s10], $0x5FFFF  }
0xb3: {  	[dreg:$0x1] =	wrdreg $0xFFFFFFFF  }
0xb4: {  	[dreg:$0x0] =	wrdreg $0x60  }
0xb5: {  	[dreg:$0x2] =	wrdreg s24  }
0xb6: {  	[dreg:$0x3] =	wrdreg s17  }
0xb7: {  	[dreg:$0x4] =	wrdreg s5  }
0xb8: {  	[dreg:$0x5] =	wrdreg s16  }
0xb9: {  	[dreg:$0x6] =	wrdreg s18  }
0xba: {  	[dreg:$0x7] =	wrdreg $0x128400  }
0xbb: {  	[dreg:$0x8] =	wrdreg $0x9  }
0xbc: {  	_ =	task.clear_ibuf [dreg:s10], $0x9FFFF;
	_ =	strace $0x90000046  }
0xbd: {  	s29 =	simm.s32 $0x9;
	_ =	strace $0x80000048  }
0xbe: {  	_ =	swait.ge [sflag:s29], $0x1  }
0xbf: {  	[sflag:s29] =	ssyncadd.s32 $0xFFFFFFFF  }
0xc0: {  	_ =	strace $0x90000048  }
0xc1: {  	_ =	sfence  }
0xc2: {  	s30 =	sld [smem:$0x0];
	_ =	sdelay $0x2  }
0xc3: {  	s31 =	sshll.u32 s1, $0xD;
	s1 =	sshrl.u32 s1, $0x2  }
0xc4: {  	s3 =	sand.u32 $0x4000, s31;
	s1 =	sadd.s32 s1, s30  }
0xc5: {  	s0 =	sor.u32 s3, s0;
	s1 =	sshll.u32 s1, $0x11  }
0xc6: {  	s0 =	sor.u32 s1, s0  }
0xc7: {  	s0 =	sadd.s32 $0x8F2B, s0  }
0xc8: {  	[sflag:s0] =	ssyncadd.remote.s32 $0x1  }
0xc9: {  	_ =	sfence.sel $0xFFFF  }
0xca: {  	[dreg:$0x0] =	wrdreg $0xFFFFFFFF;
	(pc) =	sbr.abs _section_cstart, $3  }
0xcb: {  	[dreg:$0x1] =	wrdreg $0xFFFFFFFF  }
0xcc: {  	_ =	task.clear_ibuf [dreg:s10], $0x2FFFF;
	_ =	strace $0x9FFFFFFF  }
0xcd: {  	(tm) =	ssettm $0x7FFFFFFF  }
tec
execute0_lowered:
.L_overlay_start_1:
0x0: {  	(tag) =	ssettag $0x1  }
0x1: {  	s0 =	rddreg [dreg:$0x0]  }
0x2: {  	s3 =	rddreg [dreg:$0x1]  }
0x3: {  	s6 =	rddreg [dreg:$0x2]  }
0x4: {  	s7 =	rddreg [dreg:$0x3]  }
0x5: {  	s8 =	rddreg [dreg:$0x4]  }
0x6: {  	s1 =	rddreg [dreg:$0x5]  }
0x7: {  	s2 =	simm.s32 $0x0;
	s5 =	srdreg.scid;
	s15 =	stileid.u32  }
0x8: {  	s21 =	simm.s32 $0xA020;
	s29 =	simm.s32 $0xE040;
	s31 =	simm.s32 $0x10040  }
0x9: {  	s28 =	simm.s32 $0x8;
	s30 =	simm.s32 $0x20;
	[smem:$0x7FF] =	sst s2  }
0xa: {  	s4 =	sadd.s32 $0x16A00, s0;
	s9 =	sand.u32 $0x1, s5;
	s13 =	smul.u32 $0xA00, s15  }
0xb: {  	s5 =	sadd.s32 $0x3000, s0;
	s17 =	smul.u32 $0x9C00, s15;
	s19 =	sshll.u32 s15, $0x2  }
0xc: {  	s23 =	sadd.s32 $0x9C000, s1;
	s24 =	sadd.s32 $0x16800, s0;
	p1 =	sne.s32 s15, $0xF  }
0xd: {  	s26 =	sshll.u32 s15, $0x6;
	s15 =	simm.s32 $0x7;
	_ =	strace $0x80000047  }
0xe: {  	s10 =	smul.u32 $0x13880, s9;
	s11 =	ssub.s32 $0x2, s9;
	[dreg:$0xc] =	wrdreg s23  }
0xf: {  	s6 =	sadd.s32 s6, s19;
	[dreg:$0xd] =	wrdreg s24;
	p0 =	sne.s32 s9, $0x0  }
0x10: {  	s24 =	simm.s32 $0x80;
	s12 =	sshrl.u32 s11, $0x1;
	s3 =	sadd.s32 s3, s13  }
0x11: {  	s18 =	sadd.s32 s7, s13;
	[dreg:$0x9] =	wrdreg s6;
	s20 =	sadd.s32 s17, s1  }
0x12: {  	s13 =	simm.s32 $0x5;
	s6 =	simm.s32 $0x12040;
	s7 =	simm.s32 $0x0  }
0x13: {  	s14 =	sadd.s32 s10, s0;
	s11 =	ssub.s32 s11, s12;
	[dreg:$0x7] =	wrdreg s3  }
0x14: {  	[dreg:$0x8] =	wrdreg s18;
	s3 =	sadd.s32 s8, s19;
	s10 =	sshrl.u32 s17, $0x3  }
0x15: {  	s0 =	sadd.s32 $0x2A200, s0;
	s18 =	simm.s32 $0x9;
	s12 =	simm.s32 $0xA000  }
0x16: {  	s23 =	sshrl.u32 s20, $0x3;
	s19 =	simm.s32 $0x3;
	[dreg:$0xa] =	wrdreg s3  }
.Ltmp0:
0x17: {  	s22 =	sadd.s32 s5, s10;
	s25 =	sadd.s32 s4, s10;
	(pc) =	sbr.rel .LBB2_1-.Ltmp0, $4  }
0x18: {  	[dreg:$0xf] =	wrdreg s0;
	s16 =	sadd.s32 $0x2A400, s14;
	s17 =	smax.u32 s11, $0x1  }
0x19: {  	s0 =	simm.s32 $0x1;
	s3 =	simm.s32 $0x2;
	[dreg:$0xb] =	wrdreg s22  }
0x1a: {  	s11 =	simm.s32 $0x4;
	s14 =	simm.s32 $0x6;
	[dreg:$0xe] =	wrdreg s25  }
0x1b: {  	s22 =	sor.u32 $0x1C09, s26;
	s25 =	simm.s32 $0xA040;
	s26 =	simm.s32 $0xC040  }
.LBB2_7:
0x1c: {  	[tilespmem:s31], [sflag:$0x4] =	stream.indirect.gather [hbm4b:s5+s24], $0x40, s12, s24, $0xb8;
	[tilespmem:$0x1C480] =	vst v63  }
0x1d: {  	s9 =	smov.u32 s5  }
.LBB2_8:
0x1e: {  	_ =	swait.ge [sflag:s0], $0x2000  }
0x1f: {  	[sflag:s0] =	ssyncset.done $0x0  }
0x20: {  	s12 =	simm.s32 $0x9C00;
	[sflag:s0] =	ssyncadd.s32 $0xFFFFE000  }
0x21: {  	[spmem:s1] =	stream.indirect.scatter.add.f32 [tilespmem:s25], [sflag:$0x5], $0x40, s12, s24, $0xb8;
	[tilespmem:$0x1C480] =	vst v63  }
0x22: {  	_ =	swait.ge [sflag:s3], $0x2000  }
0x23: {  	[sflag:s3] =	ssyncset.done $0x0  }
0x24: {  	s20 =	simm.s32 $0x9C80;
	[sflag:s3] =	ssyncadd.s32 $0xFFFFE000  }
0x25: {  	[spmem:s1] =	stream.indirect.scatter.add.f32 [tilespmem:s26], [sflag:$0x6], $0x40, s20, s24, $0xb8;
	[tilespmem:$0x1C480] =	vst v63  }
0x26: {  	_ =	swait.ge [sflag:s19], $0x2000  }
0x27: {  	[sflag:s19] =	ssyncset.done $0x0  }
0x28: {  	s20 =	simm.s32 $0x9D00;
	[sflag:s19] =	ssyncadd.s32 $0xFFFFE000  }
0x29: {  	[spmem:s1] =	stream.indirect.scatter.add.f32 [tilespmem:s29], [sflag:$0x7], $0x40, s20, s24, $0xb8;
	[tilespmem:$0x1C480] =	vst v63  }
0x2a: {  	_ =	swait.ge [sflag:s11], $0x2000  }
0x2b: {  	[sflag:s11] =	ssyncset.done $0x0  }
0x2c: {  	s20 =	simm.s32 $0x9D80;
	[sflag:s11] =	ssyncadd.s32 $0xFFFFE000  }
0x2d: {  	[spmem:s1] =	stream.indirect.scatter.add.f32 [tilespmem:s31], [sflag:$0x8], $0x40, s20, s24, $0xb8;
	[tilespmem:$0x1C480] =	vst v63  }
0x2e: {  	_ =	swait.ge [sflag:s13], $0x2000  }
0x2f: {  	[sflag:s13] =	ssyncset.done $0x0  }
0x30: {  	[sflag:s13] =	ssyncadd.s32 $0xFFFFE000  }
0x31: {  	_ =	swait.ge [sflag:s14], $0x2000  }
0x32: {  	[sflag:s14] =	ssyncset.done $0x0  }
0x33: {  	[sflag:s14] =	ssyncadd.s32 $0xFFFFE000  }
0x34: {  	_ =	swait.ge [sflag:s15], $0x2000  }
0x35: {  	[sflag:s15] =	ssyncset.done $0x0  }
0x36: {  	[sflag:s15] =	ssyncadd.s32 $0xFFFFE000  }
0x37: {  	_ =	swait.ge [sflag:s28], $0x2000  }
0x38: {  	[sflag:s28] =	ssyncset.done $0x0  }
0x39: {  	s12 =	simm.s32 $0xA000;
	[sflag:s28] =	ssyncadd.s32 $0xFFFFE000  }
0x3a: {  	[tilespmem:s6], [sflag:$0x1] =	stream.indirect.gather [hbm4b:s9+s30], $0x40, s12, s30, $0xb8;
	[tilespmem:$0x1C480] =	vst v63  }
0x3b: {  	_ =	swait.ge [sflag:s0], $0x800  }
0x3c: {  	[sflag:s0] =	ssyncset.done $0x0  }
0x3d: {  	[sflag:s0] =	ssyncadd.s32 $0xFFFFF800  }
0x3e: {  	[spmem:s1] =	stream.indirect.scatter.add.f32 [tilespmem:s6], [sflag:$0x9], $0x40, s21, s30, $0xb8;
	[tilespmem:$0x1C480] =	vst v63  }
0x3f: {  	_ =	swait.ge [sflag:s18], $0x800  }
0x40: {  	[sflag:s18] =	ssyncset.done $0x0  }
0x41: {  	[sflag:s18] =	ssyncadd.s32 $0xFFFFF800  }
0x42: {  	s20 =	sadd.s32 s10, s16;
	[bflag:$0x0] =	sbarrier.arrive $0xFFFF  }
0x43: {  	[hbm:s20], [sflag:s22] =	dma.local [spmem:s23], $0x1380  }
0x44: {  	_ =	swait.ge [sflag:s18], $0x1380  }
0x45: {  	s7 =	sadd.s32 $0x1, s7;
	[sflag:s18] =	ssyncset.done $0x0  }
0x46: {  	p2 =	sne.s32 s7, s17;
	s9 =	sadd.s32 @!p1 $0x13800, s16;
	[sflag:s18] =	ssyncadd.s32 $0xFFFFEC80  }
0x47: {  	[hbm:s9], [sflag:s22] =	dma.local @!p1 [spmem:s8], $0x80  }
.Ltmp1:
0x48: {  	_ = 	snop;
	(pc) =	sbr.rel @!p2 .LBB2_9-.Ltmp1, $4  }
0x49: {  	s8 =	simm.s32 @!p1 $0x9  }
0x4a: {  	_ =	swait.ge @!p1 [sflag:s8], $0x80  }
0x4b: {  	[sflag:s8] =	ssyncset.done @!p1 $0x0  }
0x4c: {  	[sflag:s8] =	ssyncadd.s32 @!p1 $0xFFFFFF80  }
.LBB2_1:
0x4d: {  	s8 =	rddreg [dreg:$0x7]  }
0x4e: {  	[tilespmem:s2], [sflag:$0x9] =	stream.linear.gather [hbm4b:s8+s2], $0x5000, $0x38;
	[tilespmem:$0x1C480] =	vst v63  }
0x4f: {  	_ =	swait.ge [sflag:s18], $0x5000  }
0x50: {  	[sflag:s18] =	ssyncset.done $0x0  }
0x51: {  	s9 =	simm.s32 $0x5000;
	s20 =	rddreg [dreg:$0x8];
	[sflag:s18] =	ssyncadd.s32 $0xFFFFB000  }
0x52: {  	[tilespmem:s9], [sflag:$0x9] =	stream.linear.gather [hbm4b:s20+s2], $0x5000, $0x38;
	[tilespmem:$0x1C480] =	vst v63  }
0x53: {  	_ =	swait.ge [sflag:s18], $0x5000  }
0x54: {  	[sflag:s18] =	ssyncset.done $0x0  }
0x55: {  	s9 =	rddreg [dreg:$0x9];
	[sflag:s18] =	ssyncadd.s32 $0xFFFFB000  }
0x56: {  	[tilespmem:s12], [sflag:$0x9] =	stream.linear.gather [hbm4b:s9+s2], $0x20, $0x38;
	[tilespmem:$0x1C480] =	vst v63  }
0x57: {  	_ =	swait.ge [sflag:s18], $0x20  }
0x58: {  	[sflag:s18] =	ssyncset.done $0x0  }
.Ltmp2:
0x59: {  	s20 =	rddreg [dreg:$0xa];
	[sflag:s18] =	ssyncadd.s32 $0xFFFFFFE0;
	(pc) =	sbr.rel @p0 .LBB2_5-.Ltmp2, $4  }
0x5a: {  	[tilespmem:s21], [sflag:$0x9] =	stream.linear.gather [hbm4b:s20+s2], $0x20, $0x38;
	[tilespmem:$0x1C480] =	vst v63  }
0x5b: {  	_ =	swait.ge [sflag:s18], $0x20  }
0x5c: {  	[sflag:s18] =	ssyncset.done $0x0;
	s8 =	rddreg [dreg:$0xc]  }
0x5d: {  	[sflag:s18] =	ssyncadd.s32 $0xFFFFFFE0;
	s8 =	sshrl.u32 @!p1 s8, $0x3  }
0x5e: {  	s9 =	rddreg [dreg:$0xe]  }
0x5f: {  	[spmem:s23], [sflag:s22] =	dma.local [hbm:s9], $0x1380  }
0x60: {  	_ =	swait.ge [sflag:s18], $0x1380  }
0x61: {  	[sflag:s18] =	ssyncset.done $0x0  }
0x62: {  	s9 =	rddreg [dreg:$0xf];
	[sflag:s18] =	ssyncadd.s32 $0xFFFFEC80  }
0x63: {  	[spmem:s8], [sflag:s22] =	dma.local @!p1 [hbm:s9], $0x80  }
0x64: {  	s9 =	simm.s32 @!p1 $0x9  }
0x65: {  	_ =	swait.ge @!p1 [sflag:s9], $0x80  }
0x66: {  	[sflag:s9] =	ssyncset.done @!p1 $0x0  }
0x67: {  	[sflag:s9] =	ssyncadd.s32 @!p1 $0xFFFFFF80  }
0x68: {  	s12 =	simm.s32 $0x0;
	[bflag:$0x0] =	sbarrier.arrive $0xFFFF  }
0x69: {  	[tilespmem:s25], [sflag:$0x1] =	stream.indirect.gather [hbm4b:s4+s24], $0x40, s12, s24, $0xb8;
	[tilespmem:$0x1C480] =	vst v63  }
0x6a: {  	_ = 	snop  }
0x6b: {  	[tilespmem:s26], [sflag:$0x2] =	stream.indirect.gather [hbm4b:s4+s24], $0x40, s24, s24, $0xb8;
	[tilespmem:$0x1C480] =	vst v63  }
0x6c: {  	s20 =	simm.s32 $0x100  }
0x6d: {  	[tilespmem:s29], [sflag:$0x3] =	stream.indirect.gather [hbm4b:s4+s24], $0x40, s20, s24, $0xb8;
	[tilespmem:$0x1C480] =	vst v63  }
0x6e: {  	s12 =	simm.s32 $0x180  }
0x6f: {  	[tilespmem:s31], [sflag:$0x4] =	stream.indirect.gather [hbm4b:s4+s24], $0x40, s12, s24, $0xb8;
	[tilespmem:$0x1C480] =	vst v63  }
0x70: {  	_ =	swait.ge [sflag:s0], $0x2000  }
0x71: {  	[sflag:s0] =	ssyncset.done $0x0  }
0x72: {  	s20 =	simm.s32 $0x5000;
	[sflag:s0] =	ssyncadd.s32 $0xFFFFE000  }
0x73: {  	[spmem:s1] =	stream.indirect.scatter.add.f32 [tilespmem:s25], [sflag:$0x5], $0x40, s20, s24, $0xb8;
	[tilespmem:$0x1C480] =	vst v63  }
0x74: {  	_ =	swait.ge [sflag:s3], $0x2000  }
0x75: {  	[sflag:s3] =	ssyncset.done $0x0  }
0x76: {  	s12 =	simm.s32 $0x5080;
	[sflag:s3] =	ssyncadd.s32 $0xFFFFE000  }
0x77: {  	[spmem:s1] =	stream.indirect.scatter.add.f32 [tilespmem:s26], [sflag:$0x6], $0x40, s12, s24, $0xb8;
	[tilespmem:$0x1C480] =	vst v63  }
0x78: {  	_ =	swait.ge [sflag:s19], $0x2000  }
0x79: {  	[sflag:s19] =	ssyncset.done $0x0  }
0x7a: {  	s20 =	simm.s32 $0x5100;
	[sflag:s19] =	ssyncadd.s32 $0xFFFFE000  }
0x7b: {  	[spmem:s1] =	stream.indirect.scatter.add.f32 [tilespmem:s29], [sflag:$0x7], $0x40, s20, s24, $0xb8;
	[tilespmem:$0x1C480] =	vst v63  }
0x7c: {  	_ =	swait.ge [sflag:s11], $0x2000  }
0x7d: {  	[sflag:s11] =	ssyncset.done $0x0  }
0x7e: {  	s12 =	simm.s32 $0x5180;
	[sflag:s11] =	ssyncadd.s32 $0xFFFFE000  }
0x7f: {  	[spmem:s1] =	stream.indirect.scatter.add.f32 [tilespmem:s31], [sflag:$0x8], $0x40, s12, s24, $0xb8;
	[tilespmem:$0x1C480] =	vst v63  }
0x80: {  	_ =	swait.ge [sflag:s13], $0x2000  }
0x81: {  	[sflag:s13] =	ssyncset.done $0x0  }
0x82: {  	s20 =	simm.s32 $0x200;
	[sflag:s13] =	ssyncadd.s32 $0xFFFFE000  }
0x83: {  	[tilespmem:s25], [sflag:$0x1] =	stream.indirect.gather [hbm4b:s4+s24], $0x40, s20, s24, $0xb8;
	[tilespmem:$0x1C480] =	vst v63  }
0x84: {  	_ =	swait.ge [sflag:s14], $0x2000  }
0x85: {  	[sflag:s14] =	ssyncset.done $0x0  }
0x86: {  	s12 =	simm.s32 $0x280;
	[sflag:s14] =	ssyncadd.s32 $0xFFFFE000  }
0x87: {  	[tilespmem:s26], [sflag:$0x2] =	stream.indirect.gather [hbm4b:s4+s24], $0x40, s12, s24, $0xb8;
	[tilespmem:$0x1C480] =	vst v63  }
0x88: {  	_ =	swait.ge [sflag:s15], $0x2000  }
0x89: {  	[sflag:s15] =	ssyncset.done $0x0  }
0x8a: {  	s20 =	simm.s32 $0x300;
	[sflag:s15] =	ssyncadd.s32 $0xFFFFE000  }
0x8b: {  	[tilespmem:s29], [sflag:$0x3] =	stream.indirect.gather [hbm4b:s4+s24], $0x40, s20, s24, $0xb8;
	[tilespmem:$0x1C480] =	vst v63  }
0x8c: {  	_ =	swait.ge [sflag:s28], $0x2000  }
0x8d: {  	[sflag:s28] =	ssyncset.done $0x0  }
0x8e: {  	s9 =	simm.s32 $0x800;
	s12 =	simm.s32 $0x380;
	[sflag:s28] =	ssyncadd.s32 $0xFFFFE000  }
.LBB2_3:
0x8f: {  	[tilespmem:s31], [sflag:$0x4] =	stream.indirect.gather [hbm4b:s4+s24], $0x40, s12, s24, $0xb8;
	[tilespmem:$0x1C480] =	vst v63  }
0x90: {  	s12 =	smov.u32 s9  }
0x91: {  	p2 =	seq.s32 s9, $0x12800;
	s9 =	sadd.s32 $0x800, s9;
	_ =	swait.ge [sflag:s0], $0x2000  }
0x92: {  	s12 =	sshra.s32 s12, $0x2;
	[sflag:s0] =	ssyncset.done $0x0  }
0x93: {  	s20 =	sadd.s32 $0x5000, s12;
	[sflag:s0] =	ssyncadd.s32 $0xFFFFE000  }
0x94: {  	[spmem:s1] =	stream.indirect.scatter.add.f32 [tilespmem:s25], [sflag:$0x5], $0x40, s20, s24, $0xb8;
	[tilespmem:$0x1C480] =	vst v63  }
0x95: {  	_ =	swait.ge [sflag:s3], $0x2000  }
0x96: {  	[sflag:s3] =	ssyncset.done $0x0  }
0x97: {  	s20 =	sadd.s32 $0x5080, s12;
	[sflag:s3] =	ssyncadd.s32 $0xFFFFE000  }
0x98: {  	[spmem:s1] =	stream.indirect.scatter.add.f32 [tilespmem:s26], [sflag:$0x6], $0x40, s20, s24, $0xb8;
	[tilespmem:$0x1C480] =	vst v63  }
0x99: {  	_ =	swait.ge [sflag:s19], $0x2000  }
0x9a: {  	[sflag:s19] =	ssyncset.done $0x0  }
0x9b: {  	s20 =	sadd.s32 $0x5100, s12;
	[sflag:s19] =	ssyncadd.s32 $0xFFFFE000  }
0x9c: {  	[spmem:s1] =	stream.indirect.scatter.add.f32 [tilespmem:s29], [sflag:$0x7], $0x40, s20, s24, $0xb8;
	[tilespmem:$0x1C480] =	vst v63  }
0x9d: {  	_ =	swait.ge [sflag:s11], $0x2000  }
0x9e: {  	[sflag:s11] =	ssyncset.done $0x0  }
0x9f: {  	s20 =	sadd.s32 $0x5180, s12;
	[sflag:s11] =	ssyncadd.s32 $0xFFFFE000  }
0xa0: {  	[spmem:s1] =	stream.indirect.scatter.add.f32 [tilespmem:s31], [sflag:$0x8], $0x40, s20, s24, $0xb8;
	[tilespmem:$0x1C480] =	vst v63  }
0xa1: {  	_ =	swait.ge [sflag:s13], $0x2000  }
0xa2: {  	[sflag:s13] =	ssyncset.done $0x0  }
0xa3: {  	s20 =	sadd.s32 $0x200, s12;
	[sflag:s13] =	ssyncadd.s32 $0xFFFFE000  }
0xa4: {  	[tilespmem:s25], [sflag:$0x1] =	stream.indirect.gather [hbm4b:s4+s24], $0x40, s20, s24, $0xb8;
	[tilespmem:$0x1C480] =	vst v63  }
0xa5: {  	_ =	swait.ge [sflag:s14], $0x2000  }
0xa6: {  	[sflag:s14] =	ssyncset.done $0x0  }
0xa7: {  	s20 =	sadd.s32 $0x280, s12;
	[sflag:s14] =	ssyncadd.s32 $0xFFFFE000  }
0xa8: {  	[tilespmem:s26], [sflag:$0x2] =	stream.indirect.gather [hbm4b:s4+s24], $0x40, s20, s24, $0xb8;
	[tilespmem:$0x1C480] =	vst v63  }
0xa9: {  	_ =	swait.ge [sflag:s15], $0x2000  }
0xaa: {  	[sflag:s15] =	ssyncset.done $0x0  }
.Ltmp3:
0xab: {  	s20 =	sadd.s32 $0x300, s12;
	[sflag:s15] =	ssyncadd.s32 $0xFFFFE000;
	(pc) =	sbr.rel @!p2 .LBB2_3-.Ltmp3, $4  }
0xac: {  	[tilespmem:s29], [sflag:$0x3] =	stream.indirect.gather [hbm4b:s4+s24], $0x40, s20, s24, $0xb8;
	[tilespmem:$0x1C480] =	vst v63  }
0xad: {  	_ =	swait.ge [sflag:s28], $0x2000  }
0xae: {  	[sflag:s28] =	ssyncset.done $0x0  }
0xaf: {  	s12 =	sadd.s32 $0x380, s12;
	[sflag:s28] =	ssyncadd.s32 $0xFFFFE000  }
.Ltmp4:
0xb0: {  	(pc) =	sbr.rel .LBB2_8-.Ltmp4, $3  }
0xb1: {  	_ =	sdelay $0x1  }
0xb2: {  	[tilespmem:s31], [sflag:$0x4] =	stream.indirect.gather [hbm4b:s4+s24], $0x40, s12, s24, $0xb8;
	[tilespmem:$0x1C480] =	vst v63  }
0xb3: {  	s9 =	smov.u32 s4  }
.LBB2_5:
0xb4: {  	s9 =	rddreg [dreg:$0xb]  }
0xb5: {  	[spmem:s23], [sflag:s22] =	dma.local [hbm:s9], $0x1380  }
0xb6: {  	_ =	swait.ge [sflag:s18], $0x1380  }
0xb7: {  	[sflag:s18] =	ssyncset.done $0x0  }
0xb8: {  	s9 =	rddreg [dreg:$0xd];
	[sflag:s18] =	ssyncadd.s32 $0xFFFFEC80  }
0xb9: {  	[spmem:s8], [sflag:s22] =	dma.local @!p1 [hbm:s9], $0x80  }
0xba: {  	s9 =	simm.s32 @!p1 $0x9  }
0xbb: {  	_ =	swait.ge @!p1 [sflag:s9], $0x80  }
0xbc: {  	[sflag:s9] =	ssyncset.done @!p1 $0x0  }
0xbd: {  	[sflag:s9] =	ssyncadd.s32 @!p1 $0xFFFFFF80  }
0xbe: {  	s12 =	simm.s32 $0x0;
	[bflag:$0x0] =	sbarrier.arrive $0xFFFF  }
0xbf: {  	[tilespmem:s25], [sflag:$0x1] =	stream.indirect.gather [hbm4b:s5+s24], $0x40, s12, s24, $0xb8;
	[tilespmem:$0x1C480] =	vst v63  }
0xc0: {  	_ = 	snop  }
0xc1: {  	[tilespmem:s26], [sflag:$0x2] =	stream.indirect.gather [hbm4b:s5+s24], $0x40, s24, s24, $0xb8;
	[tilespmem:$0x1C480] =	vst v63  }
0xc2: {  	s20 =	simm.s32 $0x100  }
0xc3: {  	[tilespmem:s29], [sflag:$0x3] =	stream.indirect.gather [hbm4b:s5+s24], $0x40, s20, s24, $0xb8;
	[tilespmem:$0x1C480] =	vst v63  }
0xc4: {  	s12 =	simm.s32 $0x180  }
0xc5: {  	[tilespmem:s31], [sflag:$0x4] =	stream.indirect.gather [hbm4b:s5+s24], $0x40, s12, s24, $0xb8;
	[tilespmem:$0x1C480] =	vst v63  }
0xc6: {  	_ =	swait.ge [sflag:s0], $0x2000  }
0xc7: {  	[sflag:s0] =	ssyncset.done $0x0  }
0xc8: {  	s20 =	simm.s32 $0x5000;
	[sflag:s0] =	ssyncadd.s32 $0xFFFFE000  }
0xc9: {  	[spmem:s1] =	stream.indirect.scatter.add.f32 [tilespmem:s25], [sflag:$0x5], $0x40, s20, s24, $0xb8;
	[tilespmem:$0x1C480] =	vst v63  }
0xca: {  	_ =	swait.ge [sflag:s3], $0x2000  }
0xcb: {  	[sflag:s3] =	ssyncset.done $0x0  }
0xcc: {  	s12 =	simm.s32 $0x5080;
	[sflag:s3] =	ssyncadd.s32 $0xFFFFE000  }
0xcd: {  	[spmem:s1] =	stream.indirect.scatter.add.f32 [tilespmem:s26], [sflag:$0x6], $0x40, s12, s24, $0xb8;
	[tilespmem:$0x1C480] =	vst v63  }
0xce: {  	_ =	swait.ge [sflag:s19], $0x2000  }
0xcf: {  	[sflag:s19] =	ssyncset.done $0x0  }
0xd0: {  	s20 =	simm.s32 $0x5100;
	[sflag:s19] =	ssyncadd.s32 $0xFFFFE000  }
0xd1: {  	[spmem:s1] =	stream.indirect.scatter.add.f32 [tilespmem:s29], [sflag:$0x7], $0x40, s20, s24, $0xb8;
	[tilespmem:$0x1C480] =	vst v63  }
0xd2: {  	_ =	swait.ge [sflag:s11], $0x2000  }
0xd3: {  	[sflag:s11] =	ssyncset.done $0x0  }
0xd4: {  	s12 =	simm.s32 $0x5180;
	[sflag:s11] =	ssyncadd.s32 $0xFFFFE000  }
0xd5: {  	[spmem:s1] =	stream.indirect.scatter.add.f32 [tilespmem:s31], [sflag:$0x8], $0x40, s12, s24, $0xb8;
	[tilespmem:$0x1C480] =	vst v63  }
0xd6: {  	_ =	swait.ge [sflag:s13], $0x2000  }
0xd7: {  	[sflag:s13] =	ssyncset.done $0x0  }
0xd8: {  	s20 =	simm.s32 $0x200;
	[sflag:s13] =	ssyncadd.s32 $0xFFFFE000  }
0xd9: {  	[tilespmem:s25], [sflag:$0x1] =	stream.indirect.gather [hbm4b:s5+s24], $0x40, s20, s24, $0xb8;
	[tilespmem:$0x1C480] =	vst v63  }
0xda: {  	_ =	swait.ge [sflag:s14], $0x2000  }
0xdb: {  	[sflag:s14] =	ssyncset.done $0x0  }
0xdc: {  	s12 =	simm.s32 $0x280;
	[sflag:s14] =	ssyncadd.s32 $0xFFFFE000  }
0xdd: {  	[tilespmem:s26], [sflag:$0x2] =	stream.indirect.gather [hbm4b:s5+s24], $0x40, s12, s24, $0xb8;
	[tilespmem:$0x1C480] =	vst v63  }
0xde: {  	_ =	swait.ge [sflag:s15], $0x2000  }
0xdf: {  	[sflag:s15] =	ssyncset.done $0x0  }
0xe0: {  	s20 =	simm.s32 $0x300;
	[sflag:s15] =	ssyncadd.s32 $0xFFFFE000  }
0xe1: {  	[tilespmem:s29], [sflag:$0x3] =	stream.indirect.gather [hbm4b:s5+s24], $0x40, s20, s24, $0xb8;
	[tilespmem:$0x1C480] =	vst v63  }
0xe2: {  	_ =	swait.ge [sflag:s28], $0x2000  }
0xe3: {  	[sflag:s28] =	ssyncset.done $0x0  }
0xe4: {  	s9 =	simm.s32 $0x800;
	s12 =	simm.s32 $0x380;
	[sflag:s28] =	ssyncadd.s32 $0xFFFFE000  }
.LBB2_6:
0xe5: {  	[tilespmem:s31], [sflag:$0x4] =	stream.indirect.gather [hbm4b:s5+s24], $0x40, s12, s24, $0xb8;
	[tilespmem:$0x1C480] =	vst v63  }
0xe6: {  	s12 =	smov.u32 s9  }
0xe7: {  	p2 =	sne.s32 s9, $0x12800;
	s9 =	sadd.s32 $0x800, s9;
	_ =	swait.ge [sflag:s0], $0x2000  }
0xe8: {  	s12 =	sshra.s32 s12, $0x2;
	[sflag:s0] =	ssyncset.done $0x0  }
0xe9: {  	s20 =	sadd.s32 $0x5000, s12;
	[sflag:s0] =	ssyncadd.s32 $0xFFFFE000  }
0xea: {  	[spmem:s1] =	stream.indirect.scatter.add.f32 [tilespmem:s25], [sflag:$0x5], $0x40, s20, s24, $0xb8;
	[tilespmem:$0x1C480] =	vst v63  }
0xeb: {  	_ =	swait.ge [sflag:s3], $0x2000  }
0xec: {  	[sflag:s3] =	ssyncset.done $0x0  }
0xed: {  	s20 =	sadd.s32 $0x5080, s12;
	[sflag:s3] =	ssyncadd.s32 $0xFFFFE000  }
0xee: {  	[spmem:s1] =	stream.indirect.scatter.add.f32 [tilespmem:s26], [sflag:$0x6], $0x40, s20, s24, $0xb8;
	[tilespmem:$0x1C480] =	vst v63  }
0xef: {  	_ =	swait.ge [sflag:s19], $0x2000  }
0xf0: {  	[sflag:s19] =	ssyncset.done $0x0  }
0xf1: {  	s20 =	sadd.s32 $0x5100, s12;
	[sflag:s19] =	ssyncadd.s32 $0xFFFFE000  }
0xf2: {  	[spmem:s1] =	stream.indirect.scatter.add.f32 [tilespmem:s29], [sflag:$0x7], $0x40, s20, s24, $0xb8;
	[tilespmem:$0x1C480] =	vst v63  }
0xf3: {  	_ =	swait.ge [sflag:s11], $0x2000  }
0xf4: {  	[sflag:s11] =	ssyncset.done $0x0  }
0xf5: {  	s20 =	sadd.s32 $0x5180, s12;
	[sflag:s11] =	ssyncadd.s32 $0xFFFFE000  }
0xf6: {  	[spmem:s1] =	stream.indirect.scatter.add.f32 [tilespmem:s31], [sflag:$0x8], $0x40, s20, s24, $0xb8;
	[tilespmem:$0x1C480] =	vst v63  }
0xf7: {  	_ =	swait.ge [sflag:s13], $0x2000  }
0xf8: {  	[sflag:s13] =	ssyncset.done $0x0  }
0xf9: {  	s20 =	sadd.s32 $0x200, s12;
	[sflag:s13] =	ssyncadd.s32 $0xFFFFE000  }
0xfa: {  	[tilespmem:s25], [sflag:$0x1] =	stream.indirect.gather [hbm4b:s5+s24], $0x40, s20, s24, $0xb8;
	[tilespmem:$0x1C480] =	vst v63  }
0xfb: {  	_ =	swait.ge [sflag:s14], $0x2000  }
0xfc: {  	[sflag:s14] =	ssyncset.done $0x0  }
0xfd: {  	s20 =	sadd.s32 $0x280, s12;
	[sflag:s14] =	ssyncadd.s32 $0xFFFFE000  }
0xfe: {  	[tilespmem:s26], [sflag:$0x2] =	stream.indirect.gather [hbm4b:s5+s24], $0x40, s20, s24, $0xb8;
	[tilespmem:$0x1C480] =	vst v63  }
0xff: {  	_ =	swait.ge [sflag:s15], $0x2000  }
0x100: {  	[sflag:s15] =	ssyncset.done $0x0  }
.Ltmp5:
0x101: {  	s20 =	sadd.s32 $0x300, s12;
	[sflag:s15] =	ssyncadd.s32 $0xFFFFE000;
	(pc) =	sbr.rel @p2 .LBB2_6-.Ltmp5, $4  }
0x102: {  	[tilespmem:s29], [sflag:$0x3] =	stream.indirect.gather [hbm4b:s5+s24], $0x40, s20, s24, $0xb8;
	[tilespmem:$0x1C480] =	vst v63  }
0x103: {  	_ =	swait.ge [sflag:s28], $0x2000  }
0x104: {  	[sflag:s28] =	ssyncset.done $0x0  }
0x105: {  	s12 =	sadd.s32 $0x380, s12;
	[sflag:s28] =	ssyncadd.s32 $0xFFFFE000  }
.Ltmp6:
0x106: {  	_ = 	snop;
	(pc) =	sbr.rel .LBB2_7-.Ltmp6, $1  }
0x107: {  	_ =	sdelay $0x3  }
.LBB2_9:
0x108: {  	_ =	sfence.sel $0x180000  }
0x109: {  	[bflag:$0x0] =	sbarrier.arrive $0xFFFF  }
0x10a: {  	_ =	strace $0x90000047  }
0x10b: {  	s0 =	stileid.u32;
	[bflag:$0x2] =	sbarrier.arrive $0xFFFF  }
0x10c: {  	p0 =	sne.s32 s0, $0x0;
	s0 =	rddreg [dreg:$0x6]  }
0x10d: {  	s0 =	sadd.s32 @!p0 $0x100000, s0  }
0x10e: {  	[sflag:s0] =	ssyncadd.tile.s32 @!p0 $0x1;
	_ =	shalt  }
.Lfunc_end2:
_tile_overlayer_lowered:
.L_overlay_start_2:
0x10f: {  	(tag) =	ssettag $0x2  }
0x110: {  	s0 =	rddreg [dreg:$0x0];
	s2 =	stileid.u32  }
0x111: {  	s1 =	rddreg [dreg:$0x1];
	p0 =	sne.s32 s2, $0x0  }
0x112: {  	s3 =	rddreg [dreg:$0x2];
	[bflag:$0x3] =	sbarrier.arrive $0xFFFF;
	s2 =	simm.s32 @!p0 $0x1C09  }
0x113: {  	[timem:s3], [sflag:s2] =	dma.local @!p0 [hbm:s0], s1  }
0x114: {  	s0 =	simm.s32 @!p0 $0x9  }
0x115: {  	_ =	swait.ge @!p0 [sflag:s0], s1  }
0x116: {  	s1 =	ssub.s32 @!p0 $0x0, s1;
	[sflag:s0] =	ssyncset.done @!p0 $0x0  }
0x117: {  	[sflag:s0] =	ssyncadd.s32 @!p0 s1  }
0x118: {  	[bflag:$0x3] =	sbarrier.arrive $0xFFFF  }
0x119: {  	_ =	shalt  }

// kernel: kernel.9.cloned.1.call-start
scs
__scs_entry_jumppad:
0x0: {  	(pc) =	sbr.rel $0x88, $3  }
0x1: {  	(tag) =	ssettag $0x0;
	lr =	simm.s32 $0x1  }
0x2: {  	[smem:$0x3F89] =	sst lr;
	_ =	strace $0xD0000000  }
0x3: {  	_ = 	snop  }
0x4: {  	_ = 	snop  }
0x5: {  	_ = 	snop  }
0x6: {  	_ = 	snop  }
0x7: {  	_ = 	snop  }
__scs_overlays_trampoline_lowered:
0x8: {  	[smem:$0x3F98] =	sst s0  }
0x9: {  	[smem:$0x3F99] =	sst s1  }
0xa: {  	[smem:$0x3F9A] =	sst s2  }
0xb: {  	[smem:$0x3F9B] =	sst s3  }
0xc: {  	[smem:$0x3F9C] =	sst s4  }
0xd: {  	[smem:$0x3F9D] =	sst s5  }
0xe: {  	[smem:$0x3F9E] =	sst s6  }
0xf: {  	[smem:$0x3F9F] =	sst s7  }
0x10: {  	[smem:$0x3FA0] =	sst s8  }
0x11: {  	[smem:$0x3FA1] =	sst s9;
	s0 =	simm.s32 @!p0 $0x0  }
0x12: {  	s1 =	sld [smem:$0x3F87];
	s0 =	simm.s32 @p0 $0x1  }
0x13: {  	[smem:$0x3FA2] =	sst s0;
	s0 =	simm.s32 @!p1 $0x0  }
0x14: {  	s2 =	sld [smem:$0x3F86];
	s0 =	simm.s32 @p1 $0x1  }
0x15: {  	[smem:$0x3FA3] =	sst s0;
	s0 =	simm.s32 @!p2 $0x0  }
0x16: {  	s3 =	sld [smem:$0x3FDB];
	s0 =	simm.s32 @p2 $0x1  }
0x17: {  	s4 =	simm.s32 $0x1BF5;
	[smem:$0x3FA5] =	sst s0  }
0x18: {  	s0 =	sld [smem:$0x3F88];
	_ =	swait.ge [sflag:s4], $0x0  }
0x19: {  	s7 =	sld [smem:$0x3F89]  }
0x1a: {  	s8 =	sadd.s32 $0xFFFFE003, lr  }
0x1b: {  	s9 =	sadd.s32 $0xFFFFFEF7, lr;
	s5 =	simm.s32 $0xFFFFFFFF;
	p2 =	slt.u32 s8, $0xFFFFF086  }
0x1c: {  	p1 =	slt.u32 s9, $0xF7A;
	s5 =	simm.s32 @!p2 $0x0  }
0x1d: {  	s5 =	simm.s32 @p1 $0x1;
	p0 =	seq.s32 s7, s2  }
0x1e: {  	s7 =	smul.u32 @!p0 $0xF7A, s2;
	p2 =	seq.s32 @!p0 s5, $0x0  }
0x1f: {  	s9 =	smul.u32 $0xF7A, s1;
	s8 =	simm.s32 @!p0 $0x1BF5;
	p2 =	por !p2, p0  }
0x20: {  	[sflag:s8] =	ssyncset.s32 @!p0 $0xFFFFF086;
	s6 =	sadd.s32 @!p0 s3, s7;
	s7 =	simm.s32 @!p0 $0x108  }
0x21: {  	s3 =	sadd.s32 s3, s9;
	s6 =	sadd.s32 @!p0 $0x88, s6;
	s7 =	simm.s32 @p2 $0x1082  }
0x22: {  	[simem:s7], [sflag:s8] =	dma.local @!p0 [hbm:s6], $0xF7A  }
0x23: {  	s9 =	sor.u32 $0xD0000000, s2;
	s6 =	simm.s32 $0x108;
	_ =	swait.ge @!p0 [sflag:s8], $0x0  }
0x24: {  	s3 =	sadd.s32 $0x88, s3;
	s6 =	simm.s32 @!p1 $0x1082;
	[sflag:s4] =	ssyncset.s32 $0xFFFFF086  }
0x25: {  	[simem:s6], [sflag:s4] =	dma.local [hbm:s3], $0xF7A  }
0x26: {  	[smem:$0x3F89] =	sst s1;
	(tag) =	ssettag s2;
	_ =	strace s9  }
0x27: {  	s1 =	sld [smem:$0x3F99]  }
0x28: {  	s2 =	sld [smem:$0x3F9A]  }
0x29: {  	s4 =	sld [smem:$0x3F9C]  }
0x2a: {  	p0 =	seq.s32 s5, $0x0;
	s5 =	sld [smem:$0x3F9D]  }
0x2b: {  	s6 =	sld [smem:$0x3F9E]  }
0x2c: {  	s7 =	sld [smem:$0x3F9F]  }
0x2d: {  	s3 =	simm.s32 $0x108;
	s8 =	sld [smem:$0x3FA0]  }
0x2e: {  	s3 =	simm.s32 @!p0 $0x1082;
	s9 =	sld [smem:$0x3FA1]  }
0x2f: {  	lr =	sadd.s32 s0, s3;
	s0 =	sld [smem:$0x3F98]  }
0x30: {  	s3 =	sld [smem:$0x3F9B]  }
0x31: {  	[smem:$0x3FA4] =	sst s10  }
0x32: {  	s10 =	sld [smem:$0x3FA2];
	_ =	sdelay $0x3  }
0x33: {  	p0 =	seq.s32 s10, $0x1;
	s10 =	sld [smem:$0x3FA4];
	_ =	sdelay $0x3  }
0x34: {  	[smem:$0x3FA4] =	sst s10  }
0x35: {  	s10 =	sld [smem:$0x3FA3];
	_ =	sdelay $0x3  }
0x36: {  	p1 =	seq.s32 s10, $0x1;
	s10 =	sld [smem:$0x3FA4];
	_ =	sdelay $0x3  }
0x37: {  	[smem:$0x3FA4] =	sst s10  }
0x38: {  	s10 =	sld [smem:$0x3FA5]  }
0x39: {  	_ = 	snop;
	(pc) =	sbr.ind lr, $3  }
0x3a: {  	_ = 	snop  }
0x3b: {  	_ = 	snop  }
0x3c: {  	p2 =	seq.s32 s10, $0x1;
	s10 =	sld [smem:$0x3FA4]  }
0x3d: {  	_ =	shalt  }
0x3e: {  	_ =	shalt  }
0x3f: {  	_ =	shalt  }
0x40: {  	_ =	shalt  }
0x41: {  	_ =	shalt  }
0x42: {  	_ =	shalt  }
0x43: {  	_ =	shalt  }
0x44: {  	_ =	shalt  }
0x45: {  	_ =	shalt  }
0x46: {  	_ =	shalt  }
0x47: {  	_ =	shalt  }
0x48: {  	_ =	shalt  }
0x49: {  	_ =	shalt  }
0x4a: {  	_ =	shalt  }
0x4b: {  	_ =	shalt  }
0x4c: {  	_ =	shalt  }
0x4d: {  	_ =	shalt  }
0x4e: {  	_ =	shalt  }
0x4f: {  	_ =	shalt  }
0x50: {  	_ =	shalt  }
0x51: {  	_ =	shalt  }
0x52: {  	_ =	shalt  }
0x53: {  	_ =	shalt  }
0x54: {  	_ =	shalt  }
0x55: {  	_ =	shalt  }
0x56: {  	_ =	shalt  }
0x57: {  	_ =	shalt  }
0x58: {  	_ =	shalt  }
0x59: {  	_ =	shalt  }
0x5a: {  	_ =	shalt  }
0x5b: {  	_ =	shalt  }
0x5c: {  	_ =	shalt  }
0x5d: {  	_ =	shalt  }
0x5e: {  	_ =	shalt  }
0x5f: {  	_ =	shalt  }
0x60: {  	_ =	shalt  }
0x61: {  	_ =	shalt  }
0x62: {  	_ =	shalt  }
0x63: {  	_ =	shalt  }
0x64: {  	_ =	shalt  }
0x65: {  	_ =	shalt  }
0x66: {  	_ =	shalt  }
0x67: {  	_ =	shalt  }
0x68: {  	_ =	shalt  }
0x69: {  	_ =	shalt  }
0x6a: {  	_ =	shalt  }
0x6b: {  	_ =	shalt  }
0x6c: {  	_ =	shalt  }
0x6d: {  	_ =	shalt  }
0x6e: {  	_ =	shalt  }
0x6f: {  	_ =	shalt  }
0x70: {  	_ =	shalt  }
0x71: {  	_ =	shalt  }
0x72: {  	_ =	shalt  }
0x73: {  	_ =	shalt  }
0x74: {  	_ =	shalt  }
0x75: {  	_ =	shalt  }
0x76: {  	_ =	shalt  }
0x77: {  	_ =	shalt  }
0x78: {  	_ =	shalt  }
0x79: {  	_ =	shalt  }
0x7a: {  	_ =	shalt  }
0x7b: {  	_ =	shalt  }
0x7c: {  	_ =	shalt  }
0x7d: {  	_ =	shalt  }
0x7e: {  	_ =	shalt  }
0x7f: {  	_ =	shalt  }
0x80: {  	_ =	shalt  }
0x81: {  	_ =	shalt  }
0x82: {  	_ =	shalt  }
0x83: {  	_ =	shalt  }
0x84: {  	_ =	shalt  }
0x85: {  	_ =	shalt  }
0x86: {  	_ =	shalt  }
0x87: {  	_ =	shalt  }
.Lfunc_end0:
.L_simem_size_0:
called_computation.1_lowered:
.L_overlay_start_0:
0x88: {  	s2 =	sld [smem:$0x3FD9]  }
0x89: {  	s3 =	sld [smem:$0x3FFE];
	_ =	sdelay $0x1  }
0x8a: {  	s1 =	srdreg.scid  }
0x8b: {  	s0 =	sand.u32 $0x1, s1  }
0x8c: {  	s14 =	sshll.u32 s0, $0xA;
	s2 =	sadd.s32 s3, s2  }
0x8d: {  	s2 =	sadd.s32 s2, s14  }
0x8e: {  	[smem:$0x3FB0] =	sst s2  }
0x8f: {  	_ = 	snop  }
0x90: {  	s2 =	sld [smem:$0x3FD0];
	_ =	sdelay $0x2  }
0x91: {  	s15 =	simm.s32 $0xA;
	s4 =	simm.s32 $0x10  }
0x92: {  	[smem:s4], [sflag:s15] =	dma.local [hbm:s2], $0x1  }
0x93: {  	_ =	swait.eq [sflag:s15], $0x1  }
0x94: {  	s16 =	sld [smem:$0x10]  }
0x95: {  	s17 =	sld [smem:$0x11];
	[sflag:s15] =	ssyncset.done $0x0  }
0x96: {  	s5 =	sld [smem:$0x12];
	[sflag:s15] =	ssyncadd.s32 $0xFFFFFFFF  }
0x97: {  	s18 =	sld [smem:$0x13];
	(tm) =	ssettm $0x1  }
0x98: {  	s6 =	sld [smem:$0x3FFB];
	_ =	sdelay $0x3  }
0x99: {  	_ =	strace s6  }
0x9a: {  	s6 =	sld [smem:$0x3FFC];
	_ =	sdelay $0x3  }
0x9b: {  	_ =	strace s6  }
0x9c: {  	s6 =	sld [smem:$0x3FFD];
	_ =	sdelay $0x3  }
0x9d: {  	_ =	strace s6  }
0x9e: {  	_ =	strace $0x8FFFFFFF  }
0x9f: {  	s19 =	sld [smem:$0x3FDB];
	_ =	sdelay $0x1  }
0xa0: {  	s7 =	simm.s32 $_scs_section_size  }
0xa1: {  	s8 =	simm.s32 $_size__tile_overlayer_lowered;
	s9 =	simm.s32 $_tile_overlayer_lowered  }
0xa2: {  	s22 =	simm.s32 $0x1BFF;
	s21 =	sshll.u32 s9, $0x1;
	s6 =	sadd.s32 s7, s19  }
0xa3: {  	s10 =	simm.s32 $0x0;
	s20 =	sshll.u32 s8, $0x1;
	s8 =	sadd.s32 s21, s6  }
0xa4: {  	[timem:s10], [sflag:s22] =	dma.local [hbm:s8], s20  }
0xa5: {  	_ =	swait.ge [sflag:s22], s20  }
0xa6: {  	s7 =	ssub.s32 $0x0, s20;
	[sflag:s22] =	ssyncset.done $0x0  }
0xa7: {  	[sflag:s22] =	ssyncadd.s32 s7;
	_ =	sdelay $0x1  }
0xa8: {  	s23 =	simm.s32 $0x1B8B  }
0xa9: {  	_ =	swait.ge [sflag:s23], $0x1  }
0xaa: {  	[sflag:s23] =	ssyncset.done $0x0  }
0xab: {  	s25 =	simm.s32 $0x1B8E;
	s24 =	sld [smem:$0x3FFE];
	[sflag:s23] =	ssyncadd.s32 $0xFFFFFFFF  }
0xac: {  	s26 =	simm.s32 $execute0_lowered;
	[smem:$0x3FD2] =	sst s25  }
0xad: {  	s8 =	sshll.u32 s26, $0x1;
	_ =	strace $0x80000049;
	[dreg:$0x1] =	wrdreg $0xFFFFFFFF  }
0xae: {  	s28 =	simm.s32 $_size_execute0_lowered;
	s6 =	sadd.s32 s6, s8;
	[dreg:$0x0] =	wrdreg $0x0  }
0xaf: {  	s8 =	sshll.u32 s28, $0x1;
	[dreg:$0x2] =	wrdreg s6  }
0xb0: {  	[dreg:$0x3] =	wrdreg s8  }
0xb1: {  	[dreg:$0x4] =	wrdreg $0xC0  }
0xb2: {  	_ =	task [dreg:s10], $0x5FFFF  }
0xb3: {  	[dreg:$0x1] =	wrdreg $0xFFFFFFFF  }
0xb4: {  	[dreg:$0x0] =	wrdreg $0x60  }
0xb5: {  	[dreg:$0x2] =	wrdreg s24  }
0xb6: {  	[dreg:$0x3] =	wrdreg s17  }
0xb7: {  	[dreg:$0x4] =	wrdreg s5  }
0xb8: {  	[dreg:$0x5] =	wrdreg s16  }
0xb9: {  	[dreg:$0x6] =	wrdreg s18  }
0xba: {  	[dreg:$0x7] =	wrdreg $0x128400  }
0xbb: {  	[dreg:$0x8] =	wrdreg $0x9  }
0xbc: {  	_ =	task.clear_ibuf [dreg:s10], $0x9FFFF;
	_ =	strace $0x90000049  }
0xbd: {  	s29 =	simm.s32 $0x9;
	_ =	strace $0x8000004B  }
0xbe: {  	_ =	swait.ge [sflag:s29], $0x1  }
0xbf: {  	[sflag:s29] =	ssyncadd.s32 $0xFFFFFFFF  }
0xc0: {  	_ =	strace $0x9000004B  }
0xc1: {  	_ =	sfence  }
0xc2: {  	s30 =	sld [smem:$0x0];
	_ =	sdelay $0x2  }
0xc3: {  	s31 =	sshll.u32 s1, $0xD;
	s1 =	sshrl.u32 s1, $0x2  }
0xc4: {  	s3 =	sand.u32 $0x4000, s31;
	s1 =	sadd.s32 s1, s30  }
0xc5: {  	s0 =	sor.u32 s3, s0;
	s1 =	sshll.u32 s1, $0x11  }
0xc6: {  	s0 =	sor.u32 s1, s0  }
0xc7: {  	s0 =	sadd.s32 $0x8F2B, s0  }
0xc8: {  	[sflag:s0] =	ssyncadd.remote.s32 $0x1  }
0xc9: {  	_ =	sfence.sel $0xFFFF  }
0xca: {  	[dreg:$0x0] =	wrdreg $0xFFFFFFFF;
	(pc) =	sbr.abs _section_cstart, $3  }
0xcb: {  	[dreg:$0x1] =	wrdreg $0xFFFFFFFF  }
0xcc: {  	_ =	task.clear_ibuf [dreg:s10], $0x2FFFF;
	_ =	strace $0x9FFFFFFF  }
0xcd: {  	(tm) =	ssettm $0x7FFFFFFF  }
tec
execute0_lowered:
.L_overlay_start_1:
0x0: {  	(tag) =	ssettag $0x1  }
0x1: {  	s0 =	rddreg [dreg:$0x0]  }
0x2: {  	s3 =	rddreg [dreg:$0x1]  }
0x3: {  	s6 =	rddreg [dreg:$0x2]  }
0x4: {  	s7 =	rddreg [dreg:$0x3]  }
0x5: {  	s8 =	rddreg [dreg:$0x4]  }
0x6: {  	s1 =	rddreg [dreg:$0x5]  }
0x7: {  	s2 =	simm.s32 $0x0;
	s5 =	srdreg.scid;
	s15 =	stileid.u32  }
0x8: {  	s21 =	simm.s32 $0xA020;
	s29 =	simm.s32 $0xE040;
	s31 =	simm.s32 $0x10040  }
0x9: {  	s28 =	simm.s32 $0x8;
	s30 =	simm.s32 $0x20;
	[smem:$0x7FF] =	sst s2  }
0xa: {  	s4 =	sadd.s32 $0x3000, s0;
	s9 =	sand.u32 $0x1, s5;
	s13 =	smul.u32 $0xA00, s15  }
0xb: {  	s5 =	sadd.s32 $0x16A00, s0;
	s17 =	smul.u32 $0x9C00, s15;
	s19 =	sshll.u32 s15, $0x2  }
0xc: {  	s23 =	sadd.s32 $0x9C000, s1;
	s24 =	sadd.s32 $0x2A200, s0;
	p1 =	sne.s32 s15, $0xF  }
0xd: {  	s26 =	sshll.u32 s15, $0x6;
	s15 =	simm.s32 $0x7;
	_ =	strace $0x8000004A  }
0xe: {  	s10 =	smul.u32 $0x13880, s9;
	s11 =	ssub.s32 $0x2, s9;
	[dreg:$0xc] =	wrdreg s23  }
0xf: {  	s6 =	sadd.s32 s6, s19;
	[dreg:$0xd] =	wrdreg s24;
	p0 =	sne.s32 s9, $0x0  }
0x10: {  	s24 =	simm.s32 $0x80;
	s12 =	sshrl.u32 s11, $0x1;
	s3 =	sadd.s32 s3, s13  }
0x11: {  	s18 =	sadd.s32 s7, s13;
	[dreg:$0x9] =	wrdreg s6;
	s20 =	sadd.s32 s17, s1  }
0x12: {  	s13 =	simm.s32 $0x5;
	s6 =	simm.s32 $0x12040;
	s7 =	simm.s32 $0x0  }
0x13: {  	s14 =	sadd.s32 s10, s0;
	s11 =	ssub.s32 s11, s12;
	[dreg:$0x7] =	wrdreg s3  }
0x14: {  	[dreg:$0x8] =	wrdreg s18;
	s3 =	sadd.s32 s8, s19;
	s10 =	sshrl.u32 s17, $0x3  }
0x15: {  	s0 =	sadd.s32 $0x16800, s0;
	s18 =	simm.s32 $0x9;
	s12 =	simm.s32 $0xA000  }
0x16: {  	s23 =	sshrl.u32 s20, $0x3;
	s19 =	simm.s32 $0x3;
	[dreg:$0xa] =	wrdreg s3  }
.Ltmp0:
0x17: {  	s22 =	sadd.s32 s5, s10;
	s25 =	sadd.s32 s4, s10;
	(pc) =	sbr.rel .LBB2_1-.Ltmp0, $4  }
0x18: {  	[dreg:$0xf] =	wrdreg s0;
	s16 =	sadd.s32 $0x2A400, s14;
	s17 =	smax.u32 s11, $0x1  }
0x19: {  	s0 =	simm.s32 $0x1;
	s3 =	simm.s32 $0x2;
	[dreg:$0xb] =	wrdreg s22  }
0x1a: {  	s11 =	simm.s32 $0x4;
	s14 =	simm.s32 $0x6;
	[dreg:$0xe] =	wrdreg s25  }
0x1b: {  	s22 =	sor.u32 $0x1C09, s26;
	s25 =	simm.s32 $0xA040;
	s26 =	simm.s32 $0xC040  }
.LBB2_7:
0x1c: {  	[tilespmem:s31], [sflag:$0x4] =	stream.indirect.gather [hbm4b:s5+s24], $0x40, s12, s24, $0xb8;
	[tilespmem:$0x1C480] =	vst v63  }
0x1d: {  	s9 =	smov.u32 s5  }
.LBB2_8:
0x1e: {  	_ =	swait.ge [sflag:s0], $0x2000  }
0x1f: {  	[sflag:s0] =	ssyncset.done $0x0  }
0x20: {  	s12 =	simm.s32 $0x9C00;
	[sflag:s0] =	ssyncadd.s32 $0xFFFFE000  }
0x21: {  	[spmem:s1] =	stream.indirect.scatter.add.f32 [tilespmem:s25], [sflag:$0x5], $0x40, s12, s24, $0xb8;
	[tilespmem:$0x1C480] =	vst v63  }
0x22: {  	_ =	swait.ge [sflag:s3], $0x2000  }
0x23: {  	[sflag:s3] =	ssyncset.done $0x0  }
0x24: {  	s20 =	simm.s32 $0x9C80;
	[sflag:s3] =	ssyncadd.s32 $0xFFFFE000  }
0x25: {  	[spmem:s1] =	stream.indirect.scatter.add.f32 [tilespmem:s26], [sflag:$0x6], $0x40, s20, s24, $0xb8;
	[tilespmem:$0x1C480] =	vst v63  }
0x26: {  	_ =	swait.ge [sflag:s19], $0x2000  }
0x27: {  	[sflag:s19] =	ssyncset.done $0x0  }
0x28: {  	s20 =	simm.s32 $0x9D00;
	[sflag:s19] =	ssyncadd.s32 $0xFFFFE000  }
0x29: {  	[spmem:s1] =	stream.indirect.scatter.add.f32 [tilespmem:s29], [sflag:$0x7], $0x40, s20, s24, $0xb8;
	[tilespmem:$0x1C480] =	vst v63  }
0x2a: {  	_ =	swait.ge [sflag:s11], $0x2000  }
0x2b: {  	[sflag:s11] =	ssyncset.done $0x0  }
0x2c: {  	s20 =	simm.s32 $0x9D80;
	[sflag:s11] =	ssyncadd.s32 $0xFFFFE000  }
0x2d: {  	[spmem:s1] =	stream.indirect.scatter.add.f32 [tilespmem:s31], [sflag:$0x8], $0x40, s20, s24, $0xb8;
	[tilespmem:$0x1C480] =	vst v63  }
0x2e: {  	_ =	swait.ge [sflag:s13], $0x2000  }
0x2f: {  	[sflag:s13] =	ssyncset.done $0x0  }
0x30: {  	[sflag:s13] =	ssyncadd.s32 $0xFFFFE000  }
0x31: {  	_ =	swait.ge [sflag:s14], $0x2000  }
0x32: {  	[sflag:s14] =	ssyncset.done $0x0  }
0x33: {  	[sflag:s14] =	ssyncadd.s32 $0xFFFFE000  }
0x34: {  	_ =	swait.ge [sflag:s15], $0x2000  }
0x35: {  	[sflag:s15] =	ssyncset.done $0x0  }
0x36: {  	[sflag:s15] =	ssyncadd.s32 $0xFFFFE000  }
0x37: {  	_ =	swait.ge [sflag:s28], $0x2000  }
0x38: {  	[sflag:s28] =	ssyncset.done $0x0  }
0x39: {  	s12 =	simm.s32 $0xA000;
	[sflag:s28] =	ssyncadd.s32 $0xFFFFE000  }
0x3a: {  	[tilespmem:s6], [sflag:$0x1] =	stream.indirect.gather [hbm4b:s9+s30], $0x40, s12, s30, $0xb8;
	[tilespmem:$0x1C480] =	vst v63  }
0x3b: {  	_ =	swait.ge [sflag:s0], $0x800  }
0x3c: {  	[sflag:s0] =	ssyncset.done $0x0  }
0x3d: {  	[sflag:s0] =	ssyncadd.s32 $0xFFFFF800  }
0x3e: {  	[spmem:s1] =	stream.indirect.scatter.add.f32 [tilespmem:s6], [sflag:$0x9], $0x40, s21, s30, $0xb8;
	[tilespmem:$0x1C480] =	vst v63  }
0x3f: {  	_ =	swait.ge [sflag:s18], $0x800  }
0x40: {  	[sflag:s18] =	ssyncset.done $0x0  }
0x41: {  	[sflag:s18] =	ssyncadd.s32 $0xFFFFF800  }
0x42: {  	s20 =	sadd.s32 s10, s16;
	[bflag:$0x0] =	sbarrier.arrive $0xFFFF  }
0x43: {  	[hbm:s20], [sflag:s22] =	dma.local [spmem:s23], $0x1380  }
0x44: {  	_ =	swait.ge [sflag:s18], $0x1380  }
0x45: {  	s7 =	sadd.s32 $0x1, s7;
	[sflag:s18] =	ssyncset.done $0x0  }
0x46: {  	p2 =	sne.s32 s7, s17;
	s9 =	sadd.s32 @!p1 $0x13800, s16;
	[sflag:s18] =	ssyncadd.s32 $0xFFFFEC80  }
0x47: {  	[hbm:s9], [sflag:s22] =	dma.local @!p1 [spmem:s8], $0x80  }
.Ltmp1:
0x48: {  	_ = 	snop;
	(pc) =	sbr.rel @!p2 .LBB2_9-.Ltmp1, $4  }
0x49: {  	s8 =	simm.s32 @!p1 $0x9  }
0x4a: {  	_ =	swait.ge @!p1 [sflag:s8], $0x80  }
0x4b: {  	[sflag:s8] =	ssyncset.done @!p1 $0x0  }
0x4c: {  	[sflag:s8] =	ssyncadd.s32 @!p1 $0xFFFFFF80  }
.LBB2_1:
0x4d: {  	s8 =	rddreg [dreg:$0x7]  }
0x4e: {  	[tilespmem:s2], [sflag:$0x9] =	stream.linear.gather [hbm4b:s8+s2], $0x5000, $0x38;
	[tilespmem:$0x1C480] =	vst v63  }
0x4f: {  	_ =	swait.ge [sflag:s18], $0x5000  }
0x50: {  	[sflag:s18] =	ssyncset.done $0x0  }
0x51: {  	s9 =	simm.s32 $0x5000;
	s20 =	rddreg [dreg:$0x8];
	[sflag:s18] =	ssyncadd.s32 $0xFFFFB000  }
0x52: {  	[tilespmem:s9], [sflag:$0x9] =	stream.linear.gather [hbm4b:s20+s2], $0x5000, $0x38;
	[tilespmem:$0x1C480] =	vst v63  }
0x53: {  	_ =	swait.ge [sflag:s18], $0x5000  }
0x54: {  	[sflag:s18] =	ssyncset.done $0x0  }
0x55: {  	s9 =	rddreg [dreg:$0x9];
	[sflag:s18] =	ssyncadd.s32 $0xFFFFB000  }
0x56: {  	[tilespmem:s12], [sflag:$0x9] =	stream.linear.gather [hbm4b:s9+s2], $0x20, $0x38;
	[tilespmem:$0x1C480] =	vst v63  }
0x57: {  	_ =	swait.ge [sflag:s18], $0x20  }
0x58: {  	[sflag:s18] =	ssyncset.done $0x0  }
.Ltmp2:
0x59: {  	s20 =	rddreg [dreg:$0xa];
	[sflag:s18] =	ssyncadd.s32 $0xFFFFFFE0;
	(pc) =	sbr.rel @p0 .LBB2_5-.Ltmp2, $4  }
0x5a: {  	[tilespmem:s21], [sflag:$0x9] =	stream.linear.gather [hbm4b:s20+s2], $0x20, $0x38;
	[tilespmem:$0x1C480] =	vst v63  }
0x5b: {  	_ =	swait.ge [sflag:s18], $0x20  }
0x5c: {  	[sflag:s18] =	ssyncset.done $0x0;
	s8 =	rddreg [dreg:$0xc]  }
0x5d: {  	[sflag:s18] =	ssyncadd.s32 $0xFFFFFFE0;
	s8 =	sshrl.u32 @!p1 s8, $0x3  }
0x5e: {  	s9 =	rddreg [dreg:$0xe]  }
0x5f: {  	[spmem:s23], [sflag:s22] =	dma.local [hbm:s9], $0x1380  }
0x60: {  	_ =	swait.ge [sflag:s18], $0x1380  }
0x61: {  	[sflag:s18] =	ssyncset.done $0x0  }
0x62: {  	s9 =	rddreg [dreg:$0xf];
	[sflag:s18] =	ssyncadd.s32 $0xFFFFEC80  }
0x63: {  	[spmem:s8], [sflag:s22] =	dma.local @!p1 [hbm:s9], $0x80  }
0x64: {  	s9 =	simm.s32 @!p1 $0x9  }
0x65: {  	_ =	swait.ge @!p1 [sflag:s9], $0x80  }
0x66: {  	[sflag:s9] =	ssyncset.done @!p1 $0x0  }
0x67: {  	[sflag:s9] =	ssyncadd.s32 @!p1 $0xFFFFFF80  }
0x68: {  	s12 =	simm.s32 $0x0;
	[bflag:$0x0] =	sbarrier.arrive $0xFFFF  }
0x69: {  	[tilespmem:s25], [sflag:$0x1] =	stream.indirect.gather [hbm4b:s4+s24], $0x40, s12, s24, $0xb8;
	[tilespmem:$0x1C480] =	vst v63  }
0x6a: {  	_ = 	snop  }
0x6b: {  	[tilespmem:s26], [sflag:$0x2] =	stream.indirect.gather [hbm4b:s4+s24], $0x40, s24, s24, $0xb8;
	[tilespmem:$0x1C480] =	vst v63  }
0x6c: {  	s20 =	simm.s32 $0x100  }
0x6d: {  	[tilespmem:s29], [sflag:$0x3] =	stream.indirect.gather [hbm4b:s4+s24], $0x40, s20, s24, $0xb8;
	[tilespmem:$0x1C480] =	vst v63  }
0x6e: {  	s12 =	simm.s32 $0x180  }
0x6f: {  	[tilespmem:s31], [sflag:$0x4] =	stream.indirect.gather [hbm4b:s4+s24], $0x40, s12, s24, $0xb8;
	[tilespmem:$0x1C480] =	vst v63  }
0x70: {  	_ =	swait.ge [sflag:s0], $0x2000  }
0x71: {  	[sflag:s0] =	ssyncset.done $0x0  }
0x72: {  	s20 =	simm.s32 $0x5000;
	[sflag:s0] =	ssyncadd.s32 $0xFFFFE000  }
0x73: {  	[spmem:s1] =	stream.indirect.scatter.add.f32 [tilespmem:s25], [sflag:$0x5], $0x40, s20, s24, $0xb8;
	[tilespmem:$0x1C480] =	vst v63  }
0x74: {  	_ =	swait.ge [sflag:s3], $0x2000  }
0x75: {  	[sflag:s3] =	ssyncset.done $0x0  }
0x76: {  	s12 =	simm.s32 $0x5080;
	[sflag:s3] =	ssyncadd.s32 $0xFFFFE000  }
0x77: {  	[spmem:s1] =	stream.indirect.scatter.add.f32 [tilespmem:s26], [sflag:$0x6], $0x40, s12, s24, $0xb8;
	[tilespmem:$0x1C480] =	vst v63  }
0x78: {  	_ =	swait.ge [sflag:s19], $0x2000  }
0x79: {  	[sflag:s19] =	ssyncset.done $0x0  }
0x7a: {  	s20 =	simm.s32 $0x5100;
	[sflag:s19] =	ssyncadd.s32 $0xFFFFE000  }
0x7b: {  	[spmem:s1] =	stream.indirect.scatter.add.f32 [tilespmem:s29], [sflag:$0x7], $0x40, s20, s24, $0xb8;
	[tilespmem:$0x1C480] =	vst v63  }
0x7c: {  	_ =	swait.ge [sflag:s11], $0x2000  }
0x7d: {  	[sflag:s11] =	ssyncset.done $0x0  }
0x7e: {  	s12 =	simm.s32 $0x5180;
	[sflag:s11] =	ssyncadd.s32 $0xFFFFE000  }
0x7f: {  	[spmem:s1] =	stream.indirect.scatter.add.f32 [tilespmem:s31], [sflag:$0x8], $0x40, s12, s24, $0xb8;
	[tilespmem:$0x1C480] =	vst v63  }
0x80: {  	_ =	swait.ge [sflag:s13], $0x2000  }
0x81: {  	[sflag:s13] =	ssyncset.done $0x0  }
0x82: {  	s20 =	simm.s32 $0x200;
	[sflag:s13] =	ssyncadd.s32 $0xFFFFE000  }
0x83: {  	[tilespmem:s25], [sflag:$0x1] =	stream.indirect.gather [hbm4b:s4+s24], $0x40, s20, s24, $0xb8;
	[tilespmem:$0x1C480] =	vst v63  }
0x84: {  	_ =	swait.ge [sflag:s14], $0x2000  }
0x85: {  	[sflag:s14] =	ssyncset.done $0x0  }
0x86: {  	s12 =	simm.s32 $0x280;
	[sflag:s14] =	ssyncadd.s32 $0xFFFFE000  }
0x87: {  	[tilespmem:s26], [sflag:$0x2] =	stream.indirect.gather [hbm4b:s4+s24], $0x40, s12, s24, $0xb8;
	[tilespmem:$0x1C480] =	vst v63  }
0x88: {  	_ =	swait.ge [sflag:s15], $0x2000  }
0x89: {  	[sflag:s15] =	ssyncset.done $0x0  }
0x8a: {  	s20 =	simm.s32 $0x300;
	[sflag:s15] =	ssyncadd.s32 $0xFFFFE000  }
0x8b: {  	[tilespmem:s29], [sflag:$0x3] =	stream.indirect.gather [hbm4b:s4+s24], $0x40, s20, s24, $0xb8;
	[tilespmem:$0x1C480] =	vst v63  }
0x8c: {  	_ =	swait.ge [sflag:s28], $0x2000  }
0x8d: {  	[sflag:s28] =	ssyncset.done $0x0  }
0x8e: {  	s9 =	simm.s32 $0x800;
	s12 =	simm.s32 $0x380;
	[sflag:s28] =	ssyncadd.s32 $0xFFFFE000  }
.LBB2_3:
0x8f: {  	[tilespmem:s31], [sflag:$0x4] =	stream.indirect.gather [hbm4b:s4+s24], $0x40, s12, s24, $0xb8;
	[tilespmem:$0x1C480] =	vst v63  }
0x90: {  	s12 =	smov.u32 s9  }
0x91: {  	p2 =	seq.s32 s9, $0x12800;
	s9 =	sadd.s32 $0x800, s9;
	_ =	swait.ge [sflag:s0], $0x2000  }
0x92: {  	s12 =	sshra.s32 s12, $0x2;
	[sflag:s0] =	ssyncset.done $0x0  }
0x93: {  	s20 =	sadd.s32 $0x5000, s12;
	[sflag:s0] =	ssyncadd.s32 $0xFFFFE000  }
0x94: {  	[spmem:s1] =	stream.indirect.scatter.add.f32 [tilespmem:s25], [sflag:$0x5], $0x40, s20, s24, $0xb8;
	[tilespmem:$0x1C480] =	vst v63  }
0x95: {  	_ =	swait.ge [sflag:s3], $0x2000  }
0x96: {  	[sflag:s3] =	ssyncset.done $0x0  }
0x97: {  	s20 =	sadd.s32 $0x5080, s12;
	[sflag:s3] =	ssyncadd.s32 $0xFFFFE000  }
0x98: {  	[spmem:s1] =	stream.indirect.scatter.add.f32 [tilespmem:s26], [sflag:$0x6], $0x40, s20, s24, $0xb8;
	[tilespmem:$0x1C480] =	vst v63  }
0x99: {  	_ =	swait.ge [sflag:s19], $0x2000  }
0x9a: {  	[sflag:s19] =	ssyncset.done $0x0  }
0x9b: {  	s20 =	sadd.s32 $0x5100, s12;
	[sflag:s19] =	ssyncadd.s32 $0xFFFFE000  }
0x9c: {  	[spmem:s1] =	stream.indirect.scatter.add.f32 [tilespmem:s29], [sflag:$0x7], $0x40, s20, s24, $0xb8;
	[tilespmem:$0x1C480] =	vst v63  }
0x9d: {  	_ =	swait.ge [sflag:s11], $0x2000  }
0x9e: {  	[sflag:s11] =	ssyncset.done $0x0  }
0x9f: {  	s20 =	sadd.s32 $0x5180, s12;
	[sflag:s11] =	ssyncadd.s32 $0xFFFFE000  }
0xa0: {  	[spmem:s1] =	stream.indirect.scatter.add.f32 [tilespmem:s31], [sflag:$0x8], $0x40, s20, s24, $0xb8;
	[tilespmem:$0x1C480] =	vst v63  }
0xa1: {  	_ =	swait.ge [sflag:s13], $0x2000  }
0xa2: {  	[sflag:s13] =	ssyncset.done $0x0  }
0xa3: {  	s20 =	sadd.s32 $0x200, s12;
	[sflag:s13] =	ssyncadd.s32 $0xFFFFE000  }
0xa4: {  	[tilespmem:s25], [sflag:$0x1] =	stream.indirect.gather [hbm4b:s4+s24], $0x40, s20, s24, $0xb8;
	[tilespmem:$0x1C480] =	vst v63  }
0xa5: {  	_ =	swait.ge [sflag:s14], $0x2000  }
0xa6: {  	[sflag:s14] =	ssyncset.done $0x0  }
0xa7: {  	s20 =	sadd.s32 $0x280, s12;
	[sflag:s14] =	ssyncadd.s32 $0xFFFFE000  }
0xa8: {  	[tilespmem:s26], [sflag:$0x2] =	stream.indirect.gather [hbm4b:s4+s24], $0x40, s20, s24, $0xb8;
	[tilespmem:$0x1C480] =	vst v63  }
0xa9: {  	_ =	swait.ge [sflag:s15], $0x2000  }
0xaa: {  	[sflag:s15] =	ssyncset.done $0x0  }
.Ltmp3:
0xab: {  	s20 =	sadd.s32 $0x300, s12;
	[sflag:s15] =	ssyncadd.s32 $0xFFFFE000;
	(pc) =	sbr.rel @!p2 .LBB2_3-.Ltmp3, $4  }
0xac: {  	[tilespmem:s29], [sflag:$0x3] =	stream.indirect.gather [hbm4b:s4+s24], $0x40, s20, s24, $0xb8;
	[tilespmem:$0x1C480] =	vst v63  }
0xad: {  	_ =	swait.ge [sflag:s28], $0x2000  }
0xae: {  	[sflag:s28] =	ssyncset.done $0x0  }
0xaf: {  	s12 =	sadd.s32 $0x380, s12;
	[sflag:s28] =	ssyncadd.s32 $0xFFFFE000  }
.Ltmp4:
0xb0: {  	(pc) =	sbr.rel .LBB2_8-.Ltmp4, $3  }
0xb1: {  	_ =	sdelay $0x1  }
0xb2: {  	[tilespmem:s31], [sflag:$0x4] =	stream.indirect.gather [hbm4b:s4+s24], $0x40, s12, s24, $0xb8;
	[tilespmem:$0x1C480] =	vst v63  }
0xb3: {  	s9 =	smov.u32 s4  }
.LBB2_5:
0xb4: {  	s9 =	rddreg [dreg:$0xb]  }
0xb5: {  	[spmem:s23], [sflag:s22] =	dma.local [hbm:s9], $0x1380  }
0xb6: {  	_ =	swait.ge [sflag:s18], $0x1380  }
0xb7: {  	[sflag:s18] =	ssyncset.done $0x0  }
0xb8: {  	s9 =	rddreg [dreg:$0xd];
	[sflag:s18] =	ssyncadd.s32 $0xFFFFEC80  }
0xb9: {  	[spmem:s8], [sflag:s22] =	dma.local @!p1 [hbm:s9], $0x80  }
0xba: {  	s9 =	simm.s32 @!p1 $0x9  }
0xbb: {  	_ =	swait.ge @!p1 [sflag:s9], $0x80  }
0xbc: {  	[sflag:s9] =	ssyncset.done @!p1 $0x0  }
0xbd: {  	[sflag:s9] =	ssyncadd.s32 @!p1 $0xFFFFFF80  }
0xbe: {  	s12 =	simm.s32 $0x0;
	[bflag:$0x0] =	sbarrier.arrive $0xFFFF  }
0xbf: {  	[tilespmem:s25], [sflag:$0x1] =	stream.indirect.gather [hbm4b:s5+s24], $0x40, s12, s24, $0xb8;
	[tilespmem:$0x1C480] =	vst v63  }
0xc0: {  	_ = 	snop  }
0xc1: {  	[tilespmem:s26], [sflag:$0x2] =	stream.indirect.gather [hbm4b:s5+s24], $0x40, s24, s24, $0xb8;
	[tilespmem:$0x1C480] =	vst v63  }
0xc2: {  	s20 =	simm.s32 $0x100  }
0xc3: {  	[tilespmem:s29], [sflag:$0x3] =	stream.indirect.gather [hbm4b:s5+s24], $0x40, s20, s24, $0xb8;
	[tilespmem:$0x1C480] =	vst v63  }
0xc4: {  	s12 =	simm.s32 $0x180  }
0xc5: {  	[tilespmem:s31], [sflag:$0x4] =	stream.indirect.gather [hbm4b:s5+s24], $0x40, s12, s24, $0xb8;
	[tilespmem:$0x1C480] =	vst v63  }
0xc6: {  	_ =	swait.ge [sflag:s0], $0x2000  }
0xc7: {  	[sflag:s0] =	ssyncset.done $0x0  }
0xc8: {  	s20 =	simm.s32 $0x5000;
	[sflag:s0] =	ssyncadd.s32 $0xFFFFE000  }
0xc9: {  	[spmem:s1] =	stream.indirect.scatter.add.f32 [tilespmem:s25], [sflag:$0x5], $0x40, s20, s24, $0xb8;
	[tilespmem:$0x1C480] =	vst v63  }
0xca: {  	_ =	swait.ge [sflag:s3], $0x2000  }
0xcb: {  	[sflag:s3] =	ssyncset.done $0x0  }
0xcc: {  	s12 =	simm.s32 $0x5080;
	[sflag:s3] =	ssyncadd.s32 $0xFFFFE000  }
0xcd: {  	[spmem:s1] =	stream.indirect.scatter.add.f32 [tilespmem:s26], [sflag:$0x6], $0x40, s12, s24, $0xb8;
	[tilespmem:$0x1C480] =	vst v63  }
0xce: {  	_ =	swait.ge [sflag:s19], $0x2000  }
0xcf: {  	[sflag:s19] =	ssyncset.done $0x0  }
0xd0: {  	s20 =	simm.s32 $0x5100;
	[sflag:s19] =	ssyncadd.s32 $0xFFFFE000  }
0xd1: {  	[spmem:s1] =	stream.indirect.scatter.add.f32 [tilespmem:s29], [sflag:$0x7], $0x40, s20, s24, $0xb8;
	[tilespmem:$0x1C480] =	vst v63  }
0xd2: {  	_ =	swait.ge [sflag:s11], $0x2000  }
0xd3: {  	[sflag:s11] =	ssyncset.done $0x0  }
0xd4: {  	s12 =	simm.s32 $0x5180;
	[sflag:s11] =	ssyncadd.s32 $0xFFFFE000  }
0xd5: {  	[spmem:s1] =	stream.indirect.scatter.add.f32 [tilespmem:s31], [sflag:$0x8], $0x40, s12, s24, $0xb8;
	[tilespmem:$0x1C480] =	vst v63  }
0xd6: {  	_ =	swait.ge [sflag:s13], $0x2000  }
0xd7: {  	[sflag:s13] =	ssyncset.done $0x0  }
0xd8: {  	s20 =	simm.s32 $0x200;
	[sflag:s13] =	ssyncadd.s32 $0xFFFFE000  }
0xd9: {  	[tilespmem:s25], [sflag:$0x1] =	stream.indirect.gather [hbm4b:s5+s24], $0x40, s20, s24, $0xb8;
	[tilespmem:$0x1C480] =	vst v63  }
0xda: {  	_ =	swait.ge [sflag:s14], $0x2000  }
0xdb: {  	[sflag:s14] =	ssyncset.done $0x0  }
0xdc: {  	s12 =	simm.s32 $0x280;
	[sflag:s14] =	ssyncadd.s32 $0xFFFFE000  }
0xdd: {  	[tilespmem:s26], [sflag:$0x2] =	stream.indirect.gather [hbm4b:s5+s24], $0x40, s12, s24, $0xb8;
	[tilespmem:$0x1C480] =	vst v63  }
0xde: {  	_ =	swait.ge [sflag:s15], $0x2000  }
0xdf: {  	[sflag:s15] =	ssyncset.done $0x0  }
0xe0: {  	s20 =	simm.s32 $0x300;
	[sflag:s15] =	ssyncadd.s32 $0xFFFFE000  }
0xe1: {  	[tilespmem:s29], [sflag:$0x3] =	stream.indirect.gather [hbm4b:s5+s24], $0x40, s20, s24, $0xb8;
	[tilespmem:$0x1C480] =	vst v63  }
0xe2: {  	_ =	swait.ge [sflag:s28], $0x2000  }
0xe3: {  	[sflag:s28] =	ssyncset.done $0x0  }
0xe4: {  	s9 =	simm.s32 $0x800;
	s12 =	simm.s32 $0x380;
	[sflag:s28] =	ssyncadd.s32 $0xFFFFE000  }
.LBB2_6:
0xe5: {  	[tilespmem:s31], [sflag:$0x4] =	stream.indirect.gather [hbm4b:s5+s24], $0x40, s12, s24, $0xb8;
	[tilespmem:$0x1C480] =	vst v63  }
0xe6: {  	s12 =	smov.u32 s9  }
0xe7: {  	p2 =	sne.s32 s9, $0x12800;
	s9 =	sadd.s32 $0x800, s9;
	_ =	swait.ge [sflag:s0], $0x2000  }
0xe8: {  	s12 =	sshra.s32 s12, $0x2;
	[sflag:s0] =	ssyncset.done $0x0  }
0xe9: {  	s20 =	sadd.s32 $0x5000, s12;
	[sflag:s0] =	ssyncadd.s32 $0xFFFFE000  }
0xea: {  	[spmem:s1] =	stream.indirect.scatter.add.f32 [tilespmem:s25], [sflag:$0x5], $0x40, s20, s24, $0xb8;
	[tilespmem:$0x1C480] =	vst v63  }
0xeb: {  	_ =	swait.ge [sflag:s3], $0x2000  }
0xec: {  	[sflag:s3] =	ssyncset.done $0x0  }
0xed: {  	s20 =	sadd.s32 $0x5080, s12;
	[sflag:s3] =	ssyncadd.s32 $0xFFFFE000  }
0xee: {  	[spmem:s1] =	stream.indirect.scatter.add.f32 [tilespmem:s26], [sflag:$0x6], $0x40, s20, s24, $0xb8;
	[tilespmem:$0x1C480] =	vst v63  }
0xef: {  	_ =	swait.ge [sflag:s19], $0x2000  }
0xf0: {  	[sflag:s19] =	ssyncset.done $0x0  }
0xf1: {  	s20 =	sadd.s32 $0x5100, s12;
	[sflag:s19] =	ssyncadd.s32 $0xFFFFE000  }
0xf2: {  	[spmem:s1] =	stream.indirect.scatter.add.f32 [tilespmem:s29], [sflag:$0x7], $0x40, s20, s24, $0xb8;
	[tilespmem:$0x1C480] =	vst v63  }
0xf3: {  	_ =	swait.ge [sflag:s11], $0x2000  }
0xf4: {  	[sflag:s11] =	ssyncset.done $0x0  }
0xf5: {  	s20 =	sadd.s32 $0x5180, s12;
	[sflag:s11] =	ssyncadd.s32 $0xFFFFE000  }
0xf6: {  	[spmem:s1] =	stream.indirect.scatter.add.f32 [tilespmem:s31], [sflag:$0x8], $0x40, s20, s24, $0xb8;
	[tilespmem:$0x1C480] =	vst v63  }
0xf7: {  	_ =	swait.ge [sflag:s13], $0x2000  }
0xf8: {  	[sflag:s13] =	ssyncset.done $0x0  }
0xf9: {  	s20 =	sadd.s32 $0x200, s12;
	[sflag:s13] =	ssyncadd.s32 $0xFFFFE000  }
0xfa: {  	[tilespmem:s25], [sflag:$0x1] =	stream.indirect.gather [hbm4b:s5+s24], $0x40, s20, s24, $0xb8;
	[tilespmem:$0x1C480] =	vst v63  }
0xfb: {  	_ =	swait.ge [sflag:s14], $0x2000  }
0xfc: {  	[sflag:s14] =	ssyncset.done $0x0  }
0xfd: {  	s20 =	sadd.s32 $0x280, s12;
	[sflag:s14] =	ssyncadd.s32 $0xFFFFE000  }
0xfe: {  	[tilespmem:s26], [sflag:$0x2] =	stream.indirect.gather [hbm4b:s5+s24], $0x40, s20, s24, $0xb8;
	[tilespmem:$0x1C480] =	vst v63  }
0xff: {  	_ =	swait.ge [sflag:s15], $0x2000  }
0x100: {  	[sflag:s15] =	ssyncset.done $0x0  }
.Ltmp5:
0x101: {  	s20 =	sadd.s32 $0x300, s12;
	[sflag:s15] =	ssyncadd.s32 $0xFFFFE000;
	(pc) =	sbr.rel @p2 .LBB2_6-.Ltmp5, $4  }
0x102: {  	[tilespmem:s29], [sflag:$0x3] =	stream.indirect.gather [hbm4b:s5+s24], $0x40, s20, s24, $0xb8;
	[tilespmem:$0x1C480] =	vst v63  }
0x103: {  	_ =	swait.ge [sflag:s28], $0x2000  }
0x104: {  	[sflag:s28] =	ssyncset.done $0x0  }
0x105: {  	s12 =	sadd.s32 $0x380, s12;
	[sflag:s28] =	ssyncadd.s32 $0xFFFFE000  }
.Ltmp6:
0x106: {  	_ = 	snop;
	(pc) =	sbr.rel .LBB2_7-.Ltmp6, $1  }
0x107: {  	_ =	sdelay $0x3  }
.LBB2_9:
0x108: {  	_ =	sfence.sel $0x180000  }
0x109: {  	[bflag:$0x0] =	sbarrier.arrive $0xFFFF  }
0x10a: {  	_ =	strace $0x9000004A  }
0x10b: {  	s0 =	stileid.u32;
	[bflag:$0x2] =	sbarrier.arrive $0xFFFF  }
0x10c: {  	p0 =	sne.s32 s0, $0x0;
	s0 =	rddreg [dreg:$0x6]  }
0x10d: {  	s0 =	sadd.s32 @!p0 $0x100000, s0  }
0x10e: {  	[sflag:s0] =	ssyncadd.tile.s32 @!p0 $0x1;
	_ =	shalt  }
.Lfunc_end2:
_tile_overlayer_lowered:
.L_overlay_start_2:
0x10f: {  	(tag) =	ssettag $0x2  }
0x110: {  	s0 =	rddreg [dreg:$0x0];
	s2 =	stileid.u32  }
0x111: {  	s1 =	rddreg [dreg:$0x1];
	p0 =	sne.s32 s2, $0x0  }
0x112: {  	s3 =	rddreg [dreg:$0x2];
	[bflag:$0x3] =	sbarrier.arrive $0xFFFF;
	s2 =	simm.s32 @!p0 $0x1C09  }
0x113: {  	[timem:s3], [sflag:s2] =	dma.local @!p0 [hbm:s0], s1  }
0x114: {  	s0 =	simm.s32 @!p0 $0x9  }
0x115: {  	_ =	swait.ge @!p0 [sflag:s0], s1  }
0x116: {  	s1 =	ssub.s32 @!p0 $0x0, s1;
	[sflag:s0] =	ssyncset.done @!p0 $0x0  }
0x117: {  	[sflag:s0] =	ssyncadd.s32 @!p0 s1  }
0x118: {  	[bflag:$0x3] =	sbarrier.arrive $0xFFFF  }
0x119: {  	_ =	shalt  }

</sc_bundles>
